<compile_context>
chip_gen: v7x
topology: tpu7x:2x2x1
jax: 0.10.2.dev20260603
libtpu: 0.0.44.dev20260713+nightly
codegen_flags: <defaults>
</compile_context>

<pallas_src>
import jax
import jax.numpy as jnp
from jax import lax
from jax.experimental import pallas as pl
from jax.experimental.pallas import tpu as pltpu
from jax.experimental.pallas import tpu_sc as plsc

N = 10000
D = 128
E = 320000
NEG = 0.01
L = 16
NW = 32
R = 5
CHUNK = 2560
NCHUNK = E // CHUNK
VPC = CHUNK // L
UNROLL = 4


def _sc_body(f_hbm, edge_hbm, out_hbm, f_buf, acc0, acc1, acc2,
             acc3, acc4, probe, src_bufs, dst_bufs, sem0, sem1):
    nc = 2
    wid = lax.axis_index("s") * nc + lax.axis_index("c")
    accs = [acc0, acc1, acc2, acc3, acc4]

    pltpu.sync_copy(f_hbm.at[wid], f_buf)
    for r in range(R - 1):
        pltpu.sync_copy(f_hbm.at[wid, r], accs[r])
    zeros = jnp.zeros((L,), jnp.float32)

    def zero_row4(j, carry):
        acc4[pl.ds(j * L, L)] = zeros
        return carry

    lax.fori_loop(0, N // L, zero_row4, 0)

    lane = lax.iota(jnp.int32, L)
    row_ids = [jnp.full((L,), r, jnp.int32) for r in range(R)]
    tags = [lane + u * L for u in range(UNROLL)]

    def issue(ci, sbuf, dbuf, sem):
        e0 = ci * CHUNK
        pltpu.async_copy(edge_hbm.at[0, pl.ds(e0, CHUNK)], sbuf, sem)
        pltpu.async_copy(edge_hbm.at[1, pl.ds(e0, CHUNK)], dbuf, sem)

    def drain(sbuf, dbuf, sem):
        pltpu.make_async_copy(edge_hbm.at[0, pl.ds(0, CHUNK)], sbuf,
                              sem).wait()
        pltpu.make_async_copy(edge_hbm.at[1, pl.ds(0, CHUNK)], dbuf,
                              sem).wait()

    def retry_scatter_max(d_idx, vals, active0):
        def w_cond(active):
            return jnp.any(active)

        def w_body(active):
            plsc.store_scatter(probe, [d_idx], lane, mask=active)
            back = plsc.load_gather(probe, [d_idx])
            won = jnp.logical_and(back == lane, active)
            for r in range(R):
                cur = plsc.load_gather(accs[r], [d_idx])
                plsc.store_scatter(accs[r], [d_idx],
                                   jnp.maximum(cur, vals[r]), mask=won)
            return jnp.logical_and(active, jnp.logical_not(won))

        lax.while_loop(w_cond, w_body, active0)

    def compute_chunk(p):
        def vec_body(vi, carry):
            d_idxs, valss = [], []
            for u in range(UNROLL):
                v = vi * UNROLL + u
                s_idx = src_bufs[p, pl.ds(v * L, L)]
                d_idx = dst_bufs[p, pl.ds(v * L, L)]
                vals = [plsc.load_gather(f_buf, [row_ids[r], s_idx])
                        for r in range(R - 1)]
                vals.append(
                    plsc.load_gather(f_buf, [row_ids[R - 1], s_idx])
                    - plsc.load_gather(f_buf, [row_ids[R - 1], d_idx]))
                d_idxs.append(d_idx)
                valss.append(vals)
            for u in range(UNROLL):
                plsc.store_scatter(probe, [d_idxs[u]], tags[u])
            backs = [plsc.load_gather(probe, [d_idxs[u]])
                     for u in range(UNROLL)]
            wons = [backs[u] == tags[u] for u in range(UNROLL)]
            curs = [[plsc.load_gather(accs[r], [d_idxs[u]])
                     for r in range(R)] for u in range(UNROLL)]
            for u in range(UNROLL):
                for r in range(R):
                    plsc.store_scatter(accs[r], [d_idxs[u]],
                                       jnp.maximum(curs[u][r], valss[u][r]),
                                       mask=wons[u])
            all_won = wons[0]
            for u in range(1, UNROLL):
                all_won = jnp.logical_and(all_won, wons[u])
            n_lost = plsc.all_reduce_population_count(
                jnp.logical_not(all_won))

            @pl.when(n_lost[0] > 0)
            def _():
                for u in range(UNROLL):
                    retry_scatter_max(d_idxs[u], valss[u],
                                      jnp.logical_not(wons[u]))

            return carry

        lax.fori_loop(0, VPC // UNROLL, vec_body, 0)

    issue(0, src_bufs.at[0], dst_bufs.at[0], sem0)

    def pair_body(k, carry):
        ci0 = 2 * k
        drain(src_bufs.at[0], dst_bufs.at[0], sem0)
        issue(ci0 + 1, src_bufs.at[1], dst_bufs.at[1], sem1)
        compute_chunk(0)
        drain(src_bufs.at[1], dst_bufs.at[1], sem1)
        issue(ci0 + 2, src_bufs.at[0], dst_bufs.at[0], sem0)
        compute_chunk(1)
        return carry

    lax.fori_loop(0, NCHUNK // 2, pair_body, 0)
    drain(src_bufs.at[0], dst_bufs.at[0], sem0)
    compute_chunk(0)

    def act_body(j, carry):
        for r in range(R):
            v = accs[r][pl.ds(j * L, L)]
            accs[r][pl.ds(j * L, L)] = jnp.where(v >= 0, v, NEG * v)
        return carry

    lax.fori_loop(0, N // L, act_body, 0)
    for r in range(R):
        pltpu.sync_copy(accs[r], out_hbm.at[wid, r])


def kernel(x, pos, edge_index):
    x_part = x.T.reshape(NW, 4, N)
    pos_part = jnp.concatenate(
        [pos.T, jnp.zeros((NW - 3, N), jnp.float32)], axis=0
    ).reshape(NW, 1, N)
    f_pad = jnp.concatenate([x_part, pos_part], axis=1)

    mesh = plsc.VectorSubcoreMesh(core_axis_name="c", subcore_axis_name="s",
                                  num_cores=2, num_subcores=16)
    out_pad = pl.kernel(
        _sc_body,
        out_type=jax.ShapeDtypeStruct((NW, R, N), jnp.float32),
        mesh=mesh,
        compiler_params=pltpu.CompilerParams(use_tc_tiling_on_sc=False,
                                             needs_layout_passes=False),
        scratch_types=[
            pltpu.VMEM((R, N), jnp.float32),
            pltpu.VMEM((N,), jnp.float32),
            pltpu.VMEM((N,), jnp.float32),
            pltpu.VMEM((N,), jnp.float32),
            pltpu.VMEM((N,), jnp.float32),
            pltpu.VMEM((N,), jnp.float32),
            pltpu.VMEM((N,), jnp.int32),
            pltpu.VMEM((2, CHUNK), jnp.int32),
            pltpu.VMEM((2, CHUNK), jnp.int32),
            pltpu.SemaphoreType.DMA,
            pltpu.SemaphoreType.DMA,
        ],
    )(f_pad, edge_index)

    out_rows = out_pad.reshape(NW * R, N)
    row_map = [5 * (c // 4) + c % 4 for c in range(D)] + [5 * p + 4
                                                         for p in range(3)]
    return out_rows[jnp.array(row_map), :].T

# --- scband reference (transcript-rebuilt; emitter-appended) ---
"""Pipeline reference for scband-test-point-24257975287988 (READ-ONLY COPY).

The authoritative reference and input builder live on the scoring server;
editing this copy changes nothing except your own understanding.
"""

import jax, jax.numpy as jnp
import numpy as np

N = 10000
E = 320000
D = 128
NEG_SLOPE = 0.01


def setup_inputs(seed: int = 0) -> dict:
    key = jax.random.key(seed)
    k1, k2, k3 = jax.random.split(key, 3)
    x = jax.random.normal(k1, (N, D), dtype=jnp.float32)
    pos = jax.random.normal(k2, (N, 3), dtype=jnp.float32)
    edge_index = jax.random.randint(k3, (2, E), 0, N, dtype=jnp.int32)
    return {"x": x, "pos": pos, "edge_index": edge_index}


def reference(x, pos, edge_index):
    # PointConv (PointNetConv) with local_nn=None, global_nn=None, aggr='max',
    # add_self_loops=True (PyG default), followed by LeakyReLU(0.01).
    n = x.shape[0]
    loops = jnp.arange(n, dtype=edge_index.dtype)
    src = jnp.concatenate([edge_index[0], loops])  # j (source)
    dst = jnp.concatenate([edge_index[1], loops])  # i (target)
    x_j = jnp.take(x, src, axis=0)
    rel_pos = jnp.take(pos, src, axis=0) - jnp.take(pos, dst, axis=0)
    msg = jnp.concatenate([x_j, rel_pos], axis=1)  # [E+N, D+3]
    out = jax.ops.segment_max(msg, dst, num_segments=n)
    # LeakyReLU activation
    return jnp.where(out >= 0, out, NEG_SLOPE * out)

if __name__ == "__main__":
    import jax
    _d = setup_inputs()
    print(jax.jit(kernel)(*tuple(_d.values())))

</pallas_src>

<mosaic_0001>
#map = affine_map<(d0, d1) -> (0, 0, 0)>
#map1 = affine_map<(d0, d1) -> (0, 0)>
module attributes {stable_mosaic.version = 14 : i64} {
  func.func @_sc_body(%arg0: i32, %arg1: i32, %arg2: memref<32x5x10000xf32, #tpu.memory_space<hbm>>, %arg3: memref<2x320000xi32, #tpu.memory_space<hbm>>, %arg4: memref<32x5x10000xf32, #tpu.memory_space<hbm>>, %arg5: memref<5x10000xf32, #tpu.memory_space<vmem>>, %arg6: memref<10000xf32, #tpu.memory_space<vmem>>, %arg7: memref<10000xf32, #tpu.memory_space<vmem>>, %arg8: memref<10000xf32, #tpu.memory_space<vmem>>, %arg9: memref<10000xf32, #tpu.memory_space<vmem>>, %arg10: memref<10000xf32, #tpu.memory_space<vmem>>, %arg11: memref<10000xi32, #tpu.memory_space<vmem>>, %arg12: memref<2x2560xi32, #tpu.memory_space<vmem>>, %arg13: memref<2x2560xi32, #tpu.memory_space<vmem>>, %arg14: memref<!tpu.dma_semaphore, #tpu.memory_space<semaphore_mem>>, %arg15: memref<!tpu.dma_semaphore, #tpu.memory_space<semaphore_mem>>) attributes {dimension_semantics = [#tpu.dimension_semantics<core_parallel>, #tpu.dimension_semantics<subcore_parallel>], iteration_bounds = array<i64: 2, 16>, scalar_prefetch = 0 : i64, scratch_operands = 11 : i64, tpu.core_type = #tpu.core_type<sc_vector_subcore>, window_params = [{transform_indices = #map}, {transform_indices = #map1}, {transform_indices = #map}]} {
    %mul3A = arith.constant 2 : i32
    %mul3A_0 = arith.muli %arg1, %mul3A : i32
    %add3A = arith.addi %mul3A_0, %arg0 : i32
    "tpu.region"() ({
      %run_scoped3A_109 = tpu.sem_alloc : memref<!tpu.dma_semaphore, #tpu.memory_space<semaphore_mem>>
      %dma_start3A_110 = arith.constant 0 : i32
      %dma_start3A_111 = arith.constant 0 : i32
      %dma_start3A_112 = tpu.memref_slice %arg2[%add3A, %dma_start3A_110, %dma_start3A_111] : memref<32x5x10000xf32, #tpu.memory_space<hbm>> -> memref<1x5x10000xf32, #tpu.memory_space<hbm>>
      %dma_start3A_113 = tpu.memref_squeeze %dma_start3A_112 : memref<1x5x10000xf32, #tpu.memory_space<hbm>> -> memref<5x10000xf32, #tpu.memory_space<hbm>>
      %dma_start3A_114 = arith.constant 0 : i32
      %dma_start3A_115 = arith.constant 0 : i32
      %dma_start3A_116 = tpu.memref_slice %arg2[%add3A, %dma_start3A_114, %dma_start3A_115] : memref<32x5x10000xf32, #tpu.memory_space<hbm>> -> memref<1x5x10000xf32, #tpu.memory_space<hbm>>
      %dma_start3A_117 = tpu.memref_squeeze %dma_start3A_116 : memref<1x5x10000xf32, #tpu.memory_space<hbm>> -> memref<5x10000xf32, #tpu.memory_space<hbm>>
      tpu.enqueue_dma source(%dma_start3A_117 : memref<5x10000xf32, #tpu.memory_space<hbm>>) target(%arg5 : memref<5x10000xf32, #tpu.memory_space<vmem>>) target_semaphore(%run_scoped3A_109 : memref<!tpu.dma_semaphore, #tpu.memory_space<semaphore_mem>>)
      %dma_wait3A_118 = arith.constant 0 : i32
      %dma_wait3A_119 = arith.constant 0 : i32
      %dma_wait3A_120 = tpu.memref_slice %arg2[%add3A, %dma_wait3A_118, %dma_wait3A_119] : memref<32x5x10000xf32, #tpu.memory_space<hbm>> -> memref<1x5x10000xf32, #tpu.memory_space<hbm>>
      %dma_wait3A_121 = tpu.memref_squeeze %dma_wait3A_120 : memref<1x5x10000xf32, #tpu.memory_space<hbm>> -> memref<5x10000xf32, #tpu.memory_space<hbm>>
      %dma_wait3A_122 = arith.constant 0 : i32
      %dma_wait3A_123 = arith.constant 0 : i32
      %dma_wait3A_124 = tpu.memref_slice %arg2[%add3A, %dma_wait3A_122, %dma_wait3A_123] : memref<32x5x10000xf32, #tpu.memory_space<hbm>> -> memref<1x5x10000xf32, #tpu.memory_space<hbm>>
      %dma_wait3A_125 = tpu.memref_squeeze %dma_wait3A_124 : memref<1x5x10000xf32, #tpu.memory_space<hbm>> -> memref<5x10000xf32, #tpu.memory_space<hbm>>
      tpu.wait_dma2 semaphore(%run_scoped3A_109 : memref<!tpu.dma_semaphore, #tpu.memory_space<semaphore_mem>>) src(%dma_wait3A_125 : memref<5x10000xf32, #tpu.memory_space<hbm>>) dst(%arg5 : memref<5x10000xf32, #tpu.memory_space<vmem>>)
      tpu.yield
    }) : () -> ()
    %run_scoped3A = arith.constant 0 : i32
    "tpu.region"() ({
      %run_scoped3A_109 = tpu.sem_alloc : memref<!tpu.dma_semaphore, #tpu.memory_space<semaphore_mem>>
      %dma_start3A_110 = arith.constant 0 : i32
      %dma_start3A_111 = tpu.memref_slice %arg2[%add3A, %run_scoped3A, %dma_start3A_110] : memref<32x5x10000xf32, #tpu.memory_space<hbm>> -> memref<1x1x10000xf32, #tpu.memory_space<hbm>>
      %dma_start3A_112 = tpu.memref_squeeze %dma_start3A_111 : memref<1x1x10000xf32, #tpu.memory_space<hbm>> -> memref<10000xf32, #tpu.memory_space<hbm>>
      %dma_start3A_113 = arith.constant 0 : i32
      %dma_start3A_114 = tpu.memref_slice %arg2[%add3A, %run_scoped3A, %dma_start3A_113] : memref<32x5x10000xf32, #tpu.memory_space<hbm>> -> memref<1x1x10000xf32, #tpu.memory_space<hbm>>
      %dma_start3A_115 = tpu.memref_squeeze %dma_start3A_114 : memref<1x1x10000xf32, #tpu.memory_space<hbm>> -> memref<10000xf32, #tpu.memory_space<hbm>>
      tpu.enqueue_dma source(%dma_start3A_115 : memref<10000xf32, #tpu.memory_space<hbm>>) target(%arg6 : memref<10000xf32, #tpu.memory_space<vmem>>) target_semaphore(%run_scoped3A_109 : memref<!tpu.dma_semaphore, #tpu.memory_space<semaphore_mem>>)
      %dma_wait3A_116 = arith.constant 0 : i32
      %dma_wait3A_117 = tpu.memref_slice %arg2[%add3A, %run_scoped3A, %dma_wait3A_116] : memref<32x5x10000xf32, #tpu.memory_space<hbm>> -> memref<1x1x10000xf32, #tpu.memory_space<hbm>>
      %dma_wait3A_118 = tpu.memref_squeeze %dma_wait3A_117 : memref<1x1x10000xf32, #tpu.memory_space<hbm>> -> memref<10000xf32, #tpu.memory_space<hbm>>
      %dma_wait3A_119 = arith.constant 0 : i32
      %dma_wait3A_120 = tpu.memref_slice %arg2[%add3A, %run_scoped3A, %dma_wait3A_119] : memref<32x5x10000xf32, #tpu.memory_space<hbm>> -> memref<1x1x10000xf32, #tpu.memory_space<hbm>>
      %dma_wait3A_121 = tpu.memref_squeeze %dma_wait3A_120 : memref<1x1x10000xf32, #tpu.memory_space<hbm>> -> memref<10000xf32, #tpu.memory_space<hbm>>
      tpu.wait_dma2 semaphore(%run_scoped3A_109 : memref<!tpu.dma_semaphore, #tpu.memory_space<semaphore_mem>>) src(%dma_wait3A_121 : memref<10000xf32, #tpu.memory_space<hbm>>) dst(%arg6 : memref<10000xf32, #tpu.memory_space<vmem>>)
      tpu.yield
    }) : () -> ()
    %run_scoped3A_1 = arith.constant 1 : i32
    "tpu.region"() ({
      %run_scoped3A_109 = tpu.sem_alloc : memref<!tpu.dma_semaphore, #tpu.memory_space<semaphore_mem>>
      %dma_start3A_110 = arith.constant 0 : i32
      %dma_start3A_111 = tpu.memref_slice %arg2[%add3A, %run_scoped3A_1, %dma_start3A_110] : memref<32x5x10000xf32, #tpu.memory_space<hbm>> -> memref<1x1x10000xf32, #tpu.memory_space<hbm>>
      %dma_start3A_112 = tpu.memref_squeeze %dma_start3A_111 : memref<1x1x10000xf32, #tpu.memory_space<hbm>> -> memref<10000xf32, #tpu.memory_space<hbm>>
      %dma_start3A_113 = arith.constant 0 : i32
      %dma_start3A_114 = tpu.memref_slice %arg2[%add3A, %run_scoped3A_1, %dma_start3A_113] : memref<32x5x10000xf32, #tpu.memory_space<hbm>> -> memref<1x1x10000xf32, #tpu.memory_space<hbm>>
      %dma_start3A_115 = tpu.memref_squeeze %dma_start3A_114 : memref<1x1x10000xf32, #tpu.memory_space<hbm>> -> memref<10000xf32, #tpu.memory_space<hbm>>
      tpu.enqueue_dma source(%dma_start3A_115 : memref<10000xf32, #tpu.memory_space<hbm>>) target(%arg7 : memref<10000xf32, #tpu.memory_space<vmem>>) target_semaphore(%run_scoped3A_109 : memref<!tpu.dma_semaphore, #tpu.memory_space<semaphore_mem>>)
      %dma_wait3A_116 = arith.constant 0 : i32
      %dma_wait3A_117 = tpu.memref_slice %arg2[%add3A, %run_scoped3A_1, %dma_wait3A_116] : memref<32x5x10000xf32, #tpu.memory_space<hbm>> -> memref<1x1x10000xf32, #tpu.memory_space<hbm>>
      %dma_wait3A_118 = tpu.memref_squeeze %dma_wait3A_117 : memref<1x1x10000xf32, #tpu.memory_space<hbm>> -> memref<10000xf32, #tpu.memory_space<hbm>>
      %dma_wait3A_119 = arith.constant 0 : i32
      %dma_wait3A_120 = tpu.memref_slice %arg2[%add3A, %run_scoped3A_1, %dma_wait3A_119] : memref<32x5x10000xf32, #tpu.memory_space<hbm>> -> memref<1x1x10000xf32, #tpu.memory_space<hbm>>
      %dma_wait3A_121 = tpu.memref_squeeze %dma_wait3A_120 : memref<1x1x10000xf32, #tpu.memory_space<hbm>> -> memref<10000xf32, #tpu.memory_space<hbm>>
      tpu.wait_dma2 semaphore(%run_scoped3A_109 : memref<!tpu.dma_semaphore, #tpu.memory_space<semaphore_mem>>) src(%dma_wait3A_121 : memref<10000xf32, #tpu.memory_space<hbm>>) dst(%arg7 : memref<10000xf32, #tpu.memory_space<vmem>>)
      tpu.yield
    }) : () -> ()
    %run_scoped3A_2 = arith.constant 2 : i32
    "tpu.region"() ({
      %run_scoped3A_109 = tpu.sem_alloc : memref<!tpu.dma_semaphore, #tpu.memory_space<semaphore_mem>>
      %dma_start3A_110 = arith.constant 0 : i32
      %dma_start3A_111 = tpu.memref_slice %arg2[%add3A, %run_scoped3A_2, %dma_start3A_110] : memref<32x5x10000xf32, #tpu.memory_space<hbm>> -> memref<1x1x10000xf32, #tpu.memory_space<hbm>>
      %dma_start3A_112 = tpu.memref_squeeze %dma_start3A_111 : memref<1x1x10000xf32, #tpu.memory_space<hbm>> -> memref<10000xf32, #tpu.memory_space<hbm>>
      %dma_start3A_113 = arith.constant 0 : i32
      %dma_start3A_114 = tpu.memref_slice %arg2[%add3A, %run_scoped3A_2, %dma_start3A_113] : memref<32x5x10000xf32, #tpu.memory_space<hbm>> -> memref<1x1x10000xf32, #tpu.memory_space<hbm>>
      %dma_start3A_115 = tpu.memref_squeeze %dma_start3A_114 : memref<1x1x10000xf32, #tpu.memory_space<hbm>> -> memref<10000xf32, #tpu.memory_space<hbm>>
      tpu.enqueue_dma source(%dma_start3A_115 : memref<10000xf32, #tpu.memory_space<hbm>>) target(%arg8 : memref<10000xf32, #tpu.memory_space<vmem>>) target_semaphore(%run_scoped3A_109 : memref<!tpu.dma_semaphore, #tpu.memory_space<semaphore_mem>>)
      %dma_wait3A_116 = arith.constant 0 : i32
      %dma_wait3A_117 = tpu.memref_slice %arg2[%add3A, %run_scoped3A_2, %dma_wait3A_116] : memref<32x5x10000xf32, #tpu.memory_space<hbm>> -> memref<1x1x10000xf32, #tpu.memory_space<hbm>>
      %dma_wait3A_118 = tpu.memref_squeeze %dma_wait3A_117 : memref<1x1x10000xf32, #tpu.memory_space<hbm>> -> memref<10000xf32, #tpu.memory_space<hbm>>
      %dma_wait3A_119 = arith.constant 0 : i32
      %dma_wait3A_120 = tpu.memref_slice %arg2[%add3A, %run_scoped3A_2, %dma_wait3A_119] : memref<32x5x10000xf32, #tpu.memory_space<hbm>> -> memref<1x1x10000xf32, #tpu.memory_space<hbm>>
      %dma_wait3A_121 = tpu.memref_squeeze %dma_wait3A_120 : memref<1x1x10000xf32, #tpu.memory_space<hbm>> -> memref<10000xf32, #tpu.memory_space<hbm>>
      tpu.wait_dma2 semaphore(%run_scoped3A_109 : memref<!tpu.dma_semaphore, #tpu.memory_space<semaphore_mem>>) src(%dma_wait3A_121 : memref<10000xf32, #tpu.memory_space<hbm>>) dst(%arg8 : memref<10000xf32, #tpu.memory_space<vmem>>)
      tpu.yield
    }) : () -> ()
    %run_scoped3A_3 = arith.constant 3 : i32
    "tpu.region"() ({
      %run_scoped3A_109 = tpu.sem_alloc : memref<!tpu.dma_semaphore, #tpu.memory_space<semaphore_mem>>
      %dma_start3A_110 = arith.constant 0 : i32
      %dma_start3A_111 = tpu.memref_slice %arg2[%add3A, %run_scoped3A_3, %dma_start3A_110] : memref<32x5x10000xf32, #tpu.memory_space<hbm>> -> memref<1x1x10000xf32, #tpu.memory_space<hbm>>
      %dma_start3A_112 = tpu.memref_squeeze %dma_start3A_111 : memref<1x1x10000xf32, #tpu.memory_space<hbm>> -> memref<10000xf32, #tpu.memory_space<hbm>>
      %dma_start3A_113 = arith.constant 0 : i32
      %dma_start3A_114 = tpu.memref_slice %arg2[%add3A, %run_scoped3A_3, %dma_start3A_113] : memref<32x5x10000xf32, #tpu.memory_space<hbm>> -> memref<1x1x10000xf32, #tpu.memory_space<hbm>>
      %dma_start3A_115 = tpu.memref_squeeze %dma_start3A_114 : memref<1x1x10000xf32, #tpu.memory_space<hbm>> -> memref<10000xf32, #tpu.memory_space<hbm>>
      tpu.enqueue_dma source(%dma_start3A_115 : memref<10000xf32, #tpu.memory_space<hbm>>) target(%arg9 : memref<10000xf32, #tpu.memory_space<vmem>>) target_semaphore(%run_scoped3A_109 : memref<!tpu.dma_semaphore, #tpu.memory_space<semaphore_mem>>)
      %dma_wait3A_116 = arith.constant 0 : i32
      %dma_wait3A_117 = tpu.memref_slice %arg2[%add3A, %run_scoped3A_3, %dma_wait3A_116] : memref<32x5x10000xf32, #tpu.memory_space<hbm>> -> memref<1x1x10000xf32, #tpu.memory_space<hbm>>
      %dma_wait3A_118 = tpu.memref_squeeze %dma_wait3A_117 : memref<1x1x10000xf32, #tpu.memory_space<hbm>> -> memref<10000xf32, #tpu.memory_space<hbm>>
      %dma_wait3A_119 = arith.constant 0 : i32
      %dma_wait3A_120 = tpu.memref_slice %arg2[%add3A, %run_scoped3A_3, %dma_wait3A_119] : memref<32x5x10000xf32, #tpu.memory_space<hbm>> -> memref<1x1x10000xf32, #tpu.memory_space<hbm>>
      %dma_wait3A_121 = tpu.memref_squeeze %dma_wait3A_120 : memref<1x1x10000xf32, #tpu.memory_space<hbm>> -> memref<10000xf32, #tpu.memory_space<hbm>>
      tpu.wait_dma2 semaphore(%run_scoped3A_109 : memref<!tpu.dma_semaphore, #tpu.memory_space<semaphore_mem>>) src(%dma_wait3A_121 : memref<10000xf32, #tpu.memory_space<hbm>>) dst(%arg9 : memref<10000xf32, #tpu.memory_space<vmem>>)
      tpu.yield
    }) : () -> ()
    %broadcast_in_dim3A = arith.constant 0.000000e+00 : f32
    %broadcast_in_dim3A_4 = vector.broadcast %broadcast_in_dim3A : f32 to vector<16xf32>
    %scan3A = arith.constant 0 : i32
    %scan3A_5 = arith.constant 0 : i32
    %scan3A_6 = arith.constant 625 : i32
    %scan3A_7 = arith.addi %scan3A_5, %scan3A_6 : i32
    %scan3A_8 = arith.constant 1 : i32
    scf.for %scan3A_109 = %scan3A_5 to %scan3A_7 step %scan3A_8  : i32 {
      %mul3A_110 = arith.constant 16 : i32
      %mul3A_111 = arith.muli %scan3A_109, %mul3A_110 : i32
      %swap3A = arith.index_cast %mul3A_111 : i32 to index
      %swap3A_112 = tpu.vector_load %arg10[%swap3A] {strides = array<i32>} : memref<10000xf32, #tpu.memory_space<vmem>>, vector<16xf32>,
      tpu.vector_store %arg10[%swap3A], %broadcast_in_dim3A_4 {strides = array<i32>} : memref<10000xf32, #tpu.memory_space<vmem>>, vector<16xf32>,
    }
    %scan3A_9 = arith.constant 625 : i32
    %iota3A = tpu.iota {dimensions = array<i32: 0>} : vector<16xi32>
    %broadcast_in_dim3A_10 = arith.constant 0 : i32
    %broadcast_in_dim3A_11 = vector.broadcast %broadcast_in_dim3A_10 : i32 to vector<16xi32>
    %broadcast_in_dim3A_12 = arith.constant 1 : i32
    %broadcast_in_dim3A_13 = vector.broadcast %broadcast_in_dim3A_12 : i32 to vector<16xi32>
    %broadcast_in_dim3A_14 = arith.constant 2 : i32
    %broadcast_in_dim3A_15 = vector.broadcast %broadcast_in_dim3A_14 : i32 to vector<16xi32>
    %broadcast_in_dim3A_16 = arith.constant 3 : i32
    %broadcast_in_dim3A_17 = vector.broadcast %broadcast_in_dim3A_16 : i32 to vector<16xi32>
    %broadcast_in_dim3A_18 = arith.constant 4 : i32
    %broadcast_in_dim3A_19 = vector.broadcast %broadcast_in_dim3A_18 : i32 to vector<16xi32>
    %add3A_20 = arith.constant 0 : i32
    %add3A_21 = vector.broadcast %add3A_20 : i32 to vector<16xi32>
    %add3A_22 = arith.addi %iota3A, %add3A_21 : vector<16xi32>
    %add3A_23 = arith.constant 16 : i32
    %add3A_24 = vector.broadcast %add3A_23 : i32 to vector<16xi32>
    %add3A_25 = arith.addi %iota3A, %add3A_24 : vector<16xi32>
    %add3A_26 = arith.constant 32 : i32
    %add3A_27 = vector.broadcast %add3A_26 : i32 to vector<16xi32>
    %add3A_28 = arith.addi %iota3A, %add3A_27 : vector<16xi32>
    %add3A_29 = arith.constant 48 : i32
    %add3A_30 = vector.broadcast %add3A_29 : i32 to vector<16xi32>
    %add3A_31 = arith.addi %iota3A, %add3A_30 : vector<16xi32>
    %dma_start3A = arith.constant 0 : i32
    %dma_start3A_32 = arith.constant 0 : i32
    %dma_start3A_33 = arith.constant 0 : i32
    %dma_start3A_34 = tpu.memref_slice %arg12[%dma_start3A_32, %dma_start3A_33] : memref<2x2560xi32, #tpu.memory_space<vmem>> -> memref<1x2560xi32, #tpu.memory_space<vmem>>
    %dma_start3A_35 = tpu.memref_squeeze %dma_start3A_34 : memref<1x2560xi32, #tpu.memory_space<vmem>> -> memref<2560xi32, #tpu.memory_space<vmem>>
    %dma_start3A_36 = arith.constant 0 : i32
    %dma_start3A_37 = tpu.memref_slice %arg3[%dma_start3A, %dma_start3A_36] : memref<2x320000xi32, #tpu.memory_space<hbm>> -> memref<1x2560xi32, #tpu.memory_space<hbm>>
    %dma_start3A_38 = tpu.memref_squeeze %dma_start3A_37 : memref<1x2560xi32, #tpu.memory_space<hbm>> -> memref<2560xi32, #tpu.memory_space<hbm>>
    %dma_start3A_39 = arith.constant 0 : i32
    %dma_start3A_40 = tpu.memref_slice %arg12[%dma_start3A_32, %dma_start3A_39] : memref<2x2560xi32, #tpu.memory_space<vmem>> -> memref<1x2560xi32, #tpu.memory_space<vmem>>
    %dma_start3A_41 = tpu.memref_squeeze %dma_start3A_40 : memref<1x2560xi32, #tpu.memory_space<vmem>> -> memref<2560xi32, #tpu.memory_space<vmem>>
    %dma_start3A_42 = arith.constant 0 : i32
    %dma_start3A_43 = tpu.memref_slice %arg3[%dma_start3A, %dma_start3A_42] : memref<2x320000xi32, #tpu.memory_space<hbm>> -> memref<1x2560xi32, #tpu.memory_space<hbm>>
    %dma_start3A_44 = tpu.memref_squeeze %dma_start3A_43 : memref<1x2560xi32, #tpu.memory_space<hbm>> -> memref<2560xi32, #tpu.memory_space<hbm>>
    tpu.enqueue_dma source(%dma_start3A_44 : memref<2560xi32, #tpu.memory_space<hbm>>) target(%dma_start3A_41 : memref<2560xi32, #tpu.memory_space<vmem>>) target_semaphore(%arg14 : memref<!tpu.dma_semaphore, #tpu.memory_space<semaphore_mem>>)
    %dma_start3A_45 = arith.constant 1 : i32
    %dma_start3A_46 = arith.constant 0 : i32
    %dma_start3A_47 = arith.constant 0 : i32
    %dma_start3A_48 = tpu.memref_slice %arg13[%dma_start3A_46, %dma_start3A_47] : memref<2x2560xi32, #tpu.memory_space<vmem>> -> memref<1x2560xi32, #tpu.memory_space<vmem>>
    %dma_start3A_49 = tpu.memref_squeeze %dma_start3A_48 : memref<1x2560xi32, #tpu.memory_space<vmem>> -> memref<2560xi32, #tpu.memory_space<vmem>>
    %dma_start3A_50 = arith.constant 0 : i32
    %dma_start3A_51 = tpu.memref_slice %arg3[%dma_start3A_45, %dma_start3A_50] : memref<2x320000xi32, #tpu.memory_space<hbm>> -> memref<1x2560xi32, #tpu.memory_space<hbm>>
    %dma_start3A_52 = tpu.memref_squeeze %dma_start3A_51 : memref<1x2560xi32, #tpu.memory_space<hbm>> -> memref<2560xi32, #tpu.memory_space<hbm>>
    %dma_start3A_53 = arith.constant 0 : i32
    %dma_start3A_54 = tpu.memref_slice %arg13[%dma_start3A_46, %dma_start3A_53] : memref<2x2560xi32, #tpu.memory_space<vmem>> -> memref<1x2560xi32, #tpu.memory_space<vmem>>
    %dma_start3A_55 = tpu.memref_squeeze %dma_start3A_54 : memref<1x2560xi32, #tpu.memory_space<vmem>> -> memref<2560xi32, #tpu.memory_space<vmem>>
    %dma_start3A_56 = arith.constant 0 : i32
    %dma_start3A_57 = tpu.memref_slice %arg3[%dma_start3A_45, %dma_start3A_56] : memref<2x320000xi32, #tpu.memory_space<hbm>> -> memref<1x2560xi32, #tpu.memory_space<hbm>>
    %dma_start3A_58 = tpu.memref_squeeze %dma_start3A_57 : memref<1x2560xi32, #tpu.memory_space<hbm>> -> memref<2560xi32, #tpu.memory_space<hbm>>
    tpu.enqueue_dma source(%dma_start3A_58 : memref<2560xi32, #tpu.memory_space<hbm>>) target(%dma_start3A_55 : memref<2560xi32, #tpu.memory_space<vmem>>) target_semaphore(%arg14 : memref<!tpu.dma_semaphore, #tpu.memory_space<semaphore_mem>>)
    %scan3A_59 = arith.constant 0 : i32
    %scan3A_60 = arith.constant 0 : i32
    %scan3A_61 = arith.constant 62 : i32
    %scan3A_62 = arith.addi %scan3A_60, %scan3A_61 : i32
    %scan3A_63 = arith.constant 1 : i32
    scf.for %scan3A_109 = %scan3A_60 to %scan3A_62 step %scan3A_63  : i32 {
      %mul3A_110 = arith.constant 2 : i32
      %mul3A_111 = arith.muli %mul3A_110, %scan3A_109 : i32
      %dma_wait3A_112 = arith.constant 0 : i32
      %dma_wait3A_113 = arith.constant 0 : i32
      %dma_wait3A_114 = arith.constant 0 : i32
      %dma_wait3A_115 = tpu.memref_slice %arg12[%dma_wait3A_113, %dma_wait3A_114] : memref<2x2560xi32, #tpu.memory_space<vmem>> -> memref<1x2560xi32, #tpu.memory_space<vmem>>
      %dma_wait3A_116 = tpu.memref_squeeze %dma_wait3A_115 : memref<1x2560xi32, #tpu.memory_space<vmem>> -> memref<2560xi32, #tpu.memory_space<vmem>>
      %dma_wait3A_117 = arith.constant 0 : i32
      %dma_wait3A_118 = tpu.memref_slice %arg3[%dma_wait3A_112, %dma_wait3A_117] : memref<2x320000xi32, #tpu.memory_space<hbm>> -> memref<1x2560xi32, #tpu.memory_space<hbm>>
      %dma_wait3A_119 = tpu.memref_squeeze %dma_wait3A_118 : memref<1x2560xi32, #tpu.memory_space<hbm>> -> memref<2560xi32, #tpu.memory_space<hbm>>
      %dma_wait3A_120 = arith.constant 0 : i32
      %dma_wait3A_121 = tpu.memref_slice %arg12[%dma_wait3A_113, %dma_wait3A_120] : memref<2x2560xi32, #tpu.memory_space<vmem>> -> memref<1x2560xi32, #tpu.memory_space<vmem>>
      %dma_wait3A_122 = tpu.memref_squeeze %dma_wait3A_121 : memref<1x2560xi32, #tpu.memory_space<vmem>> -> memref<2560xi32, #tpu.memory_space<vmem>>
      %dma_wait3A_123 = arith.constant 0 : i32
      %dma_wait3A_124 = tpu.memref_slice %arg3[%dma_wait3A_112, %dma_wait3A_123] : memref<2x320000xi32, #tpu.memory_space<hbm>> -> memref<1x2560xi32, #tpu.memory_space<hbm>>
      %dma_wait3A_125 = tpu.memref_squeeze %dma_wait3A_124 : memref<1x2560xi32, #tpu.memory_space<hbm>> -> memref<2560xi32, #tpu.memory_space<hbm>>
      tpu.wait_dma2 semaphore(%arg14 : memref<!tpu.dma_semaphore, #tpu.memory_space<semaphore_mem>>) src(%dma_wait3A_125 : memref<2560xi32, #tpu.memory_space<hbm>>) dst(%dma_wait3A_122 : memref<2560xi32, #tpu.memory_space<vmem>>)
      %dma_wait3A_126 = arith.constant 1 : i32
      %dma_wait3A_127 = arith.constant 0 : i32
      %dma_wait3A_128 = arith.constant 0 : i32
      %dma_wait3A_129 = tpu.memref_slice %arg13[%dma_wait3A_127, %dma_wait3A_128] : memref<2x2560xi32, #tpu.memory_space<vmem>> -> memref<1x2560xi32, #tpu.memory_space<vmem>>
      %dma_wait3A_130 = tpu.memref_squeeze %dma_wait3A_129 : memref<1x2560xi32, #tpu.memory_space<vmem>> -> memref<2560xi32, #tpu.memory_space<vmem>>
      %dma_wait3A_131 = arith.constant 0 : i32
      %dma_wait3A_132 = tpu.memref_slice %arg3[%dma_wait3A_126, %dma_wait3A_131] : memref<2x320000xi32, #tpu.memory_space<hbm>> -> memref<1x2560xi32, #tpu.memory_space<hbm>>
      %dma_wait3A_133 = tpu.memref_squeeze %dma_wait3A_132 : memref<1x2560xi32, #tpu.memory_space<hbm>> -> memref<2560xi32, #tpu.memory_space<hbm>>
      %dma_wait3A_134 = arith.constant 0 : i32
      %dma_wait3A_135 = tpu.memref_slice %arg13[%dma_wait3A_127, %dma_wait3A_134] : memref<2x2560xi32, #tpu.memory_space<vmem>> -> memref<1x2560xi32, #tpu.memory_space<vmem>>
      %dma_wait3A_136 = tpu.memref_squeeze %dma_wait3A_135 : memref<1x2560xi32, #tpu.memory_space<vmem>> -> memref<2560xi32, #tpu.memory_space<vmem>>
      %dma_wait3A_137 = arith.constant 0 : i32
      %dma_wait3A_138 = tpu.memref_slice %arg3[%dma_wait3A_126, %dma_wait3A_137] : memref<2x320000xi32, #tpu.memory_space<hbm>> -> memref<1x2560xi32, #tpu.memory_space<hbm>>
      %dma_wait3A_139 = tpu.memref_squeeze %dma_wait3A_138 : memref<1x2560xi32, #tpu.memory_space<hbm>> -> memref<2560xi32, #tpu.memory_space<hbm>>
      tpu.wait_dma2 semaphore(%arg14 : memref<!tpu.dma_semaphore, #tpu.memory_space<semaphore_mem>>) src(%dma_wait3A_139 : memref<2560xi32, #tpu.memory_space<hbm>>) dst(%dma_wait3A_136 : memref<2560xi32, #tpu.memory_space<vmem>>)
      %add3A_140 = arith.constant 1 : i32
      %add3A_141 = arith.addi %mul3A_111, %add3A_140 : i32
      %mul3A_142 = arith.constant 2560 : i32
      %mul3A_143 = arith.muli %add3A_141, %mul3A_142 : i32
      %dma_start3A_144 = arith.constant 0 : i32
      %dma_start3A_145 = arith.constant 1 : i32
      %dma_start3A_146 = arith.constant 0 : i32
      %dma_start3A_147 = tpu.memref_slice %arg12[%dma_start3A_145, %dma_start3A_146] : memref<2x2560xi32, #tpu.memory_space<vmem>> -> memref<1x2560xi32, #tpu.memory_space<vmem>>
      %dma_start3A_148 = tpu.memref_squeeze %dma_start3A_147 : memref<1x2560xi32, #tpu.memory_space<vmem>> -> memref<2560xi32, #tpu.memory_space<vmem>>
      %dma_start3A_149 = tpu.memref_slice %arg3[%dma_start3A_144, %mul3A_143] : memref<2x320000xi32, #tpu.memory_space<hbm>> -> memref<1x2560xi32, #tpu.memory_space<hbm>>
      %dma_start3A_150 = tpu.memref_squeeze %dma_start3A_149 : memref<1x2560xi32, #tpu.memory_space<hbm>> -> memref<2560xi32, #tpu.memory_space<hbm>>
      %dma_start3A_151 = arith.constant 0 : i32
      %dma_start3A_152 = tpu.memref_slice %arg12[%dma_start3A_145, %dma_start3A_151] : memref<2x2560xi32, #tpu.memory_space<vmem>> -> memref<1x2560xi32, #tpu.memory_space<vmem>>
      %dma_start3A_153 = tpu.memref_squeeze %dma_start3A_152 : memref<1x2560xi32, #tpu.memory_space<vmem>> -> memref<2560xi32, #tpu.memory_space<vmem>>
      %dma_start3A_154 = tpu.memref_slice %arg3[%dma_start3A_144, %mul3A_143] : memref<2x320000xi32, #tpu.memory_space<hbm>> -> memref<1x2560xi32, #tpu.memory_space<hbm>>
      %dma_start3A_155 = tpu.memref_squeeze %dma_start3A_154 : memref<1x2560xi32, #tpu.memory_space<hbm>> -> memref<2560xi32, #tpu.memory_space<hbm>>
      tpu.enqueue_dma source(%dma_start3A_155 : memref<2560xi32, #tpu.memory_space<hbm>>) target(%dma_start3A_153 : memref<2560xi32, #tpu.memory_space<vmem>>) target_semaphore(%arg15 : memref<!tpu.dma_semaphore, #tpu.memory_space<semaphore_mem>>)
      %dma_start3A_156 = arith.constant 1 : i32
      %dma_start3A_157 = arith.constant 1 : i32
      %dma_start3A_158 = arith.constant 0 : i32
      %dma_start3A_159 = tpu.memref_slice %arg13[%dma_start3A_157, %dma_start3A_158] : memref<2x2560xi32, #tpu.memory_space<vmem>> -> memref<1x2560xi32, #tpu.memory_space<vmem>>
      %dma_start3A_160 = tpu.memref_squeeze %dma_start3A_159 : memref<1x2560xi32, #tpu.memory_space<vmem>> -> memref<2560xi32, #tpu.memory_space<vmem>>
      %dma_start3A_161 = tpu.memref_slice %arg3[%dma_start3A_156, %mul3A_143] : memref<2x320000xi32, #tpu.memory_space<hbm>> -> memref<1x2560xi32, #tpu.memory_space<hbm>>
      %dma_start3A_162 = tpu.memref_squeeze %dma_start3A_161 : memref<1x2560xi32, #tpu.memory_space<hbm>> -> memref<2560xi32, #tpu.memory_space<hbm>>
      %dma_start3A_163 = arith.constant 0 : i32
      %dma_start3A_164 = tpu.memref_slice %arg13[%dma_start3A_157, %dma_start3A_163] : memref<2x2560xi32, #tpu.memory_space<vmem>> -> memref<1x2560xi32, #tpu.memory_space<vmem>>
      %dma_start3A_165 = tpu.memref_squeeze %dma_start3A_164 : memref<1x2560xi32, #tpu.memory_space<vmem>> -> memref<2560xi32, #tpu.memory_space<vmem>>
      %dma_start3A_166 = tpu.memref_slice %arg3[%dma_start3A_156, %mul3A_143] : memref<2x320000xi32, #tpu.memory_space<hbm>> -> memref<1x2560xi32, #tpu.memory_space<hbm>>
      %dma_start3A_167 = tpu.memref_squeeze %dma_start3A_166 : memref<1x2560xi32, #tpu.memory_space<hbm>> -> memref<2560xi32, #tpu.memory_space<hbm>>
      tpu.enqueue_dma source(%dma_start3A_167 : memref<2560xi32, #tpu.memory_space<hbm>>) target(%dma_start3A_165 : memref<2560xi32, #tpu.memory_space<vmem>>) target_semaphore(%arg15 : memref<!tpu.dma_semaphore, #tpu.memory_space<semaphore_mem>>)
      %scan3A_168 = arith.constant 0 : i32
      %scan3A_169 = arith.constant 0 : i32
      %scan3A_170 = arith.constant 40 : i32
      %scan3A_171 = arith.addi %scan3A_169, %scan3A_170 : i32
      %scan3A_172 = arith.constant 1 : i32
      scf.for %scan3A_236 = %scan3A_169 to %scan3A_171 step %scan3A_172  : i32 {
        %mul3A_237 = arith.constant 4 : i32
        %mul3A_238 = arith.muli %scan3A_236, %mul3A_237 : i32
        %add3A_239 = arith.constant 0 : i32
        %add3A_240 = arith.addi %mul3A_238, %add3A_239 : i32
        %mul3A_241 = arith.constant 16 : i32
        %mul3A_242 = arith.muli %add3A_240, %mul3A_241 : i32
        %get3A = arith.constant 0 : i32
        %get3A_243 = arith.index_cast %get3A : i32 to index
        %get3A_244 = arith.index_cast %mul3A_242 : i32 to index
        %get3A_245 = tpu.vector_load %arg12[%get3A_243, %get3A_244] {strides = array<i32>} : memref<2x2560xi32, #tpu.memory_space<vmem>>, vector<16xi32>,
        %mul3A_246 = arith.constant 16 : i32
        %mul3A_247 = arith.muli %add3A_240, %mul3A_246 : i32
        %get3A_248 = arith.constant 0 : i32
        %get3A_249 = arith.index_cast %get3A_248 : i32 to index
        %get3A_250 = arith.index_cast %mul3A_247 : i32 to index
        %get3A_251 = tpu.vector_load %arg13[%get3A_249, %get3A_250] {strides = array<i32>} : memref<2x2560xi32, #tpu.memory_space<vmem>>, vector<16xi32>,
        %gather3A = tpu.vector_load_idx %arg5[%broadcast_in_dim3A_11, %get3A_245] : memref<5x10000xf32, #tpu.memory_space<vmem>>[vector<16xi32>, vector<16xi32>], vector<16xf32>,
        %gather3A_252 = tpu.vector_load_idx %arg5[%broadcast_in_dim3A_13, %get3A_245] : memref<5x10000xf32, #tpu.memory_space<vmem>>[vector<16xi32>, vector<16xi32>], vector<16xf32>,
        %gather3A_253 = tpu.vector_load_idx %arg5[%broadcast_in_dim3A_15, %get3A_245] : memref<5x10000xf32, #tpu.memory_space<vmem>>[vector<16xi32>, vector<16xi32>], vector<16xf32>,
        %gather3A_254 = tpu.vector_load_idx %arg5[%broadcast_in_dim3A_17, %get3A_245] : memref<5x10000xf32, #tpu.memory_space<vmem>>[vector<16xi32>, vector<16xi32>], vector<16xf32>,
        %gather3A_255 = tpu.vector_load_idx %arg5[%broadcast_in_dim3A_19, %get3A_245] : memref<5x10000xf32, #tpu.memory_space<vmem>>[vector<16xi32>, vector<16xi32>], vector<16xf32>,
        %gather3A_256 = tpu.vector_load_idx %arg5[%broadcast_in_dim3A_19, %get3A_251] : memref<5x10000xf32, #tpu.memory_space<vmem>>[vector<16xi32>, vector<16xi32>], vector<16xf32>,
        %sub3A = arith.subf %gather3A_255, %gather3A_256 : vector<16xf32>
        %mul3A_257 = arith.constant 4 : i32
        %mul3A_258 = arith.muli %scan3A_236, %mul3A_257 : i32
        %add3A_259 = arith.constant 1 : i32
        %add3A_260 = arith.addi %mul3A_258, %add3A_259 : i32
        %mul3A_261 = arith.constant 16 : i32
        %mul3A_262 = arith.muli %add3A_260, %mul3A_261 : i32
        %get3A_263 = arith.constant 0 : i32
        %get3A_264 = arith.index_cast %get3A_263 : i32 to index
        %get3A_265 = arith.index_cast %mul3A_262 : i32 to index
        %get3A_266 = tpu.vector_load %arg12[%get3A_264, %get3A_265] {strides = array<i32>} : memref<2x2560xi32, #tpu.memory_space<vmem>>, vector<16xi32>,
        %mul3A_267 = arith.constant 16 : i32
        %mul3A_268 = arith.muli %add3A_260, %mul3A_267 : i32
        %get3A_269 = arith.constant 0 : i32
        %get3A_270 = arith.index_cast %get3A_269 : i32 to index
        %get3A_271 = arith.index_cast %mul3A_268 : i32 to index
        %get3A_272 = tpu.vector_load %arg13[%get3A_270, %get3A_271] {strides = array<i32>} : memref<2x2560xi32, #tpu.memory_space<vmem>>, vector<16xi32>,
        %gather3A_273 = tpu.vector_load_idx %arg5[%broadcast_in_dim3A_11, %get3A_266] : memref<5x10000xf32, #tpu.memory_space<vmem>>[vector<16xi32>, vector<16xi32>], vector<16xf32>,
        %gather3A_274 = tpu.vector_load_idx %arg5[%broadcast_in_dim3A_13, %get3A_266] : memref<5x10000xf32, #tpu.memory_space<vmem>>[vector<16xi32>, vector<16xi32>], vector<16xf32>,
        %gather3A_275 = tpu.vector_load_idx %arg5[%broadcast_in_dim3A_15, %get3A_266] : memref<5x10000xf32, #tpu.memory_space<vmem>>[vector<16xi32>, vector<16xi32>], vector<16xf32>,
        %gather3A_276 = tpu.vector_load_idx %arg5[%broadcast_in_dim3A_17, %get3A_266] : memref<5x10000xf32, #tpu.memory_space<vmem>>[vector<16xi32>, vector<16xi32>], vector<16xf32>,
        %gather3A_277 = tpu.vector_load_idx %arg5[%broadcast_in_dim3A_19, %get3A_266] : memref<5x10000xf32, #tpu.memory_space<vmem>>[vector<16xi32>, vector<16xi32>], vector<16xf32>,
        %gather3A_278 = tpu.vector_load_idx %arg5[%broadcast_in_dim3A_19, %get3A_272] : memref<5x10000xf32, #tpu.memory_space<vmem>>[vector<16xi32>, vector<16xi32>], vector<16xf32>,
        %sub3A_279 = arith.subf %gather3A_277, %gather3A_278 : vector<16xf32>
        %mul3A_280 = arith.constant 4 : i32
        %mul3A_281 = arith.muli %scan3A_236, %mul3A_280 : i32
        %add3A_282 = arith.constant 2 : i32
        %add3A_283 = arith.addi %mul3A_281, %add3A_282 : i32
        %mul3A_284 = arith.constant 16 : i32
        %mul3A_285 = arith.muli %add3A_283, %mul3A_284 : i32
        %get3A_286 = arith.constant 0 : i32
        %get3A_287 = arith.index_cast %get3A_286 : i32 to index
        %get3A_288 = arith.index_cast %mul3A_285 : i32 to index
        %get3A_289 = tpu.vector_load %arg12[%get3A_287, %get3A_288] {strides = array<i32>} : memref<2x2560xi32, #tpu.memory_space<vmem>>, vector<16xi32>,
        %mul3A_290 = arith.constant 16 : i32
        %mul3A_291 = arith.muli %add3A_283, %mul3A_290 : i32
        %get3A_292 = arith.constant 0 : i32
        %get3A_293 = arith.index_cast %get3A_292 : i32 to index
        %get3A_294 = arith.index_cast %mul3A_291 : i32 to index
        %get3A_295 = tpu.vector_load %arg13[%get3A_293, %get3A_294] {strides = array<i32>} : memref<2x2560xi32, #tpu.memory_space<vmem>>, vector<16xi32>,
        %gather3A_296 = tpu.vector_load_idx %arg5[%broadcast_in_dim3A_11, %get3A_289] : memref<5x10000xf32, #tpu.memory_space<vmem>>[vector<16xi32>, vector<16xi32>], vector<16xf32>,
        %gather3A_297 = tpu.vector_load_idx %arg5[%broadcast_in_dim3A_13, %get3A_289] : memref<5x10000xf32, #tpu.memory_space<vmem>>[vector<16xi32>, vector<16xi32>], vector<16xf32>,
        %gather3A_298 = tpu.vector_load_idx %arg5[%broadcast_in_dim3A_15, %get3A_289] : memref<5x10000xf32, #tpu.memory_space<vmem>>[vector<16xi32>, vector<16xi32>], vector<16xf32>,
        %gather3A_299 = tpu.vector_load_idx %arg5[%broadcast_in_dim3A_17, %get3A_289] : memref<5x10000xf32, #tpu.memory_space<vmem>>[vector<16xi32>, vector<16xi32>], vector<16xf32>,
        %gather3A_300 = tpu.vector_load_idx %arg5[%broadcast_in_dim3A_19, %get3A_289] : memref<5x10000xf32, #tpu.memory_space<vmem>>[vector<16xi32>, vector<16xi32>], vector<16xf32>,
        %gather3A_301 = tpu.vector_load_idx %arg5[%broadcast_in_dim3A_19, %get3A_295] : memref<5x10000xf32, #tpu.memory_space<vmem>>[vector<16xi32>, vector<16xi32>], vector<16xf32>,
        %sub3A_302 = arith.subf %gather3A_300, %gather3A_301 : vector<16xf32>
        %mul3A_303 = arith.constant 4 : i32
        %mul3A_304 = arith.muli %scan3A_236, %mul3A_303 : i32
        %add3A_305 = arith.constant 3 : i32
        %add3A_306 = arith.addi %mul3A_304, %add3A_305 : i32
        %mul3A_307 = arith.constant 16 : i32
        %mul3A_308 = arith.muli %add3A_306, %mul3A_307 : i32
        %get3A_309 = arith.constant 0 : i32
        %get3A_310 = arith.index_cast %get3A_309 : i32 to index
        %get3A_311 = arith.index_cast %mul3A_308 : i32 to index
        %get3A_312 = tpu.vector_load %arg12[%get3A_310, %get3A_311] {strides = array<i32>} : memref<2x2560xi32, #tpu.memory_space<vmem>>, vector<16xi32>,
        %mul3A_313 = arith.constant 16 : i32
        %mul3A_314 = arith.muli %add3A_306, %mul3A_313 : i32
        %get3A_315 = arith.constant 0 : i32
        %get3A_316 = arith.index_cast %get3A_315 : i32 to index
        %get3A_317 = arith.index_cast %mul3A_314 : i32 to index
        %get3A_318 = tpu.vector_load %arg13[%get3A_316, %get3A_317] {strides = array<i32>} : memref<2x2560xi32, #tpu.memory_space<vmem>>, vector<16xi32>,
        %gather3A_319 = tpu.vector_load_idx %arg5[%broadcast_in_dim3A_11, %get3A_312] : memref<5x10000xf32, #tpu.memory_space<vmem>>[vector<16xi32>, vector<16xi32>], vector<16xf32>,
        %gather3A_320 = tpu.vector_load_idx %arg5[%broadcast_in_dim3A_13, %get3A_312] : memref<5x10000xf32, #tpu.memory_space<vmem>>[vector<16xi32>, vector<16xi32>], vector<16xf32>,
        %gather3A_321 = tpu.vector_load_idx %arg5[%broadcast_in_dim3A_15, %get3A_312] : memref<5x10000xf32, #tpu.memory_space<vmem>>[vector<16xi32>, vector<16xi32>], vector<16xf32>,
        %gather3A_322 = tpu.vector_load_idx %arg5[%broadcast_in_dim3A_17, %get3A_312] : memref<5x10000xf32, #tpu.memory_space<vmem>>[vector<16xi32>, vector<16xi32>], vector<16xf32>,
        %gather3A_323 = tpu.vector_load_idx %arg5[%broadcast_in_dim3A_19, %get3A_312] : memref<5x10000xf32, #tpu.memory_space<vmem>>[vector<16xi32>, vector<16xi32>], vector<16xf32>,
        %gather3A_324 = tpu.vector_load_idx %arg5[%broadcast_in_dim3A_19, %get3A_318] : memref<5x10000xf32, #tpu.memory_space<vmem>>[vector<16xi32>, vector<16xi32>], vector<16xf32>,
        %sub3A_325 = arith.subf %gather3A_323, %gather3A_324 : vector<16xf32>
        tpu.vector_store_idx %arg11[%get3A_251], %add3A_22 : memref<10000xi32, #tpu.memory_space<vmem>>[vector<16xi32>], vector<16xi32>,
        tpu.vector_store_idx %arg11[%get3A_272], %add3A_25 : memref<10000xi32, #tpu.memory_space<vmem>>[vector<16xi32>], vector<16xi32>,
        tpu.vector_store_idx %arg11[%get3A_295], %add3A_28 : memref<10000xi32, #tpu.memory_space<vmem>>[vector<16xi32>], vector<16xi32>,
        tpu.vector_store_idx %arg11[%get3A_318], %add3A_31 : memref<10000xi32, #tpu.memory_space<vmem>>[vector<16xi32>], vector<16xi32>,
        %gather3A_326 = tpu.vector_load_idx %arg11[%get3A_251] : memref<10000xi32, #tpu.memory_space<vmem>>[vector<16xi32>], vector<16xi32>,
        %gather3A_327 = tpu.vector_load_idx %arg11[%get3A_272] : memref<10000xi32, #tpu.memory_space<vmem>>[vector<16xi32>], vector<16xi32>,
        %gather3A_328 = tpu.vector_load_idx %arg11[%get3A_295] : memref<10000xi32, #tpu.memory_space<vmem>>[vector<16xi32>], vector<16xi32>,
        %gather3A_329 = tpu.vector_load_idx %arg11[%get3A_318] : memref<10000xi32, #tpu.memory_space<vmem>>[vector<16xi32>], vector<16xi32>,
        %eq3A = arith.cmpi eq, %gather3A_326, %add3A_22 : vector<16xi32>
        %eq3A_330 = arith.cmpi eq, %gather3A_327, %add3A_25 : vector<16xi32>
        %eq3A_331 = arith.cmpi eq, %gather3A_328, %add3A_28 : vector<16xi32>
        %eq3A_332 = arith.cmpi eq, %gather3A_329, %add3A_31 : vector<16xi32>
        %gather3A_333 = tpu.vector_load_idx %arg6[%get3A_251] : memref<10000xf32, #tpu.memory_space<vmem>>[vector<16xi32>], vector<16xf32>,
        %gather3A_334 = tpu.vector_load_idx %arg7[%get3A_251] : memref<10000xf32, #tpu.memory_space<vmem>>[vector<16xi32>], vector<16xf32>,
        %gather3A_335 = tpu.vector_load_idx %arg8[%get3A_251] : memref<10000xf32, #tpu.memory_space<vmem>>[vector<16xi32>], vector<16xf32>,
        %gather3A_336 = tpu.vector_load_idx %arg9[%get3A_251] : memref<10000xf32, #tpu.memory_space<vmem>>[vector<16xi32>], vector<16xf32>,
        %gather3A_337 = tpu.vector_load_idx %arg10[%get3A_251] : memref<10000xf32, #tpu.memory_space<vmem>>[vector<16xi32>], vector<16xf32>,
        %gather3A_338 = tpu.vector_load_idx %arg6[%get3A_272] : memref<10000xf32, #tpu.memory_space<vmem>>[vector<16xi32>], vector<16xf32>,
        %gather3A_339 = tpu.vector_load_idx %arg7[%get3A_272] : memref<10000xf32, #tpu.memory_space<vmem>>[vector<16xi32>], vector<16xf32>,
        %gather3A_340 = tpu.vector_load_idx %arg8[%get3A_272] : memref<10000xf32, #tpu.memory_space<vmem>>[vector<16xi32>], vector<16xf32>,
        %gather3A_341 = tpu.vector_load_idx %arg9[%get3A_272] : memref<10000xf32, #tpu.memory_space<vmem>>[vector<16xi32>], vector<16xf32>,
        %gather3A_342 = tpu.vector_load_idx %arg10[%get3A_272] : memref<10000xf32, #tpu.memory_space<vmem>>[vector<16xi32>], vector<16xf32>,
        %gather3A_343 = tpu.vector_load_idx %arg6[%get3A_295] : memref<10000xf32, #tpu.memory_space<vmem>>[vector<16xi32>], vector<16xf32>,
        %gather3A_344 = tpu.vector_load_idx %arg7[%get3A_295] : memref<10000xf32, #tpu.memory_space<vmem>>[vector<16xi32>], vector<16xf32>,
        %gather3A_345 = tpu.vector_load_idx %arg8[%get3A_295] : memref<10000xf32, #tpu.memory_space<vmem>>[vector<16xi32>], vector<16xf32>,
        %gather3A_346 = tpu.vector_load_idx %arg9[%get3A_295] : memref<10000xf32, #tpu.memory_space<vmem>>[vector<16xi32>], vector<16xf32>,
        %gather3A_347 = tpu.vector_load_idx %arg10[%get3A_295] : memref<10000xf32, #tpu.memory_space<vmem>>[vector<16xi32>], vector<16xf32>,
        %gather3A_348 = tpu.vector_load_idx %arg6[%get3A_318] : memref<10000xf32, #tpu.memory_space<vmem>>[vector<16xi32>], vector<16xf32>,
        %gather3A_349 = tpu.vector_load_idx %arg7[%get3A_318] : memref<10000xf32, #tpu.memory_space<vmem>>[vector<16xi32>], vector<16xf32>,
        %gather3A_350 = tpu.vector_load_idx %arg8[%get3A_318] : memref<10000xf32, #tpu.memory_space<vmem>>[vector<16xi32>], vector<16xf32>,
        %gather3A_351 = tpu.vector_load_idx %arg9[%get3A_318] : memref<10000xf32, #tpu.memory_space<vmem>>[vector<16xi32>], vector<16xf32>,
        %gather3A_352 = tpu.vector_load_idx %arg10[%get3A_318] : memref<10000xf32, #tpu.memory_space<vmem>>[vector<16xi32>], vector<16xf32>,
        %max3A = arith.maximumf %gather3A_333, %gather3A : vector<16xf32>
        tpu.vector_store_idx %arg6[%get3A_251], %max3A masked %eq3A : memref<10000xf32, #tpu.memory_space<vmem>>[vector<16xi32>], vector<16xf32>, vector<16xi1>
        %max3A_353 = arith.maximumf %gather3A_334, %gather3A_252 : vector<16xf32>
        tpu.vector_store_idx %arg7[%get3A_251], %max3A_353 masked %eq3A : memref<10000xf32, #tpu.memory_space<vmem>>[vector<16xi32>], vector<16xf32>, vector<16xi1>
        %max3A_354 = arith.maximumf %gather3A_335, %gather3A_253 : vector<16xf32>
        tpu.vector_store_idx %arg8[%get3A_251], %max3A_354 masked %eq3A : memref<10000xf32, #tpu.memory_space<vmem>>[vector<16xi32>], vector<16xf32>, vector<16xi1>
        %max3A_355 = arith.maximumf %gather3A_336, %gather3A_254 : vector<16xf32>
        tpu.vector_store_idx %arg9[%get3A_251], %max3A_355 masked %eq3A : memref<10000xf32, #tpu.memory_space<vmem>>[vector<16xi32>], vector<16xf32>, vector<16xi1>
        %max3A_356 = arith.maximumf %gather3A_337, %sub3A : vector<16xf32>
        tpu.vector_store_idx %arg10[%get3A_251], %max3A_356 masked %eq3A : memref<10000xf32, #tpu.memory_space<vmem>>[vector<16xi32>], vector<16xf32>, vector<16xi1>
        %max3A_357 = arith.maximumf %gather3A_338, %gather3A_273 : vector<16xf32>
        tpu.vector_store_idx %arg6[%get3A_272], %max3A_357 masked %eq3A_330 : memref<10000xf32, #tpu.memory_space<vmem>>[vector<16xi32>], vector<16xf32>, vector<16xi1>
        %max3A_358 = arith.maximumf %gather3A_339, %gather3A_274 : vector<16xf32>
        tpu.vector_store_idx %arg7[%get3A_272], %max3A_358 masked %eq3A_330 : memref<10000xf32, #tpu.memory_space<vmem>>[vector<16xi32>], vector<16xf32>, vector<16xi1>
        %max3A_359 = arith.maximumf %gather3A_340, %gather3A_275 : vector<16xf32>
        tpu.vector_store_idx %arg8[%get3A_272], %max3A_359 masked %eq3A_330 : memref<10000xf32, #tpu.memory_space<vmem>>[vector<16xi32>], vector<16xf32>, vector<16xi1>
        %max3A_360 = arith.maximumf %gather3A_341, %gather3A_276 : vector<16xf32>
        tpu.vector_store_idx %arg9[%get3A_272], %max3A_360 masked %eq3A_330 : memref<10000xf32, #tpu.memory_space<vmem>>[vector<16xi32>], vector<16xf32>, vector<16xi1>
        %max3A_361 = arith.maximumf %gather3A_342, %sub3A_279 : vector<16xf32>
        tpu.vector_store_idx %arg10[%get3A_272], %max3A_361 masked %eq3A_330 : memref<10000xf32, #tpu.memory_space<vmem>>[vector<16xi32>], vector<16xf32>, vector<16xi1>
        %max3A_362 = arith.maximumf %gather3A_343, %gather3A_296 : vector<16xf32>
        tpu.vector_store_idx %arg6[%get3A_295], %max3A_362 masked %eq3A_331 : memref<10000xf32, #tpu.memory_space<vmem>>[vector<16xi32>], vector<16xf32>, vector<16xi1>
        %max3A_363 = arith.maximumf %gather3A_344, %gather3A_297 : vector<16xf32>
        tpu.vector_store_idx %arg7[%get3A_295], %max3A_363 masked %eq3A_331 : memref<10000xf32, #tpu.memory_space<vmem>>[vector<16xi32>], vector<16xf32>, vector<16xi1>
        %max3A_364 = arith.maximumf %gather3A_345, %gather3A_298 : vector<16xf32>
        tpu.vector_store_idx %arg8[%get3A_295], %max3A_364 masked %eq3A_331 : memref<10000xf32, #tpu.memory_space<vmem>>[vector<16xi32>], vector<16xf32>, vector<16xi1>
        %max3A_365 = arith.maximumf %gather3A_346, %gather3A_299 : vector<16xf32>
        tpu.vector_store_idx %arg9[%get3A_295], %max3A_365 masked %eq3A_331 : memref<10000xf32, #tpu.memory_space<vmem>>[vector<16xi32>], vector<16xf32>, vector<16xi1>
        %max3A_366 = arith.maximumf %gather3A_347, %sub3A_302 : vector<16xf32>
        tpu.vector_store_idx %arg10[%get3A_295], %max3A_366 masked %eq3A_331 : memref<10000xf32, #tpu.memory_space<vmem>>[vector<16xi32>], vector<16xf32>, vector<16xi1>
        %max3A_367 = arith.maximumf %gather3A_348, %gather3A_319 : vector<16xf32>
        tpu.vector_store_idx %arg6[%get3A_318], %max3A_367 masked %eq3A_332 : memref<10000xf32, #tpu.memory_space<vmem>>[vector<16xi32>], vector<16xf32>, vector<16xi1>
        %max3A_368 = arith.maximumf %gather3A_349, %gather3A_320 : vector<16xf32>
        tpu.vector_store_idx %arg7[%get3A_318], %max3A_368 masked %eq3A_332 : memref<10000xf32, #tpu.memory_space<vmem>>[vector<16xi32>], vector<16xf32>, vector<16xi1>
        %max3A_369 = arith.maximumf %gather3A_350, %gather3A_321 : vector<16xf32>
        tpu.vector_store_idx %arg8[%get3A_318], %max3A_369 masked %eq3A_332 : memref<10000xf32, #tpu.memory_space<vmem>>[vector<16xi32>], vector<16xf32>, vector<16xi1>
        %max3A_370 = arith.maximumf %gather3A_351, %gather3A_322 : vector<16xf32>
        tpu.vector_store_idx %arg9[%get3A_318], %max3A_370 masked %eq3A_332 : memref<10000xf32, #tpu.memory_space<vmem>>[vector<16xi32>], vector<16xf32>, vector<16xi1>
        %max3A_371 = arith.maximumf %gather3A_352, %sub3A_325 : vector<16xf32>
        tpu.vector_store_idx %arg10[%get3A_318], %max3A_371 masked %eq3A_332 : memref<10000xf32, #tpu.memory_space<vmem>>[vector<16xi32>], vector<16xf32>, vector<16xi1>
        %and3A = arith.andi %eq3A, %eq3A_330 : vector<16xi1>
        %and3A_372 = arith.andi %and3A, %eq3A_331 : vector<16xi1>
        %and3A_373 = arith.andi %and3A_372, %eq3A_332 : vector<16xi1>
        %not3A = arith.constant dense<true> : vector<16xi1>
        %not3A_374 = arith.xori %and3A_373, %not3A : vector<16xi1>
        %all_reduce_population_count3A = tpu.all_reduce %not3A_374 {dim = 0 : i64, kind = #tpu.reduction_kind<sum>} : vector<16xi1> -> vector<16xi32>
        %slice3A = vector.extract_strided_slice %all_reduce_population_count3A {offsets = [0], sizes = [1], strides = [1]} : vector<16xi32> to vector<1xi32>
        %squeeze3A = vector.extract %slice3A[0] : i32 from vector<1xi32>
        %gt3A = arith.constant 0 : i32
        %gt3A_375 = arith.cmpi sgt, %squeeze3A, %gt3A : i32
        %convert_element_type3A = arith.extui %gt3A_375 : i1 to i32
        %cond3A = arith.constant 0 : i32
        %cond3A_376 = arith.cmpi ne, %convert_element_type3A, %cond3A : i32
        scf.if %cond3A_376 {
          %not3A_377 = arith.constant dense<true> : vector<16xi1>
          %not3A_378 = arith.xori %eq3A, %not3A_377 : vector<16xi1>
          %while3A = scf.while (%while3A_388 = %not3A_378) : (vector<16xi1>) -> vector<16xi1> {
            %reduce_or3A = arith.constant 1.000000e+00 : f32
            %reduce_or3A_389 = arith.constant 0.000000e+00 : f32
            %reduce_or3A_390 = vector.broadcast %reduce_or3A : f32 to vector<16xf32>
            %reduce_or3A_391 = vector.broadcast %reduce_or3A_389 : f32 to vector<16xf32>
            %reduce_or3A_392 = arith.select %while3A_388, %reduce_or3A_390, %reduce_or3A_391 : vector<16xi1>, vector<16xf32>
            %reduce_or3A_393 = arith.constant true
            %reduce_or3A_394 = vector.broadcast %reduce_or3A_393 : i1 to vector<16xi1>
            %reduce_or3A_395 = tpu.scan <max>, %reduce_or3A_392 masked %reduce_or3A_394 : vector<16xf32>, vector<16xi1> -> vector<16xf32>
            %reduce_or3A_396 = vector.extract %reduce_or3A_395[15] : f32 from vector<16xf32>
            %reduce_or3A_397 = arith.constant 0.000000e+00 : f32
            %reduce_or3A_398 = arith.cmpf ogt, %reduce_or3A_396, %reduce_or3A_397 : f32
            scf.condition(%reduce_or3A_398) %while3A_388 : vector<16xi1>
          } do {
          ^bb0(%while3A_388: vector<16xi1>):
            tpu.vector_store_idx %arg11[%get3A_251], %iota3A masked %while3A_388 : memref<10000xi32, #tpu.memory_space<vmem>>[vector<16xi32>], vector<16xi32>, vector<16xi1>
            %gather3A_389 = tpu.vector_load_idx %arg11[%get3A_251] : memref<10000xi32, #tpu.memory_space<vmem>>[vector<16xi32>], vector<16xi32>,
            %eq3A_390 = arith.cmpi eq, %gather3A_389, %iota3A : vector<16xi32>
            %and3A_391 = arith.andi %eq3A_390, %while3A_388 : vector<16xi1>
            %gather3A_392 = tpu.vector_load_idx %arg6[%get3A_251] : memref<10000xf32, #tpu.memory_space<vmem>>[vector<16xi32>], vector<16xf32>,
            %max3A_393 = arith.maximumf %gather3A_392, %gather3A : vector<16xf32>
            tpu.vector_store_idx %arg6[%get3A_251], %max3A_393 masked %and3A_391 : memref<10000xf32, #tpu.memory_space<vmem>>[vector<16xi32>], vector<16xf32>, vector<16xi1>
            %gather3A_394 = tpu.vector_load_idx %arg7[%get3A_251] : memref<10000xf32, #tpu.memory_space<vmem>>[vector<16xi32>], vector<16xf32>,
            %max3A_395 = arith.maximumf %gather3A_394, %gather3A_252 : vector<16xf32>
            tpu.vector_store_idx %arg7[%get3A_251], %max3A_395 masked %and3A_391 : memref<10000xf32, #tpu.memory_space<vmem>>[vector<16xi32>], vector<16xf32>, vector<16xi1>
            %gather3A_396 = tpu.vector_load_idx %arg8[%get3A_251] : memref<10000xf32, #tpu.memory_space<vmem>>[vector<16xi32>], vector<16xf32>,
            %max3A_397 = arith.maximumf %gather3A_396, %gather3A_253 : vector<16xf32>
            tpu.vector_store_idx %arg8[%get3A_251], %max3A_397 masked %and3A_391 : memref<10000xf32, #tpu.memory_space<vmem>>[vector<16xi32>], vector<16xf32>, vector<16xi1>
            %gather3A_398 = tpu.vector_load_idx %arg9[%get3A_251] : memref<10000xf32, #tpu.memory_space<vmem>>[vector<16xi32>], vector<16xf32>,
            %max3A_399 = arith.maximumf %gather3A_398, %gather3A_254 : vector<16xf32>
            tpu.vector_store_idx %arg9[%get3A_251], %max3A_399 masked %and3A_391 : memref<10000xf32, #tpu.memory_space<vmem>>[vector<16xi32>], vector<16xf32>, vector<16xi1>
            %gather3A_400 = tpu.vector_load_idx %arg10[%get3A_251] : memref<10000xf32, #tpu.memory_space<vmem>>[vector<16xi32>], vector<16xf32>,
            %max3A_401 = arith.maximumf %gather3A_400, %sub3A : vector<16xf32>
            tpu.vector_store_idx %arg10[%get3A_251], %max3A_401 masked %and3A_391 : memref<10000xf32, #tpu.memory_space<vmem>>[vector<16xi32>], vector<16xf32>, vector<16xi1>
            %not3A_402 = arith.constant dense<true> : vector<16xi1>
            %not3A_403 = arith.xori %and3A_391, %not3A_402 : vector<16xi1>
            %and3A_404 = arith.andi %while3A_388, %not3A_403 : vector<16xi1>
            scf.yield %and3A_404 : vector<16xi1>
          }
          %not3A_379 = arith.constant dense<true> : vector<16xi1>
          %not3A_380 = arith.xori %eq3A_330, %not3A_379 : vector<16xi1>
          %while3A_381 = scf.while (%while3A_388 = %not3A_380) : (vector<16xi1>) -> vector<16xi1> {
            %reduce_or3A = arith.constant 1.000000e+00 : f32
            %reduce_or3A_389 = arith.constant 0.000000e+00 : f32
            %reduce_or3A_390 = vector.broadcast %reduce_or3A : f32 to vector<16xf32>
            %reduce_or3A_391 = vector.broadcast %reduce_or3A_389 : f32 to vector<16xf32>
            %reduce_or3A_392 = arith.select %while3A_388, %reduce_or3A_390, %reduce_or3A_391 : vector<16xi1>, vector<16xf32>
            %reduce_or3A_393 = arith.constant true
            %reduce_or3A_394 = vector.broadcast %reduce_or3A_393 : i1 to vector<16xi1>
            %reduce_or3A_395 = tpu.scan <max>, %reduce_or3A_392 masked %reduce_or3A_394 : vector<16xf32>, vector<16xi1> -> vector<16xf32>
            %reduce_or3A_396 = vector.extract %reduce_or3A_395[15] : f32 from vector<16xf32>
            %reduce_or3A_397 = arith.constant 0.000000e+00 : f32
            %reduce_or3A_398 = arith.cmpf ogt, %reduce_or3A_396, %reduce_or3A_397 : f32
            scf.condition(%reduce_or3A_398) %while3A_388 : vector<16xi1>
          } do {
          ^bb0(%while3A_388: vector<16xi1>):
            tpu.vector_store_idx %arg11[%get3A_272], %iota3A masked %while3A_388 : memref<10000xi32, #tpu.memory_space<vmem>>[vector<16xi32>], vector<16xi32>, vector<16xi1>
            %gather3A_389 = tpu.vector_load_idx %arg11[%get3A_272] : memref<10000xi32, #tpu.memory_space<vmem>>[vector<16xi32>], vector<16xi32>,
            %eq3A_390 = arith.cmpi eq, %gather3A_389, %iota3A : vector<16xi32>
            %and3A_391 = arith.andi %eq3A_390, %while3A_388 : vector<16xi1>
            %gather3A_392 = tpu.vector_load_idx %arg6[%get3A_272] : memref<10000xf32, #tpu.memory_space<vmem>>[vector<16xi32>], vector<16xf32>,
            %max3A_393 = arith.maximumf %gather3A_392, %gather3A_273 : vector<16xf32>
            tpu.vector_store_idx %arg6[%get3A_272], %max3A_393 masked %and3A_391 : memref<10000xf32, #tpu.memory_space<vmem>>[vector<16xi32>], vector<16xf32>, vector<16xi1>
            %gather3A_394 = tpu.vector_load_idx %arg7[%get3A_272] : memref<10000xf32, #tpu.memory_space<vmem>>[vector<16xi32>], vector<16xf32>,
            %max3A_395 = arith.maximumf %gather3A_394, %gather3A_274 : vector<16xf32>
            tpu.vector_store_idx %arg7[%get3A_272], %max3A_395 masked %and3A_391 : memref<10000xf32, #tpu.memory_space<vmem>>[vector<16xi32>], vector<16xf32>, vector<16xi1>
            %gather3A_396 = tpu.vector_load_idx %arg8[%get3A_272] : memref<10000xf32, #tpu.memory_space<vmem>>[vector<16xi32>], vector<16xf32>,
            %max3A_397 = arith.maximumf %gather3A_396, %gather3A_275 : vector<16xf32>
            tpu.vector_store_idx %arg8[%get3A_272], %max3A_397 masked %and3A_391 : memref<10000xf32, #tpu.memory_space<vmem>>[vector<16xi32>], vector<16xf32>, vector<16xi1>
            %gather3A_398 = tpu.vector_load_idx %arg9[%get3A_272] : memref<10000xf32, #tpu.memory_space<vmem>>[vector<16xi32>], vector<16xf32>,
            %max3A_399 = arith.maximumf %gather3A_398, %gather3A_276 : vector<16xf32>
            tpu.vector_store_idx %arg9[%get3A_272], %max3A_399 masked %and3A_391 : memref<10000xf32, #tpu.memory_space<vmem>>[vector<16xi32>], vector<16xf32>, vector<16xi1>
            %gather3A_400 = tpu.vector_load_idx %arg10[%get3A_272] : memref<10000xf32, #tpu.memory_space<vmem>>[vector<16xi32>], vector<16xf32>,
            %max3A_401 = arith.maximumf %gather3A_400, %sub3A_279 : vector<16xf32>
            tpu.vector_store_idx %arg10[%get3A_272], %max3A_401 masked %and3A_391 : memref<10000xf32, #tpu.memory_space<vmem>>[vector<16xi32>], vector<16xf32>, vector<16xi1>
            %not3A_402 = arith.constant dense<true> : vector<16xi1>
            %not3A_403 = arith.xori %and3A_391, %not3A_402 : vector<16xi1>
            %and3A_404 = arith.andi %while3A_388, %not3A_403 : vector<16xi1>
            scf.yield %and3A_404 : vector<16xi1>
          }
          %not3A_382 = arith.constant dense<true> : vector<16xi1>
          %not3A_383 = arith.xori %eq3A_331, %not3A_382 : vector<16xi1>
          %while3A_384 = scf.while (%while3A_388 = %not3A_383) : (vector<16xi1>) -> vector<16xi1> {
            %reduce_or3A = arith.constant 1.000000e+00 : f32
            %reduce_or3A_389 = arith.constant 0.000000e+00 : f32
            %reduce_or3A_390 = vector.broadcast %reduce_or3A : f32 to vector<16xf32>
            %reduce_or3A_391 = vector.broadcast %reduce_or3A_389 : f32 to vector<16xf32>
            %reduce_or3A_392 = arith.select %while3A_388, %reduce_or3A_390, %reduce_or3A_391 : vector<16xi1>, vector<16xf32>
            %reduce_or3A_393 = arith.constant true
            %reduce_or3A_394 = vector.broadcast %reduce_or3A_393 : i1 to vector<16xi1>
            %reduce_or3A_395 = tpu.scan <max>, %reduce_or3A_392 masked %reduce_or3A_394 : vector<16xf32>, vector<16xi1> -> vector<16xf32>
            %reduce_or3A_396 = vector.extract %reduce_or3A_395[15] : f32 from vector<16xf32>
            %reduce_or3A_397 = arith.constant 0.000000e+00 : f32
            %reduce_or3A_398 = arith.cmpf ogt, %reduce_or3A_396, %reduce_or3A_397 : f32
            scf.condition(%reduce_or3A_398) %while3A_388 : vector<16xi1>
          } do {
          ^bb0(%while3A_388: vector<16xi1>):
            tpu.vector_store_idx %arg11[%get3A_295], %iota3A masked %while3A_388 : memref<10000xi32, #tpu.memory_space<vmem>>[vector<16xi32>], vector<16xi32>, vector<16xi1>
            %gather3A_389 = tpu.vector_load_idx %arg11[%get3A_295] : memref<10000xi32, #tpu.memory_space<vmem>>[vector<16xi32>], vector<16xi32>,
            %eq3A_390 = arith.cmpi eq, %gather3A_389, %iota3A : vector<16xi32>
            %and3A_391 = arith.andi %eq3A_390, %while3A_388 : vector<16xi1>
            %gather3A_392 = tpu.vector_load_idx %arg6[%get3A_295] : memref<10000xf32, #tpu.memory_space<vmem>>[vector<16xi32>], vector<16xf32>,
            %max3A_393 = arith.maximumf %gather3A_392, %gather3A_296 : vector<16xf32>
            tpu.vector_store_idx %arg6[%get3A_295], %max3A_393 masked %and3A_391 : memref<10000xf32, #tpu.memory_space<vmem>>[vector<16xi32>], vector<16xf32>, vector<16xi1>
            %gather3A_394 = tpu.vector_load_idx %arg7[%get3A_295] : memref<10000xf32, #tpu.memory_space<vmem>>[vector<16xi32>], vector<16xf32>,
            %max3A_395 = arith.maximumf %gather3A_394, %gather3A_297 : vector<16xf32>
            tpu.vector_store_idx %arg7[%get3A_295], %max3A_395 masked %and3A_391 : memref<10000xf32, #tpu.memory_space<vmem>>[vector<16xi32>], vector<16xf32>, vector<16xi1>
            %gather3A_396 = tpu.vector_load_idx %arg8[%get3A_295] : memref<10000xf32, #tpu.memory_space<vmem>>[vector<16xi32>], vector<16xf32>,
            %max3A_397 = arith.maximumf %gather3A_396, %gather3A_298 : vector<16xf32>
            tpu.vector_store_idx %arg8[%get3A_295], %max3A_397 masked %and3A_391 : memref<10000xf32, #tpu.memory_space<vmem>>[vector<16xi32>], vector<16xf32>, vector<16xi1>
            %gather3A_398 = tpu.vector_load_idx %arg9[%get3A_295] : memref<10000xf32, #tpu.memory_space<vmem>>[vector<16xi32>], vector<16xf32>,
            %max3A_399 = arith.maximumf %gather3A_398, %gather3A_299 : vector<16xf32>
            tpu.vector_store_idx %arg9[%get3A_295], %max3A_399 masked %and3A_391 : memref<10000xf32, #tpu.memory_space<vmem>>[vector<16xi32>], vector<16xf32>, vector<16xi1>
            %gather3A_400 = tpu.vector_load_idx %arg10[%get3A_295] : memref<10000xf32, #tpu.memory_space<vmem>>[vector<16xi32>], vector<16xf32>,
            %max3A_401 = arith.maximumf %gather3A_400, %sub3A_302 : vector<16xf32>
            tpu.vector_store_idx %arg10[%get3A_295], %max3A_401 masked %and3A_391 : memref<10000xf32, #tpu.memory_space<vmem>>[vector<16xi32>], vector<16xf32>, vector<16xi1>
            %not3A_402 = arith.constant dense<true> : vector<16xi1>
            %not3A_403 = arith.xori %and3A_391, %not3A_402 : vector<16xi1>
            %and3A_404 = arith.andi %while3A_388, %not3A_403 : vector<16xi1>
            scf.yield %and3A_404 : vector<16xi1>
          }
          %not3A_385 = arith.constant dense<true> : vector<16xi1>
          %not3A_386 = arith.xori %eq3A_332, %not3A_385 : vector<16xi1>
          %while3A_387 = scf.while (%while3A_388 = %not3A_386) : (vector<16xi1>) -> vector<16xi1> {
            %reduce_or3A = arith.constant 1.000000e+00 : f32
            %reduce_or3A_389 = arith.constant 0.000000e+00 : f32
            %reduce_or3A_390 = vector.broadcast %reduce_or3A : f32 to vector<16xf32>
            %reduce_or3A_391 = vector.broadcast %reduce_or3A_389 : f32 to vector<16xf32>
            %reduce_or3A_392 = arith.select %while3A_388, %reduce_or3A_390, %reduce_or3A_391 : vector<16xi1>, vector<16xf32>
            %reduce_or3A_393 = arith.constant true
            %reduce_or3A_394 = vector.broadcast %reduce_or3A_393 : i1 to vector<16xi1>
            %reduce_or3A_395 = tpu.scan <max>, %reduce_or3A_392 masked %reduce_or3A_394 : vector<16xf32>, vector<16xi1> -> vector<16xf32>
            %reduce_or3A_396 = vector.extract %reduce_or3A_395[15] : f32 from vector<16xf32>
            %reduce_or3A_397 = arith.constant 0.000000e+00 : f32
            %reduce_or3A_398 = arith.cmpf ogt, %reduce_or3A_396, %reduce_or3A_397 : f32
            scf.condition(%reduce_or3A_398) %while3A_388 : vector<16xi1>
          } do {
          ^bb0(%while3A_388: vector<16xi1>):
            tpu.vector_store_idx %arg11[%get3A_318], %iota3A masked %while3A_388 : memref<10000xi32, #tpu.memory_space<vmem>>[vector<16xi32>], vector<16xi32>, vector<16xi1>
            %gather3A_389 = tpu.vector_load_idx %arg11[%get3A_318] : memref<10000xi32, #tpu.memory_space<vmem>>[vector<16xi32>], vector<16xi32>,
            %eq3A_390 = arith.cmpi eq, %gather3A_389, %iota3A : vector<16xi32>
            %and3A_391 = arith.andi %eq3A_390, %while3A_388 : vector<16xi1>
            %gather3A_392 = tpu.vector_load_idx %arg6[%get3A_318] : memref<10000xf32, #tpu.memory_space<vmem>>[vector<16xi32>], vector<16xf32>,
            %max3A_393 = arith.maximumf %gather3A_392, %gather3A_319 : vector<16xf32>
            tpu.vector_store_idx %arg6[%get3A_318], %max3A_393 masked %and3A_391 : memref<10000xf32, #tpu.memory_space<vmem>>[vector<16xi32>], vector<16xf32>, vector<16xi1>
            %gather3A_394 = tpu.vector_load_idx %arg7[%get3A_318] : memref<10000xf32, #tpu.memory_space<vmem>>[vector<16xi32>], vector<16xf32>,
            %max3A_395 = arith.maximumf %gather3A_394, %gather3A_320 : vector<16xf32>
            tpu.vector_store_idx %arg7[%get3A_318], %max3A_395 masked %and3A_391 : memref<10000xf32, #tpu.memory_space<vmem>>[vector<16xi32>], vector<16xf32>, vector<16xi1>
            %gather3A_396 = tpu.vector_load_idx %arg8[%get3A_318] : memref<10000xf32, #tpu.memory_space<vmem>>[vector<16xi32>], vector<16xf32>,
            %max3A_397 = arith.maximumf %gather3A_396, %gather3A_321 : vector<16xf32>
            tpu.vector_store_idx %arg8[%get3A_318], %max3A_397 masked %and3A_391 : memref<10000xf32, #tpu.memory_space<vmem>>[vector<16xi32>], vector<16xf32>, vector<16xi1>
            %gather3A_398 = tpu.vector_load_idx %arg9[%get3A_318] : memref<10000xf32, #tpu.memory_space<vmem>>[vector<16xi32>], vector<16xf32>,
            %max3A_399 = arith.maximumf %gather3A_398, %gather3A_322 : vector<16xf32>
            tpu.vector_store_idx %arg9[%get3A_318], %max3A_399 masked %and3A_391 : memref<10000xf32, #tpu.memory_space<vmem>>[vector<16xi32>], vector<16xf32>, vector<16xi1>
            %gather3A_400 = tpu.vector_load_idx %arg10[%get3A_318] : memref<10000xf32, #tpu.memory_space<vmem>>[vector<16xi32>], vector<16xf32>,
            %max3A_401 = arith.maximumf %gather3A_400, %sub3A_325 : vector<16xf32>
            tpu.vector_store_idx %arg10[%get3A_318], %max3A_401 masked %and3A_391 : memref<10000xf32, #tpu.memory_space<vmem>>[vector<16xi32>], vector<16xf32>, vector<16xi1>
            %not3A_402 = arith.constant dense<true> : vector<16xi1>
            %not3A_403 = arith.xori %and3A_391, %not3A_402 : vector<16xi1>
            %and3A_404 = arith.andi %while3A_388, %not3A_403 : vector<16xi1>
            scf.yield %and3A_404 : vector<16xi1>
          }
        } else {
        }
      }
      %scan3A_173 = arith.constant 40 : i32
      %dma_wait3A_174 = arith.constant 0 : i32
      %dma_wait3A_175 = arith.constant 1 : i32
      %dma_wait3A_176 = arith.constant 0 : i32
      %dma_wait3A_177 = tpu.memref_slice %arg12[%dma_wait3A_175, %dma_wait3A_176] : memref<2x2560xi32, #tpu.memory_space<vmem>> -> memref<1x2560xi32, #tpu.memory_space<vmem>>
      %dma_wait3A_178 = tpu.memref_squeeze %dma_wait3A_177 : memref<1x2560xi32, #tpu.memory_space<vmem>> -> memref<2560xi32, #tpu.memory_space<vmem>>
      %dma_wait3A_179 = arith.constant 0 : i32
      %dma_wait3A_180 = tpu.memref_slice %arg3[%dma_wait3A_174, %dma_wait3A_179] : memref<2x320000xi32, #tpu.memory_space<hbm>> -> memref<1x2560xi32, #tpu.memory_space<hbm>>
      %dma_wait3A_181 = tpu.memref_squeeze %dma_wait3A_180 : memref<1x2560xi32, #tpu.memory_space<hbm>> -> memref<2560xi32, #tpu.memory_space<hbm>>
      %dma_wait3A_182 = arith.constant 0 : i32
      %dma_wait3A_183 = tpu.memref_slice %arg12[%dma_wait3A_175, %dma_wait3A_182] : memref<2x2560xi32, #tpu.memory_space<vmem>> -> memref<1x2560xi32, #tpu.memory_space<vmem>>
      %dma_wait3A_184 = tpu.memref_squeeze %dma_wait3A_183 : memref<1x2560xi32, #tpu.memory_space<vmem>> -> memref<2560xi32, #tpu.memory_space<vmem>>
      %dma_wait3A_185 = arith.constant 0 : i32
      %dma_wait3A_186 = tpu.memref_slice %arg3[%dma_wait3A_174, %dma_wait3A_185] : memref<2x320000xi32, #tpu.memory_space<hbm>> -> memref<1x2560xi32, #tpu.memory_space<hbm>>
      %dma_wait3A_187 = tpu.memref_squeeze %dma_wait3A_186 : memref<1x2560xi32, #tpu.memory_space<hbm>> -> memref<2560xi32, #tpu.memory_space<hbm>>
      tpu.wait_dma2 semaphore(%arg15 : memref<!tpu.dma_semaphore, #tpu.memory_space<semaphore_mem>>) src(%dma_wait3A_187 : memref<2560xi32, #tpu.memory_space<hbm>>) dst(%dma_wait3A_184 : memref<2560xi32, #tpu.memory_space<vmem>>)
      %dma_wait3A_188 = arith.constant 1 : i32
      %dma_wait3A_189 = arith.constant 1 : i32
      %dma_wait3A_190 = arith.constant 0 : i32
      %dma_wait3A_191 = tpu.memref_slice %arg13[%dma_wait3A_189, %dma_wait3A_190] : memref<2x2560xi32, #tpu.memory_space<vmem>> -> memref<1x2560xi32, #tpu.memory_space<vmem>>
      %dma_wait3A_192 = tpu.memref_squeeze %dma_wait3A_191 : memref<1x2560xi32, #tpu.memory_space<vmem>> -> memref<2560xi32, #tpu.memory_space<vmem>>
      %dma_wait3A_193 = arith.constant 0 : i32
      %dma_wait3A_194 = tpu.memref_slice %arg3[%dma_wait3A_188, %dma_wait3A_193] : memref<2x320000xi32, #tpu.memory_space<hbm>> -> memref<1x2560xi32, #tpu.memory_space<hbm>>
      %dma_wait3A_195 = tpu.memref_squeeze %dma_wait3A_194 : memref<1x2560xi32, #tpu.memory_space<hbm>> -> memref<2560xi32, #tpu.memory_space<hbm>>
      %dma_wait3A_196 = arith.constant 0 : i32
      %dma_wait3A_197 = tpu.memref_slice %arg13[%dma_wait3A_189, %dma_wait3A_196] : memref<2x2560xi32, #tpu.memory_space<vmem>> -> memref<1x2560xi32, #tpu.memory_space<vmem>>
      %dma_wait3A_198 = tpu.memref_squeeze %dma_wait3A_197 : memref<1x2560xi32, #tpu.memory_space<vmem>> -> memref<2560xi32, #tpu.memory_space<vmem>>
      %dma_wait3A_199 = arith.constant 0 : i32
      %dma_wait3A_200 = tpu.memref_slice %arg3[%dma_wait3A_188, %dma_wait3A_199] : memref<2x320000xi32, #tpu.memory_space<hbm>> -> memref<1x2560xi32, #tpu.memory_space<hbm>>
      %dma_wait3A_201 = tpu.memref_squeeze %dma_wait3A_200 : memref<1x2560xi32, #tpu.memory_space<hbm>> -> memref<2560xi32, #tpu.memory_space<hbm>>
      tpu.wait_dma2 semaphore(%arg15 : memref<!tpu.dma_semaphore, #tpu.memory_space<semaphore_mem>>) src(%dma_wait3A_201 : memref<2560xi32, #tpu.memory_space<hbm>>) dst(%dma_wait3A_198 : memref<2560xi32, #tpu.memory_space<vmem>>)
      %add3A_202 = arith.constant 2 : i32
      %add3A_203 = arith.addi %mul3A_111, %add3A_202 : i32
      %mul3A_204 = arith.constant 2560 : i32
      %mul3A_205 = arith.muli %add3A_203, %mul3A_204 : i32
      %dma_start3A_206 = arith.constant 0 : i32
      %dma_start3A_207 = arith.constant 0 : i32
      %dma_start3A_208 = arith.constant 0 : i32
      %dma_start3A_209 = tpu.memref_slice %arg12[%dma_start3A_207, %dma_start3A_208] : memref<2x2560xi32, #tpu.memory_space<vmem>> -> memref<1x2560xi32, #tpu.memory_space<vmem>>
      %dma_start3A_210 = tpu.memref_squeeze %dma_start3A_209 : memref<1x2560xi32, #tpu.memory_space<vmem>> -> memref<2560xi32, #tpu.memory_space<vmem>>
      %dma_start3A_211 = tpu.memref_slice %arg3[%dma_start3A_206, %mul3A_205] : memref<2x320000xi32, #tpu.memory_space<hbm>> -> memref<1x2560xi32, #tpu.memory_space<hbm>>
      %dma_start3A_212 = tpu.memref_squeeze %dma_start3A_211 : memref<1x2560xi32, #tpu.memory_space<hbm>> -> memref<2560xi32, #tpu.memory_space<hbm>>
      %dma_start3A_213 = arith.constant 0 : i32
      %dma_start3A_214 = tpu.memref_slice %arg12[%dma_start3A_207, %dma_start3A_213] : memref<2x2560xi32, #tpu.memory_space<vmem>> -> memref<1x2560xi32, #tpu.memory_space<vmem>>
      %dma_start3A_215 = tpu.memref_squeeze %dma_start3A_214 : memref<1x2560xi32, #tpu.memory_space<vmem>> -> memref<2560xi32, #tpu.memory_space<vmem>>
      %dma_start3A_216 = tpu.memref_slice %arg3[%dma_start3A_206, %mul3A_205] : memref<2x320000xi32, #tpu.memory_space<hbm>> -> memref<1x2560xi32, #tpu.memory_space<hbm>>
      %dma_start3A_217 = tpu.memref_squeeze %dma_start3A_216 : memref<1x2560xi32, #tpu.memory_space<hbm>> -> memref<2560xi32, #tpu.memory_space<hbm>>
      tpu.enqueue_dma source(%dma_start3A_217 : memref<2560xi32, #tpu.memory_space<hbm>>) target(%dma_start3A_215 : memref<2560xi32, #tpu.memory_space<vmem>>) target_semaphore(%arg14 : memref<!tpu.dma_semaphore, #tpu.memory_space<semaphore_mem>>)
      %dma_start3A_218 = arith.constant 1 : i32
      %dma_start3A_219 = arith.constant 0 : i32
      %dma_start3A_220 = arith.constant 0 : i32
      %dma_start3A_221 = tpu.memref_slice %arg13[%dma_start3A_219, %dma_start3A_220] : memref<2x2560xi32, #tpu.memory_space<vmem>> -> memref<1x2560xi32, #tpu.memory_space<vmem>>
      %dma_start3A_222 = tpu.memref_squeeze %dma_start3A_221 : memref<1x2560xi32, #tpu.memory_space<vmem>> -> memref<2560xi32, #tpu.memory_space<vmem>>
      %dma_start3A_223 = tpu.memref_slice %arg3[%dma_start3A_218, %mul3A_205] : memref<2x320000xi32, #tpu.memory_space<hbm>> -> memref<1x2560xi32, #tpu.memory_space<hbm>>
      %dma_start3A_224 = tpu.memref_squeeze %dma_start3A_223 : memref<1x2560xi32, #tpu.memory_space<hbm>> -> memref<2560xi32, #tpu.memory_space<hbm>>
      %dma_start3A_225 = arith.constant 0 : i32
      %dma_start3A_226 = tpu.memref_slice %arg13[%dma_start3A_219, %dma_start3A_225] : memref<2x2560xi32, #tpu.memory_space<vmem>> -> memref<1x2560xi32, #tpu.memory_space<vmem>>
      %dma_start3A_227 = tpu.memref_squeeze %dma_start3A_226 : memref<1x2560xi32, #tpu.memory_space<vmem>> -> memref<2560xi32, #tpu.memory_space<vmem>>
      %dma_start3A_228 = tpu.memref_slice %arg3[%dma_start3A_218, %mul3A_205] : memref<2x320000xi32, #tpu.memory_space<hbm>> -> memref<1x2560xi32, #tpu.memory_space<hbm>>
      %dma_start3A_229 = tpu.memref_squeeze %dma_start3A_228 : memref<1x2560xi32, #tpu.memory_space<hbm>> -> memref<2560xi32, #tpu.memory_space<hbm>>
      tpu.enqueue_dma source(%dma_start3A_229 : memref<2560xi32, #tpu.memory_space<hbm>>) target(%dma_start3A_227 : memref<2560xi32, #tpu.memory_space<vmem>>) target_semaphore(%arg14 : memref<!tpu.dma_semaphore, #tpu.memory_space<semaphore_mem>>)
      %scan3A_230 = arith.constant 0 : i32
      %scan3A_231 = arith.constant 0 : i32
      %scan3A_232 = arith.constant 40 : i32
      %scan3A_233 = arith.addi %scan3A_231, %scan3A_232 : i32
      %scan3A_234 = arith.constant 1 : i32
      scf.for %scan3A_236 = %scan3A_231 to %scan3A_233 step %scan3A_234  : i32 {
        %mul3A_237 = arith.constant 4 : i32
        %mul3A_238 = arith.muli %scan3A_236, %mul3A_237 : i32
        %add3A_239 = arith.constant 0 : i32
        %add3A_240 = arith.addi %mul3A_238, %add3A_239 : i32
        %mul3A_241 = arith.constant 16 : i32
        %mul3A_242 = arith.muli %add3A_240, %mul3A_241 : i32
        %get3A = arith.constant 1 : i32
        %get3A_243 = arith.index_cast %get3A : i32 to index
        %get3A_244 = arith.index_cast %mul3A_242 : i32 to index
        %get3A_245 = tpu.vector_load %arg12[%get3A_243, %get3A_244] {strides = array<i32>} : memref<2x2560xi32, #tpu.memory_space<vmem>>, vector<16xi32>,
        %mul3A_246 = arith.constant 16 : i32
        %mul3A_247 = arith.muli %add3A_240, %mul3A_246 : i32
        %get3A_248 = arith.constant 1 : i32
        %get3A_249 = arith.index_cast %get3A_248 : i32 to index
        %get3A_250 = arith.index_cast %mul3A_247 : i32 to index
        %get3A_251 = tpu.vector_load %arg13[%get3A_249, %get3A_250] {strides = array<i32>} : memref<2x2560xi32, #tpu.memory_space<vmem>>, vector<16xi32>,
        %gather3A = tpu.vector_load_idx %arg5[%broadcast_in_dim3A_11, %get3A_245] : memref<5x10000xf32, #tpu.memory_space<vmem>>[vector<16xi32>, vector<16xi32>], vector<16xf32>,
        %gather3A_252 = tpu.vector_load_idx %arg5[%broadcast_in_dim3A_13, %get3A_245] : memref<5x10000xf32, #tpu.memory_space<vmem>>[vector<16xi32>, vector<16xi32>], vector<16xf32>,
        %gather3A_253 = tpu.vector_load_idx %arg5[%broadcast_in_dim3A_15, %get3A_245] : memref<5x10000xf32, #tpu.memory_space<vmem>>[vector<16xi32>, vector<16xi32>], vector<16xf32>,
        %gather3A_254 = tpu.vector_load_idx %arg5[%broadcast_in_dim3A_17, %get3A_245] : memref<5x10000xf32, #tpu.memory_space<vmem>>[vector<16xi32>, vector<16xi32>], vector<16xf32>,
        %gather3A_255 = tpu.vector_load_idx %arg5[%broadcast_in_dim3A_19, %get3A_245] : memref<5x10000xf32, #tpu.memory_space<vmem>>[vector<16xi32>, vector<16xi32>], vector<16xf32>,
        %gather3A_256 = tpu.vector_load_idx %arg5[%broadcast_in_dim3A_19, %get3A_251] : memref<5x10000xf32, #tpu.memory_space<vmem>>[vector<16xi32>, vector<16xi32>], vector<16xf32>,
        %sub3A = arith.subf %gather3A_255, %gather3A_256 : vector<16xf32>
        %mul3A_257 = arith.constant 4 : i32
        %mul3A_258 = arith.muli %scan3A_236, %mul3A_257 : i32
        %add3A_259 = arith.constant 1 : i32
        %add3A_260 = arith.addi %mul3A_258, %add3A_259 : i32
        %mul3A_261 = arith.constant 16 : i32
        %mul3A_262 = arith.muli %add3A_260, %mul3A_261 : i32
        %get3A_263 = arith.constant 1 : i32
        %get3A_264 = arith.index_cast %get3A_263 : i32 to index
        %get3A_265 = arith.index_cast %mul3A_262 : i32 to index
        %get3A_266 = tpu.vector_load %arg12[%get3A_264, %get3A_265] {strides = array<i32>} : memref<2x2560xi32, #tpu.memory_space<vmem>>, vector<16xi32>,
        %mul3A_267 = arith.constant 16 : i32
        %mul3A_268 = arith.muli %add3A_260, %mul3A_267 : i32
        %get3A_269 = arith.constant 1 : i32
        %get3A_270 = arith.index_cast %get3A_269 : i32 to index
        %get3A_271 = arith.index_cast %mul3A_268 : i32 to index
        %get3A_272 = tpu.vector_load %arg13[%get3A_270, %get3A_271] {strides = array<i32>} : memref<2x2560xi32, #tpu.memory_space<vmem>>, vector<16xi32>,
        %gather3A_273 = tpu.vector_load_idx %arg5[%broadcast_in_dim3A_11, %get3A_266] : memref<5x10000xf32, #tpu.memory_space<vmem>>[vector<16xi32>, vector<16xi32>], vector<16xf32>,
        %gather3A_274 = tpu.vector_load_idx %arg5[%broadcast_in_dim3A_13, %get3A_266] : memref<5x10000xf32, #tpu.memory_space<vmem>>[vector<16xi32>, vector<16xi32>], vector<16xf32>,
        %gather3A_275 = tpu.vector_load_idx %arg5[%broadcast_in_dim3A_15, %get3A_266] : memref<5x10000xf32, #tpu.memory_space<vmem>>[vector<16xi32>, vector<16xi32>], vector<16xf32>,
        %gather3A_276 = tpu.vector_load_idx %arg5[%broadcast_in_dim3A_17, %get3A_266] : memref<5x10000xf32, #tpu.memory_space<vmem>>[vector<16xi32>, vector<16xi32>], vector<16xf32>,
        %gather3A_277 = tpu.vector_load_idx %arg5[%broadcast_in_dim3A_19, %get3A_266] : memref<5x10000xf32, #tpu.memory_space<vmem>>[vector<16xi32>, vector<16xi32>], vector<16xf32>,
        %gather3A_278 = tpu.vector_load_idx %arg5[%broadcast_in_dim3A_19, %get3A_272] : memref<5x10000xf32, #tpu.memory_space<vmem>>[vector<16xi32>, vector<16xi32>], vector<16xf32>,
        %sub3A_279 = arith.subf %gather3A_277, %gather3A_278 : vector<16xf32>
        %mul3A_280 = arith.constant 4 : i32
        %mul3A_281 = arith.muli %scan3A_236, %mul3A_280 : i32
        %add3A_282 = arith.constant 2 : i32
        %add3A_283 = arith.addi %mul3A_281, %add3A_282 : i32
        %mul3A_284 = arith.constant 16 : i32
        %mul3A_285 = arith.muli %add3A_283, %mul3A_284 : i32
        %get3A_286 = arith.constant 1 : i32
        %get3A_287 = arith.index_cast %get3A_286 : i32 to index
        %get3A_288 = arith.index_cast %mul3A_285 : i32 to index
        %get3A_289 = tpu.vector_load %arg12[%get3A_287, %get3A_288] {strides = array<i32>} : memref<2x2560xi32, #tpu.memory_space<vmem>>, vector<16xi32>,
        %mul3A_290 = arith.constant 16 : i32
        %mul3A_291 = arith.muli %add3A_283, %mul3A_290 : i32
        %get3A_292 = arith.constant 1 : i32
        %get3A_293 = arith.index_cast %get3A_292 : i32 to index
        %get3A_294 = arith.index_cast %mul3A_291 : i32 to index
        %get3A_295 = tpu.vector_load %arg13[%get3A_293, %get3A_294] {strides = array<i32>} : memref<2x2560xi32, #tpu.memory_space<vmem>>, vector<16xi32>,
        %gather3A_296 = tpu.vector_load_idx %arg5[%broadcast_in_dim3A_11, %get3A_289] : memref<5x10000xf32, #tpu.memory_space<vmem>>[vector<16xi32>, vector<16xi32>], vector<16xf32>,
        %gather3A_297 = tpu.vector_load_idx %arg5[%broadcast_in_dim3A_13, %get3A_289] : memref<5x10000xf32, #tpu.memory_space<vmem>>[vector<16xi32>, vector<16xi32>], vector<16xf32>,
        %gather3A_298 = tpu.vector_load_idx %arg5[%broadcast_in_dim3A_15, %get3A_289] : memref<5x10000xf32, #tpu.memory_space<vmem>>[vector<16xi32>, vector<16xi32>], vector<16xf32>,
        %gather3A_299 = tpu.vector_load_idx %arg5[%broadcast_in_dim3A_17, %get3A_289] : memref<5x10000xf32, #tpu.memory_space<vmem>>[vector<16xi32>, vector<16xi32>], vector<16xf32>,
        %gather3A_300 = tpu.vector_load_idx %arg5[%broadcast_in_dim3A_19, %get3A_289] : memref<5x10000xf32, #tpu.memory_space<vmem>>[vector<16xi32>, vector<16xi32>], vector<16xf32>,
        %gather3A_301 = tpu.vector_load_idx %arg5[%broadcast_in_dim3A_19, %get3A_295] : memref<5x10000xf32, #tpu.memory_space<vmem>>[vector<16xi32>, vector<16xi32>], vector<16xf32>,
        %sub3A_302 = arith.subf %gather3A_300, %gather3A_301 : vector<16xf32>
        %mul3A_303 = arith.constant 4 : i32
        %mul3A_304 = arith.muli %scan3A_236, %mul3A_303 : i32
        %add3A_305 = arith.constant 3 : i32
        %add3A_306 = arith.addi %mul3A_304, %add3A_305 : i32
        %mul3A_307 = arith.constant 16 : i32
        %mul3A_308 = arith.muli %add3A_306, %mul3A_307 : i32
        %get3A_309 = arith.constant 1 : i32
        %get3A_310 = arith.index_cast %get3A_309 : i32 to index
        %get3A_311 = arith.index_cast %mul3A_308 : i32 to index
        %get3A_312 = tpu.vector_load %arg12[%get3A_310, %get3A_311] {strides = array<i32>} : memref<2x2560xi32, #tpu.memory_space<vmem>>, vector<16xi32>,
        %mul3A_313 = arith.constant 16 : i32
        %mul3A_314 = arith.muli %add3A_306, %mul3A_313 : i32
        %get3A_315 = arith.constant 1 : i32
        %get3A_316 = arith.index_cast %get3A_315 : i32 to index
        %get3A_317 = arith.index_cast %mul3A_314 : i32 to index
        %get3A_318 = tpu.vector_load %arg13[%get3A_316, %get3A_317] {strides = array<i32>} : memref<2x2560xi32, #tpu.memory_space<vmem>>, vector<16xi32>,
        %gather3A_319 = tpu.vector_load_idx %arg5[%broadcast_in_dim3A_11, %get3A_312] : memref<5x10000xf32, #tpu.memory_space<vmem>>[vector<16xi32>, vector<16xi32>], vector<16xf32>,
        %gather3A_320 = tpu.vector_load_idx %arg5[%broadcast_in_dim3A_13, %get3A_312] : memref<5x10000xf32, #tpu.memory_space<vmem>>[vector<16xi32>, vector<16xi32>], vector<16xf32>,
        %gather3A_321 = tpu.vector_load_idx %arg5[%broadcast_in_dim3A_15, %get3A_312] : memref<5x10000xf32, #tpu.memory_space<vmem>>[vector<16xi32>, vector<16xi32>], vector<16xf32>,
        %gather3A_322 = tpu.vector_load_idx %arg5[%broadcast_in_dim3A_17, %get3A_312] : memref<5x10000xf32, #tpu.memory_space<vmem>>[vector<16xi32>, vector<16xi32>], vector<16xf32>,
        %gather3A_323 = tpu.vector_load_idx %arg5[%broadcast_in_dim3A_19, %get3A_312] : memref<5x10000xf32, #tpu.memory_space<vmem>>[vector<16xi32>, vector<16xi32>], vector<16xf32>,
        %gather3A_324 = tpu.vector_load_idx %arg5[%broadcast_in_dim3A_19, %get3A_318] : memref<5x10000xf32, #tpu.memory_space<vmem>>[vector<16xi32>, vector<16xi32>], vector<16xf32>,
        %sub3A_325 = arith.subf %gather3A_323, %gather3A_324 : vector<16xf32>
        tpu.vector_store_idx %arg11[%get3A_251], %add3A_22 : memref<10000xi32, #tpu.memory_space<vmem>>[vector<16xi32>], vector<16xi32>,
        tpu.vector_store_idx %arg11[%get3A_272], %add3A_25 : memref<10000xi32, #tpu.memory_space<vmem>>[vector<16xi32>], vector<16xi32>,
        tpu.vector_store_idx %arg11[%get3A_295], %add3A_28 : memref<10000xi32, #tpu.memory_space<vmem>>[vector<16xi32>], vector<16xi32>,
        tpu.vector_store_idx %arg11[%get3A_318], %add3A_31 : memref<10000xi32, #tpu.memory_space<vmem>>[vector<16xi32>], vector<16xi32>,
        %gather3A_326 = tpu.vector_load_idx %arg11[%get3A_251] : memref<10000xi32, #tpu.memory_space<vmem>>[vector<16xi32>], vector<16xi32>,
        %gather3A_327 = tpu.vector_load_idx %arg11[%get3A_272] : memref<10000xi32, #tpu.memory_space<vmem>>[vector<16xi32>], vector<16xi32>,
        %gather3A_328 = tpu.vector_load_idx %arg11[%get3A_295] : memref<10000xi32, #tpu.memory_space<vmem>>[vector<16xi32>], vector<16xi32>,
        %gather3A_329 = tpu.vector_load_idx %arg11[%get3A_318] : memref<10000xi32, #tpu.memory_space<vmem>>[vector<16xi32>], vector<16xi32>,
        %eq3A = arith.cmpi eq, %gather3A_326, %add3A_22 : vector<16xi32>
        %eq3A_330 = arith.cmpi eq, %gather3A_327, %add3A_25 : vector<16xi32>
        %eq3A_331 = arith.cmpi eq, %gather3A_328, %add3A_28 : vector<16xi32>
        %eq3A_332 = arith.cmpi eq, %gather3A_329, %add3A_31 : vector<16xi32>
        %gather3A_333 = tpu.vector_load_idx %arg6[%get3A_251] : memref<10000xf32, #tpu.memory_space<vmem>>[vector<16xi32>], vector<16xf32>,
        %gather3A_334 = tpu.vector_load_idx %arg7[%get3A_251] : memref<10000xf32, #tpu.memory_space<vmem>>[vector<16xi32>], vector<16xf32>,
        %gather3A_335 = tpu.vector_load_idx %arg8[%get3A_251] : memref<10000xf32, #tpu.memory_space<vmem>>[vector<16xi32>], vector<16xf32>,
        %gather3A_336 = tpu.vector_load_idx %arg9[%get3A_251] : memref<10000xf32, #tpu.memory_space<vmem>>[vector<16xi32>], vector<16xf32>,
        %gather3A_337 = tpu.vector_load_idx %arg10[%get3A_251] : memref<10000xf32, #tpu.memory_space<vmem>>[vector<16xi32>], vector<16xf32>,
        %gather3A_338 = tpu.vector_load_idx %arg6[%get3A_272] : memref<10000xf32, #tpu.memory_space<vmem>>[vector<16xi32>], vector<16xf32>,
        %gather3A_339 = tpu.vector_load_idx %arg7[%get3A_272] : memref<10000xf32, #tpu.memory_space<vmem>>[vector<16xi32>], vector<16xf32>,
        %gather3A_340 = tpu.vector_load_idx %arg8[%get3A_272] : memref<10000xf32, #tpu.memory_space<vmem>>[vector<16xi32>], vector<16xf32>,
        %gather3A_341 = tpu.vector_load_idx %arg9[%get3A_272] : memref<10000xf32, #tpu.memory_space<vmem>>[vector<16xi32>], vector<16xf32>,
        %gather3A_342 = tpu.vector_load_idx %arg10[%get3A_272] : memref<10000xf32, #tpu.memory_space<vmem>>[vector<16xi32>], vector<16xf32>,
        %gather3A_343 = tpu.vector_load_idx %arg6[%get3A_295] : memref<10000xf32, #tpu.memory_space<vmem>>[vector<16xi32>], vector<16xf32>,
        %gather3A_344 = tpu.vector_load_idx %arg7[%get3A_295] : memref<10000xf32, #tpu.memory_space<vmem>>[vector<16xi32>], vector<16xf32>,
        %gather3A_345 = tpu.vector_load_idx %arg8[%get3A_295] : memref<10000xf32, #tpu.memory_space<vmem>>[vector<16xi32>], vector<16xf32>,
        %gather3A_346 = tpu.vector_load_idx %arg9[%get3A_295] : memref<10000xf32, #tpu.memory_space<vmem>>[vector<16xi32>], vector<16xf32>,
        %gather3A_347 = tpu.vector_load_idx %arg10[%get3A_295] : memref<10000xf32, #tpu.memory_space<vmem>>[vector<16xi32>], vector<16xf32>,
        %gather3A_348 = tpu.vector_load_idx %arg6[%get3A_318] : memref<10000xf32, #tpu.memory_space<vmem>>[vector<16xi32>], vector<16xf32>,
        %gather3A_349 = tpu.vector_load_idx %arg7[%get3A_318] : memref<10000xf32, #tpu.memory_space<vmem>>[vector<16xi32>], vector<16xf32>,
        %gather3A_350 = tpu.vector_load_idx %arg8[%get3A_318] : memref<10000xf32, #tpu.memory_space<vmem>>[vector<16xi32>], vector<16xf32>,
        %gather3A_351 = tpu.vector_load_idx %arg9[%get3A_318] : memref<10000xf32, #tpu.memory_space<vmem>>[vector<16xi32>], vector<16xf32>,
        %gather3A_352 = tpu.vector_load_idx %arg10[%get3A_318] : memref<10000xf32, #tpu.memory_space<vmem>>[vector<16xi32>], vector<16xf32>,
        %max3A = arith.maximumf %gather3A_333, %gather3A : vector<16xf32>
        tpu.vector_store_idx %arg6[%get3A_251], %max3A masked %eq3A : memref<10000xf32, #tpu.memory_space<vmem>>[vector<16xi32>], vector<16xf32>, vector<16xi1>
        %max3A_353 = arith.maximumf %gather3A_334, %gather3A_252 : vector<16xf32>
        tpu.vector_store_idx %arg7[%get3A_251], %max3A_353 masked %eq3A : memref<10000xf32, #tpu.memory_space<vmem>>[vector<16xi32>], vector<16xf32>, vector<16xi1>
        %max3A_354 = arith.maximumf %gather3A_335, %gather3A_253 : vector<16xf32>
        tpu.vector_store_idx %arg8[%get3A_251], %max3A_354 masked %eq3A : memref<10000xf32, #tpu.memory_space<vmem>>[vector<16xi32>], vector<16xf32>, vector<16xi1>
        %max3A_355 = arith.maximumf %gather3A_336, %gather3A_254 : vector<16xf32>
        tpu.vector_store_idx %arg9[%get3A_251], %max3A_355 masked %eq3A : memref<10000xf32, #tpu.memory_space<vmem>>[vector<16xi32>], vector<16xf32>, vector<16xi1>
        %max3A_356 = arith.maximumf %gather3A_337, %sub3A : vector<16xf32>
        tpu.vector_store_idx %arg10[%get3A_251], %max3A_356 masked %eq3A : memref<10000xf32, #tpu.memory_space<vmem>>[vector<16xi32>], vector<16xf32>, vector<16xi1>
        %max3A_357 = arith.maximumf %gather3A_338, %gather3A_273 : vector<16xf32>
        tpu.vector_store_idx %arg6[%get3A_272], %max3A_357 masked %eq3A_330 : memref<10000xf32, #tpu.memory_space<vmem>>[vector<16xi32>], vector<16xf32>, vector<16xi1>
        %max3A_358 = arith.maximumf %gather3A_339, %gather3A_274 : vector<16xf32>
        tpu.vector_store_idx %arg7[%get3A_272], %max3A_358 masked %eq3A_330 : memref<10000xf32, #tpu.memory_space<vmem>>[vector<16xi32>], vector<16xf32>, vector<16xi1>
        %max3A_359 = arith.maximumf %gather3A_340, %gather3A_275 : vector<16xf32>
        tpu.vector_store_idx %arg8[%get3A_272], %max3A_359 masked %eq3A_330 : memref<10000xf32, #tpu.memory_space<vmem>>[vector<16xi32>], vector<16xf32>, vector<16xi1>
        %max3A_360 = arith.maximumf %gather3A_341, %gather3A_276 : vector<16xf32>
        tpu.vector_store_idx %arg9[%get3A_272], %max3A_360 masked %eq3A_330 : memref<10000xf32, #tpu.memory_space<vmem>>[vector<16xi32>], vector<16xf32>, vector<16xi1>
        %max3A_361 = arith.maximumf %gather3A_342, %sub3A_279 : vector<16xf32>
        tpu.vector_store_idx %arg10[%get3A_272], %max3A_361 masked %eq3A_330 : memref<10000xf32, #tpu.memory_space<vmem>>[vector<16xi32>], vector<16xf32>, vector<16xi1>
        %max3A_362 = arith.maximumf %gather3A_343, %gather3A_296 : vector<16xf32>
        tpu.vector_store_idx %arg6[%get3A_295], %max3A_362 masked %eq3A_331 : memref<10000xf32, #tpu.memory_space<vmem>>[vector<16xi32>], vector<16xf32>, vector<16xi1>
        %max3A_363 = arith.maximumf %gather3A_344, %gather3A_297 : vector<16xf32>
        tpu.vector_store_idx %arg7[%get3A_295], %max3A_363 masked %eq3A_331 : memref<10000xf32, #tpu.memory_space<vmem>>[vector<16xi32>], vector<16xf32>, vector<16xi1>
        %max3A_364 = arith.maximumf %gather3A_345, %gather3A_298 : vector<16xf32>
        tpu.vector_store_idx %arg8[%get3A_295], %max3A_364 masked %eq3A_331 : memref<10000xf32, #tpu.memory_space<vmem>>[vector<16xi32>], vector<16xf32>, vector<16xi1>
        %max3A_365 = arith.maximumf %gather3A_346, %gather3A_299 : vector<16xf32>
        tpu.vector_store_idx %arg9[%get3A_295], %max3A_365 masked %eq3A_331 : memref<10000xf32, #tpu.memory_space<vmem>>[vector<16xi32>], vector<16xf32>, vector<16xi1>
        %max3A_366 = arith.maximumf %gather3A_347, %sub3A_302 : vector<16xf32>
        tpu.vector_store_idx %arg10[%get3A_295], %max3A_366 masked %eq3A_331 : memref<10000xf32, #tpu.memory_space<vmem>>[vector<16xi32>], vector<16xf32>, vector<16xi1>
        %max3A_367 = arith.maximumf %gather3A_348, %gather3A_319 : vector<16xf32>
        tpu.vector_store_idx %arg6[%get3A_318], %max3A_367 masked %eq3A_332 : memref<10000xf32, #tpu.memory_space<vmem>>[vector<16xi32>], vector<16xf32>, vector<16xi1>
        %max3A_368 = arith.maximumf %gather3A_349, %gather3A_320 : vector<16xf32>
        tpu.vector_store_idx %arg7[%get3A_318], %max3A_368 masked %eq3A_332 : memref<10000xf32, #tpu.memory_space<vmem>>[vector<16xi32>], vector<16xf32>, vector<16xi1>
        %max3A_369 = arith.maximumf %gather3A_350, %gather3A_321 : vector<16xf32>
        tpu.vector_store_idx %arg8[%get3A_318], %max3A_369 masked %eq3A_332 : memref<10000xf32, #tpu.memory_space<vmem>>[vector<16xi32>], vector<16xf32>, vector<16xi1>
        %max3A_370 = arith.maximumf %gather3A_351, %gather3A_322 : vector<16xf32>
        tpu.vector_store_idx %arg9[%get3A_318], %max3A_370 masked %eq3A_332 : memref<10000xf32, #tpu.memory_space<vmem>>[vector<16xi32>], vector<16xf32>, vector<16xi1>
        %max3A_371 = arith.maximumf %gather3A_352, %sub3A_325 : vector<16xf32>
        tpu.vector_store_idx %arg10[%get3A_318], %max3A_371 masked %eq3A_332 : memref<10000xf32, #tpu.memory_space<vmem>>[vector<16xi32>], vector<16xf32>, vector<16xi1>
        %and3A = arith.andi %eq3A, %eq3A_330 : vector<16xi1>
        %and3A_372 = arith.andi %and3A, %eq3A_331 : vector<16xi1>
        %and3A_373 = arith.andi %and3A_372, %eq3A_332 : vector<16xi1>
        %not3A = arith.constant dense<true> : vector<16xi1>
        %not3A_374 = arith.xori %and3A_373, %not3A : vector<16xi1>
        %all_reduce_population_count3A = tpu.all_reduce %not3A_374 {dim = 0 : i64, kind = #tpu.reduction_kind<sum>} : vector<16xi1> -> vector<16xi32>
        %slice3A = vector.extract_strided_slice %all_reduce_population_count3A {offsets = [0], sizes = [1], strides = [1]} : vector<16xi32> to vector<1xi32>
        %squeeze3A = vector.extract %slice3A[0] : i32 from vector<1xi32>
        %gt3A = arith.constant 0 : i32
        %gt3A_375 = arith.cmpi sgt, %squeeze3A, %gt3A : i32
        %convert_element_type3A = arith.extui %gt3A_375 : i1 to i32
        %cond3A = arith.constant 0 : i32
        %cond3A_376 = arith.cmpi ne, %convert_element_type3A, %cond3A : i32
        scf.if %cond3A_376 {
          %not3A_377 = arith.constant dense<true> : vector<16xi1>
          %not3A_378 = arith.xori %eq3A, %not3A_377 : vector<16xi1>
          %while3A = scf.while (%while3A_388 = %not3A_378) : (vector<16xi1>) -> vector<16xi1> {
            %reduce_or3A = arith.constant 1.000000e+00 : f32
            %reduce_or3A_389 = arith.constant 0.000000e+00 : f32
            %reduce_or3A_390 = vector.broadcast %reduce_or3A : f32 to vector<16xf32>
            %reduce_or3A_391 = vector.broadcast %reduce_or3A_389 : f32 to vector<16xf32>
            %reduce_or3A_392 = arith.select %while3A_388, %reduce_or3A_390, %reduce_or3A_391 : vector<16xi1>, vector<16xf32>
            %reduce_or3A_393 = arith.constant true
            %reduce_or3A_394 = vector.broadcast %reduce_or3A_393 : i1 to vector<16xi1>
            %reduce_or3A_395 = tpu.scan <max>, %reduce_or3A_392 masked %reduce_or3A_394 : vector<16xf32>, vector<16xi1> -> vector<16xf32>
            %reduce_or3A_396 = vector.extract %reduce_or3A_395[15] : f32 from vector<16xf32>
            %reduce_or3A_397 = arith.constant 0.000000e+00 : f32
            %reduce_or3A_398 = arith.cmpf ogt, %reduce_or3A_396, %reduce_or3A_397 : f32
            scf.condition(%reduce_or3A_398) %while3A_388 : vector<16xi1>
          } do {
          ^bb0(%while3A_388: vector<16xi1>):
            tpu.vector_store_idx %arg11[%get3A_251], %iota3A masked %while3A_388 : memref<10000xi32, #tpu.memory_space<vmem>>[vector<16xi32>], vector<16xi32>, vector<16xi1>
            %gather3A_389 = tpu.vector_load_idx %arg11[%get3A_251] : memref<10000xi32, #tpu.memory_space<vmem>>[vector<16xi32>], vector<16xi32>,
            %eq3A_390 = arith.cmpi eq, %gather3A_389, %iota3A : vector<16xi32>
            %and3A_391 = arith.andi %eq3A_390, %while3A_388 : vector<16xi1>
            %gather3A_392 = tpu.vector_load_idx %arg6[%get3A_251] : memref<10000xf32, #tpu.memory_space<vmem>>[vector<16xi32>], vector<16xf32>,
            %max3A_393 = arith.maximumf %gather3A_392, %gather3A : vector<16xf32>
            tpu.vector_store_idx %arg6[%get3A_251], %max3A_393 masked %and3A_391 : memref<10000xf32, #tpu.memory_space<vmem>>[vector<16xi32>], vector<16xf32>, vector<16xi1>
            %gather3A_394 = tpu.vector_load_idx %arg7[%get3A_251] : memref<10000xf32, #tpu.memory_space<vmem>>[vector<16xi32>], vector<16xf32>,
            %max3A_395 = arith.maximumf %gather3A_394, %gather3A_252 : vector<16xf32>
            tpu.vector_store_idx %arg7[%get3A_251], %max3A_395 masked %and3A_391 : memref<10000xf32, #tpu.memory_space<vmem>>[vector<16xi32>], vector<16xf32>, vector<16xi1>
            %gather3A_396 = tpu.vector_load_idx %arg8[%get3A_251] : memref<10000xf32, #tpu.memory_space<vmem>>[vector<16xi32>], vector<16xf32>,
            %max3A_397 = arith.maximumf %gather3A_396, %gather3A_253 : vector<16xf32>
            tpu.vector_store_idx %arg8[%get3A_251], %max3A_397 masked %and3A_391 : memref<10000xf32, #tpu.memory_space<vmem>>[vector<16xi32>], vector<16xf32>, vector<16xi1>
            %gather3A_398 = tpu.vector_load_idx %arg9[%get3A_251] : memref<10000xf32, #tpu.memory_space<vmem>>[vector<16xi32>], vector<16xf32>,
            %max3A_399 = arith.maximumf %gather3A_398, %gather3A_254 : vector<16xf32>
            tpu.vector_store_idx %arg9[%get3A_251], %max3A_399 masked %and3A_391 : memref<10000xf32, #tpu.memory_space<vmem>>[vector<16xi32>], vector<16xf32>, vector<16xi1>
            %gather3A_400 = tpu.vector_load_idx %arg10[%get3A_251] : memref<10000xf32, #tpu.memory_space<vmem>>[vector<16xi32>], vector<16xf32>,
            %max3A_401 = arith.maximumf %gather3A_400, %sub3A : vector<16xf32>
            tpu.vector_store_idx %arg10[%get3A_251], %max3A_401 masked %and3A_391 : memref<10000xf32, #tpu.memory_space<vmem>>[vector<16xi32>], vector<16xf32>, vector<16xi1>
            %not3A_402 = arith.constant dense<true> : vector<16xi1>
            %not3A_403 = arith.xori %and3A_391, %not3A_402 : vector<16xi1>
            %and3A_404 = arith.andi %while3A_388, %not3A_403 : vector<16xi1>
            scf.yield %and3A_404 : vector<16xi1>
          }
          %not3A_379 = arith.constant dense<true> : vector<16xi1>
          %not3A_380 = arith.xori %eq3A_330, %not3A_379 : vector<16xi1>
          %while3A_381 = scf.while (%while3A_388 = %not3A_380) : (vector<16xi1>) -> vector<16xi1> {
            %reduce_or3A = arith.constant 1.000000e+00 : f32
            %reduce_or3A_389 = arith.constant 0.000000e+00 : f32
            %reduce_or3A_390 = vector.broadcast %reduce_or3A : f32 to vector<16xf32>
            %reduce_or3A_391 = vector.broadcast %reduce_or3A_389 : f32 to vector<16xf32>
            %reduce_or3A_392 = arith.select %while3A_388, %reduce_or3A_390, %reduce_or3A_391 : vector<16xi1>, vector<16xf32>
            %reduce_or3A_393 = arith.constant true
            %reduce_or3A_394 = vector.broadcast %reduce_or3A_393 : i1 to vector<16xi1>
            %reduce_or3A_395 = tpu.scan <max>, %reduce_or3A_392 masked %reduce_or3A_394 : vector<16xf32>, vector<16xi1> -> vector<16xf32>
            %reduce_or3A_396 = vector.extract %reduce_or3A_395[15] : f32 from vector<16xf32>
            %reduce_or3A_397 = arith.constant 0.000000e+00 : f32
            %reduce_or3A_398 = arith.cmpf ogt, %reduce_or3A_396, %reduce_or3A_397 : f32
            scf.condition(%reduce_or3A_398) %while3A_388 : vector<16xi1>
          } do {
          ^bb0(%while3A_388: vector<16xi1>):
            tpu.vector_store_idx %arg11[%get3A_272], %iota3A masked %while3A_388 : memref<10000xi32, #tpu.memory_space<vmem>>[vector<16xi32>], vector<16xi32>, vector<16xi1>
            %gather3A_389 = tpu.vector_load_idx %arg11[%get3A_272] : memref<10000xi32, #tpu.memory_space<vmem>>[vector<16xi32>], vector<16xi32>,
            %eq3A_390 = arith.cmpi eq, %gather3A_389, %iota3A : vector<16xi32>
            %and3A_391 = arith.andi %eq3A_390, %while3A_388 : vector<16xi1>
            %gather3A_392 = tpu.vector_load_idx %arg6[%get3A_272] : memref<10000xf32, #tpu.memory_space<vmem>>[vector<16xi32>], vector<16xf32>,
            %max3A_393 = arith.maximumf %gather3A_392, %gather3A_273 : vector<16xf32>
            tpu.vector_store_idx %arg6[%get3A_272], %max3A_393 masked %and3A_391 : memref<10000xf32, #tpu.memory_space<vmem>>[vector<16xi32>], vector<16xf32>, vector<16xi1>
            %gather3A_394 = tpu.vector_load_idx %arg7[%get3A_272] : memref<10000xf32, #tpu.memory_space<vmem>>[vector<16xi32>], vector<16xf32>,
            %max3A_395 = arith.maximumf %gather3A_394, %gather3A_274 : vector<16xf32>
            tpu.vector_store_idx %arg7[%get3A_272], %max3A_395 masked %and3A_391 : memref<10000xf32, #tpu.memory_space<vmem>>[vector<16xi32>], vector<16xf32>, vector<16xi1>
            %gather3A_396 = tpu.vector_load_idx %arg8[%get3A_272] : memref<10000xf32, #tpu.memory_space<vmem>>[vector<16xi32>], vector<16xf32>,
            %max3A_397 = arith.maximumf %gather3A_396, %gather3A_275 : vector<16xf32>
            tpu.vector_store_idx %arg8[%get3A_272], %max3A_397 masked %and3A_391 : memref<10000xf32, #tpu.memory_space<vmem>>[vector<16xi32>], vector<16xf32>, vector<16xi1>
            %gather3A_398 = tpu.vector_load_idx %arg9[%get3A_272] : memref<10000xf32, #tpu.memory_space<vmem>>[vector<16xi32>], vector<16xf32>,
            %max3A_399 = arith.maximumf %gather3A_398, %gather3A_276 : vector<16xf32>
            tpu.vector_store_idx %arg9[%get3A_272], %max3A_399 masked %and3A_391 : memref<10000xf32, #tpu.memory_space<vmem>>[vector<16xi32>], vector<16xf32>, vector<16xi1>
            %gather3A_400 = tpu.vector_load_idx %arg10[%get3A_272] : memref<10000xf32, #tpu.memory_space<vmem>>[vector<16xi32>], vector<16xf32>,
            %max3A_401 = arith.maximumf %gather3A_400, %sub3A_279 : vector<16xf32>
            tpu.vector_store_idx %arg10[%get3A_272], %max3A_401 masked %and3A_391 : memref<10000xf32, #tpu.memory_space<vmem>>[vector<16xi32>], vector<16xf32>, vector<16xi1>
            %not3A_402 = arith.constant dense<true> : vector<16xi1>
            %not3A_403 = arith.xori %and3A_391, %not3A_402 : vector<16xi1>
            %and3A_404 = arith.andi %while3A_388, %not3A_403 : vector<16xi1>
            scf.yield %and3A_404 : vector<16xi1>
          }
          %not3A_382 = arith.constant dense<true> : vector<16xi1>
          %not3A_383 = arith.xori %eq3A_331, %not3A_382 : vector<16xi1>
          %while3A_384 = scf.while (%while3A_388 = %not3A_383) : (vector<16xi1>) -> vector<16xi1> {
            %reduce_or3A = arith.constant 1.000000e+00 : f32
            %reduce_or3A_389 = arith.constant 0.000000e+00 : f32
            %reduce_or3A_390 = vector.broadcast %reduce_or3A : f32 to vector<16xf32>
            %reduce_or3A_391 = vector.broadcast %reduce_or3A_389 : f32 to vector<16xf32>
            %reduce_or3A_392 = arith.select %while3A_388, %reduce_or3A_390, %reduce_or3A_391 : vector<16xi1>, vector<16xf32>
            %reduce_or3A_393 = arith.constant true
            %reduce_or3A_394 = vector.broadcast %reduce_or3A_393 : i1 to vector<16xi1>
            %reduce_or3A_395 = tpu.scan <max>, %reduce_or3A_392 masked %reduce_or3A_394 : vector<16xf32>, vector<16xi1> -> vector<16xf32>
            %reduce_or3A_396 = vector.extract %reduce_or3A_395[15] : f32 from vector<16xf32>
            %reduce_or3A_397 = arith.constant 0.000000e+00 : f32
            %reduce_or3A_398 = arith.cmpf ogt, %reduce_or3A_396, %reduce_or3A_397 : f32
            scf.condition(%reduce_or3A_398) %while3A_388 : vector<16xi1>
          } do {
          ^bb0(%while3A_388: vector<16xi1>):
            tpu.vector_store_idx %arg11[%get3A_295], %iota3A masked %while3A_388 : memref<10000xi32, #tpu.memory_space<vmem>>[vector<16xi32>], vector<16xi32>, vector<16xi1>
            %gather3A_389 = tpu.vector_load_idx %arg11[%get3A_295] : memref<10000xi32, #tpu.memory_space<vmem>>[vector<16xi32>], vector<16xi32>,
            %eq3A_390 = arith.cmpi eq, %gather3A_389, %iota3A : vector<16xi32>
            %and3A_391 = arith.andi %eq3A_390, %while3A_388 : vector<16xi1>
            %gather3A_392 = tpu.vector_load_idx %arg6[%get3A_295] : memref<10000xf32, #tpu.memory_space<vmem>>[vector<16xi32>], vector<16xf32>,
            %max3A_393 = arith.maximumf %gather3A_392, %gather3A_296 : vector<16xf32>
            tpu.vector_store_idx %arg6[%get3A_295], %max3A_393 masked %and3A_391 : memref<10000xf32, #tpu.memory_space<vmem>>[vector<16xi32>], vector<16xf32>, vector<16xi1>
            %gather3A_394 = tpu.vector_load_idx %arg7[%get3A_295] : memref<10000xf32, #tpu.memory_space<vmem>>[vector<16xi32>], vector<16xf32>,
            %max3A_395 = arith.maximumf %gather3A_394, %gather3A_297 : vector<16xf32>
            tpu.vector_store_idx %arg7[%get3A_295], %max3A_395 masked %and3A_391 : memref<10000xf32, #tpu.memory_space<vmem>>[vector<16xi32>], vector<16xf32>, vector<16xi1>
            %gather3A_396 = tpu.vector_load_idx %arg8[%get3A_295] : memref<10000xf32, #tpu.memory_space<vmem>>[vector<16xi32>], vector<16xf32>,
            %max3A_397 = arith.maximumf %gather3A_396, %gather3A_298 : vector<16xf32>
            tpu.vector_store_idx %arg8[%get3A_295], %max3A_397 masked %and3A_391 : memref<10000xf32, #tpu.memory_space<vmem>>[vector<16xi32>], vector<16xf32>, vector<16xi1>
            %gather3A_398 = tpu.vector_load_idx %arg9[%get3A_295] : memref<10000xf32, #tpu.memory_space<vmem>>[vector<16xi32>], vector<16xf32>,
            %max3A_399 = arith.maximumf %gather3A_398, %gather3A_299 : vector<16xf32>
            tpu.vector_store_idx %arg9[%get3A_295], %max3A_399 masked %and3A_391 : memref<10000xf32, #tpu.memory_space<vmem>>[vector<16xi32>], vector<16xf32>, vector<16xi1>
            %gather3A_400 = tpu.vector_load_idx %arg10[%get3A_295] : memref<10000xf32, #tpu.memory_space<vmem>>[vector<16xi32>], vector<16xf32>,
            %max3A_401 = arith.maximumf %gather3A_400, %sub3A_302 : vector<16xf32>
            tpu.vector_store_idx %arg10[%get3A_295], %max3A_401 masked %and3A_391 : memref<10000xf32, #tpu.memory_space<vmem>>[vector<16xi32>], vector<16xf32>, vector<16xi1>
            %not3A_402 = arith.constant dense<true> : vector<16xi1>
            %not3A_403 = arith.xori %and3A_391, %not3A_402 : vector<16xi1>
            %and3A_404 = arith.andi %while3A_388, %not3A_403 : vector<16xi1>
            scf.yield %and3A_404 : vector<16xi1>
          }
          %not3A_385 = arith.constant dense<true> : vector<16xi1>
          %not3A_386 = arith.xori %eq3A_332, %not3A_385 : vector<16xi1>
          %while3A_387 = scf.while (%while3A_388 = %not3A_386) : (vector<16xi1>) -> vector<16xi1> {
            %reduce_or3A = arith.constant 1.000000e+00 : f32
            %reduce_or3A_389 = arith.constant 0.000000e+00 : f32
            %reduce_or3A_390 = vector.broadcast %reduce_or3A : f32 to vector<16xf32>
            %reduce_or3A_391 = vector.broadcast %reduce_or3A_389 : f32 to vector<16xf32>
            %reduce_or3A_392 = arith.select %while3A_388, %reduce_or3A_390, %reduce_or3A_391 : vector<16xi1>, vector<16xf32>
            %reduce_or3A_393 = arith.constant true
            %reduce_or3A_394 = vector.broadcast %reduce_or3A_393 : i1 to vector<16xi1>
            %reduce_or3A_395 = tpu.scan <max>, %reduce_or3A_392 masked %reduce_or3A_394 : vector<16xf32>, vector<16xi1> -> vector<16xf32>
            %reduce_or3A_396 = vector.extract %reduce_or3A_395[15] : f32 from vector<16xf32>
            %reduce_or3A_397 = arith.constant 0.000000e+00 : f32
            %reduce_or3A_398 = arith.cmpf ogt, %reduce_or3A_396, %reduce_or3A_397 : f32
            scf.condition(%reduce_or3A_398) %while3A_388 : vector<16xi1>
          } do {
          ^bb0(%while3A_388: vector<16xi1>):
            tpu.vector_store_idx %arg11[%get3A_318], %iota3A masked %while3A_388 : memref<10000xi32, #tpu.memory_space<vmem>>[vector<16xi32>], vector<16xi32>, vector<16xi1>
            %gather3A_389 = tpu.vector_load_idx %arg11[%get3A_318] : memref<10000xi32, #tpu.memory_space<vmem>>[vector<16xi32>], vector<16xi32>,
            %eq3A_390 = arith.cmpi eq, %gather3A_389, %iota3A : vector<16xi32>
            %and3A_391 = arith.andi %eq3A_390, %while3A_388 : vector<16xi1>
            %gather3A_392 = tpu.vector_load_idx %arg6[%get3A_318] : memref<10000xf32, #tpu.memory_space<vmem>>[vector<16xi32>], vector<16xf32>,
            %max3A_393 = arith.maximumf %gather3A_392, %gather3A_319 : vector<16xf32>
            tpu.vector_store_idx %arg6[%get3A_318], %max3A_393 masked %and3A_391 : memref<10000xf32, #tpu.memory_space<vmem>>[vector<16xi32>], vector<16xf32>, vector<16xi1>
            %gather3A_394 = tpu.vector_load_idx %arg7[%get3A_318] : memref<10000xf32, #tpu.memory_space<vmem>>[vector<16xi32>], vector<16xf32>,
            %max3A_395 = arith.maximumf %gather3A_394, %gather3A_320 : vector<16xf32>
            tpu.vector_store_idx %arg7[%get3A_318], %max3A_395 masked %and3A_391 : memref<10000xf32, #tpu.memory_space<vmem>>[vector<16xi32>], vector<16xf32>, vector<16xi1>
            %gather3A_396 = tpu.vector_load_idx %arg8[%get3A_318] : memref<10000xf32, #tpu.memory_space<vmem>>[vector<16xi32>], vector<16xf32>,
            %max3A_397 = arith.maximumf %gather3A_396, %gather3A_321 : vector<16xf32>
            tpu.vector_store_idx %arg8[%get3A_318], %max3A_397 masked %and3A_391 : memref<10000xf32, #tpu.memory_space<vmem>>[vector<16xi32>], vector<16xf32>, vector<16xi1>
            %gather3A_398 = tpu.vector_load_idx %arg9[%get3A_318] : memref<10000xf32, #tpu.memory_space<vmem>>[vector<16xi32>], vector<16xf32>,
            %max3A_399 = arith.maximumf %gather3A_398, %gather3A_322 : vector<16xf32>
            tpu.vector_store_idx %arg9[%get3A_318], %max3A_399 masked %and3A_391 : memref<10000xf32, #tpu.memory_space<vmem>>[vector<16xi32>], vector<16xf32>, vector<16xi1>
            %gather3A_400 = tpu.vector_load_idx %arg10[%get3A_318] : memref<10000xf32, #tpu.memory_space<vmem>>[vector<16xi32>], vector<16xf32>,
            %max3A_401 = arith.maximumf %gather3A_400, %sub3A_325 : vector<16xf32>
            tpu.vector_store_idx %arg10[%get3A_318], %max3A_401 masked %and3A_391 : memref<10000xf32, #tpu.memory_space<vmem>>[vector<16xi32>], vector<16xf32>, vector<16xi1>
            %not3A_402 = arith.constant dense<true> : vector<16xi1>
            %not3A_403 = arith.xori %and3A_391, %not3A_402 : vector<16xi1>
            %and3A_404 = arith.andi %while3A_388, %not3A_403 : vector<16xi1>
            scf.yield %and3A_404 : vector<16xi1>
          }
        } else {
        }
      }
      %scan3A_235 = arith.constant 40 : i32
    }
    %scan3A_64 = arith.constant 62 : i32
    %dma_wait3A = arith.constant 0 : i32
    %dma_wait3A_65 = arith.constant 0 : i32
    %dma_wait3A_66 = arith.constant 0 : i32
    %dma_wait3A_67 = tpu.memref_slice %arg12[%dma_wait3A_65, %dma_wait3A_66] : memref<2x2560xi32, #tpu.memory_space<vmem>> -> memref<1x2560xi32, #tpu.memory_space<vmem>>
    %dma_wait3A_68 = tpu.memref_squeeze %dma_wait3A_67 : memref<1x2560xi32, #tpu.memory_space<vmem>> -> memref<2560xi32, #tpu.memory_space<vmem>>
    %dma_wait3A_69 = arith.constant 0 : i32
    %dma_wait3A_70 = tpu.memref_slice %arg3[%dma_wait3A, %dma_wait3A_69] : memref<2x320000xi32, #tpu.memory_space<hbm>> -> memref<1x2560xi32, #tpu.memory_space<hbm>>
    %dma_wait3A_71 = tpu.memref_squeeze %dma_wait3A_70 : memref<1x2560xi32, #tpu.memory_space<hbm>> -> memref<2560xi32, #tpu.memory_space<hbm>>
    %dma_wait3A_72 = arith.constant 0 : i32
    %dma_wait3A_73 = tpu.memref_slice %arg12[%dma_wait3A_65, %dma_wait3A_72] : memref<2x2560xi32, #tpu.memory_space<vmem>> -> memref<1x2560xi32, #tpu.memory_space<vmem>>
    %dma_wait3A_74 = tpu.memref_squeeze %dma_wait3A_73 : memref<1x2560xi32, #tpu.memory_space<vmem>> -> memref<2560xi32, #tpu.memory_space<vmem>>
    %dma_wait3A_75 = arith.constant 0 : i32
    %dma_wait3A_76 = tpu.memref_slice %arg3[%dma_wait3A, %dma_wait3A_75] : memref<2x320000xi32, #tpu.memory_space<hbm>> -> memref<1x2560xi32, #tpu.memory_space<hbm>>
    %dma_wait3A_77 = tpu.memref_squeeze %dma_wait3A_76 : memref<1x2560xi32, #tpu.memory_space<hbm>> -> memref<2560xi32, #tpu.memory_space<hbm>>
    tpu.wait_dma2 semaphore(%arg14 : memref<!tpu.dma_semaphore, #tpu.memory_space<semaphore_mem>>) src(%dma_wait3A_77 : memref<2560xi32, #tpu.memory_space<hbm>>) dst(%dma_wait3A_74 : memref<2560xi32, #tpu.memory_space<vmem>>)
    %dma_wait3A_78 = arith.constant 1 : i32
    %dma_wait3A_79 = arith.constant 0 : i32
    %dma_wait3A_80 = arith.constant 0 : i32
    %dma_wait3A_81 = tpu.memref_slice %arg13[%dma_wait3A_79, %dma_wait3A_80] : memref<2x2560xi32, #tpu.memory_space<vmem>> -> memref<1x2560xi32, #tpu.memory_space<vmem>>
    %dma_wait3A_82 = tpu.memref_squeeze %dma_wait3A_81 : memref<1x2560xi32, #tpu.memory_space<vmem>> -> memref<2560xi32, #tpu.memory_space<vmem>>
    %dma_wait3A_83 = arith.constant 0 : i32
    %dma_wait3A_84 = tpu.memref_slice %arg3[%dma_wait3A_78, %dma_wait3A_83] : memref<2x320000xi32, #tpu.memory_space<hbm>> -> memref<1x2560xi32, #tpu.memory_space<hbm>>
    %dma_wait3A_85 = tpu.memref_squeeze %dma_wait3A_84 : memref<1x2560xi32, #tpu.memory_space<hbm>> -> memref<2560xi32, #tpu.memory_space<hbm>>
    %dma_wait3A_86 = arith.constant 0 : i32
    %dma_wait3A_87 = tpu.memref_slice %arg13[%dma_wait3A_79, %dma_wait3A_86] : memref<2x2560xi32, #tpu.memory_space<vmem>> -> memref<1x2560xi32, #tpu.memory_space<vmem>>
    %dma_wait3A_88 = tpu.memref_squeeze %dma_wait3A_87 : memref<1x2560xi32, #tpu.memory_space<vmem>> -> memref<2560xi32, #tpu.memory_space<vmem>>
    %dma_wait3A_89 = arith.constant 0 : i32
    %dma_wait3A_90 = tpu.memref_slice %arg3[%dma_wait3A_78, %dma_wait3A_89] : memref<2x320000xi32, #tpu.memory_space<hbm>> -> memref<1x2560xi32, #tpu.memory_space<hbm>>
    %dma_wait3A_91 = tpu.memref_squeeze %dma_wait3A_90 : memref<1x2560xi32, #tpu.memory_space<hbm>> -> memref<2560xi32, #tpu.memory_space<hbm>>
    tpu.wait_dma2 semaphore(%arg14 : memref<!tpu.dma_semaphore, #tpu.memory_space<semaphore_mem>>) src(%dma_wait3A_91 : memref<2560xi32, #tpu.memory_space<hbm>>) dst(%dma_wait3A_88 : memref<2560xi32, #tpu.memory_space<vmem>>)
    %scan3A_92 = arith.constant 0 : i32
    %scan3A_93 = arith.constant 0 : i32
    %scan3A_94 = arith.constant 40 : i32
    %scan3A_95 = arith.addi %scan3A_93, %scan3A_94 : i32
    %scan3A_96 = arith.constant 1 : i32
    scf.for %scan3A_109 = %scan3A_93 to %scan3A_95 step %scan3A_96  : i32 {
      %mul3A_110 = arith.constant 4 : i32
      %mul3A_111 = arith.muli %scan3A_109, %mul3A_110 : i32
      %add3A_112 = arith.constant 0 : i32
      %add3A_113 = arith.addi %mul3A_111, %add3A_112 : i32
      %mul3A_114 = arith.constant 16 : i32
      %mul3A_115 = arith.muli %add3A_113, %mul3A_114 : i32
      %get3A = arith.constant 0 : i32
      %get3A_116 = arith.index_cast %get3A : i32 to index
      %get3A_117 = arith.index_cast %mul3A_115 : i32 to index
      %get3A_118 = tpu.vector_load %arg12[%get3A_116, %get3A_117] {strides = array<i32>} : memref<2x2560xi32, #tpu.memory_space<vmem>>, vector<16xi32>,
      %mul3A_119 = arith.constant 16 : i32
      %mul3A_120 = arith.muli %add3A_113, %mul3A_119 : i32
      %get3A_121 = arith.constant 0 : i32
      %get3A_122 = arith.index_cast %get3A_121 : i32 to index
      %get3A_123 = arith.index_cast %mul3A_120 : i32 to index
      %get3A_124 = tpu.vector_load %arg13[%get3A_122, %get3A_123] {strides = array<i32>} : memref<2x2560xi32, #tpu.memory_space<vmem>>, vector<16xi32>,
      %gather3A = tpu.vector_load_idx %arg5[%broadcast_in_dim3A_11, %get3A_118] : memref<5x10000xf32, #tpu.memory_space<vmem>>[vector<16xi32>, vector<16xi32>], vector<16xf32>,
      %gather3A_125 = tpu.vector_load_idx %arg5[%broadcast_in_dim3A_13, %get3A_118] : memref<5x10000xf32, #tpu.memory_space<vmem>>[vector<16xi32>, vector<16xi32>], vector<16xf32>,
      %gather3A_126 = tpu.vector_load_idx %arg5[%broadcast_in_dim3A_15, %get3A_118] : memref<5x10000xf32, #tpu.memory_space<vmem>>[vector<16xi32>, vector<16xi32>], vector<16xf32>,
      %gather3A_127 = tpu.vector_load_idx %arg5[%broadcast_in_dim3A_17, %get3A_118] : memref<5x10000xf32, #tpu.memory_space<vmem>>[vector<16xi32>, vector<16xi32>], vector<16xf32>,
      %gather3A_128 = tpu.vector_load_idx %arg5[%broadcast_in_dim3A_19, %get3A_118] : memref<5x10000xf32, #tpu.memory_space<vmem>>[vector<16xi32>, vector<16xi32>], vector<16xf32>,
      %gather3A_129 = tpu.vector_load_idx %arg5[%broadcast_in_dim3A_19, %get3A_124] : memref<5x10000xf32, #tpu.memory_space<vmem>>[vector<16xi32>, vector<16xi32>], vector<16xf32>,
      %sub3A = arith.subf %gather3A_128, %gather3A_129 : vector<16xf32>
      %mul3A_130 = arith.constant 4 : i32
      %mul3A_131 = arith.muli %scan3A_109, %mul3A_130 : i32
      %add3A_132 = arith.constant 1 : i32
      %add3A_133 = arith.addi %mul3A_131, %add3A_132 : i32
      %mul3A_134 = arith.constant 16 : i32
      %mul3A_135 = arith.muli %add3A_133, %mul3A_134 : i32
      %get3A_136 = arith.constant 0 : i32
      %get3A_137 = arith.index_cast %get3A_136 : i32 to index
      %get3A_138 = arith.index_cast %mul3A_135 : i32 to index
      %get3A_139 = tpu.vector_load %arg12[%get3A_137, %get3A_138] {strides = array<i32>} : memref<2x2560xi32, #tpu.memory_space<vmem>>, vector<16xi32>,
      %mul3A_140 = arith.constant 16 : i32
      %mul3A_141 = arith.muli %add3A_133, %mul3A_140 : i32
      %get3A_142 = arith.constant 0 : i32
      %get3A_143 = arith.index_cast %get3A_142 : i32 to index
      %get3A_144 = arith.index_cast %mul3A_141 : i32 to index
      %get3A_145 = tpu.vector_load %arg13[%get3A_143, %get3A_144] {strides = array<i32>} : memref<2x2560xi32, #tpu.memory_space<vmem>>, vector<16xi32>,
      %gather3A_146 = tpu.vector_load_idx %arg5[%broadcast_in_dim3A_11, %get3A_139] : memref<5x10000xf32, #tpu.memory_space<vmem>>[vector<16xi32>, vector<16xi32>], vector<16xf32>,
      %gather3A_147 = tpu.vector_load_idx %arg5[%broadcast_in_dim3A_13, %get3A_139] : memref<5x10000xf32, #tpu.memory_space<vmem>>[vector<16xi32>, vector<16xi32>], vector<16xf32>,
      %gather3A_148 = tpu.vector_load_idx %arg5[%broadcast_in_dim3A_15, %get3A_139] : memref<5x10000xf32, #tpu.memory_space<vmem>>[vector<16xi32>, vector<16xi32>], vector<16xf32>,
      %gather3A_149 = tpu.vector_load_idx %arg5[%broadcast_in_dim3A_17, %get3A_139] : memref<5x10000xf32, #tpu.memory_space<vmem>>[vector<16xi32>, vector<16xi32>], vector<16xf32>,
      %gather3A_150 = tpu.vector_load_idx %arg5[%broadcast_in_dim3A_19, %get3A_139] : memref<5x10000xf32, #tpu.memory_space<vmem>>[vector<16xi32>, vector<16xi32>], vector<16xf32>,
      %gather3A_151 = tpu.vector_load_idx %arg5[%broadcast_in_dim3A_19, %get3A_145] : memref<5x10000xf32, #tpu.memory_space<vmem>>[vector<16xi32>, vector<16xi32>], vector<16xf32>,
      %sub3A_152 = arith.subf %gather3A_150, %gather3A_151 : vector<16xf32>
      %mul3A_153 = arith.constant 4 : i32
      %mul3A_154 = arith.muli %scan3A_109, %mul3A_153 : i32
      %add3A_155 = arith.constant 2 : i32
      %add3A_156 = arith.addi %mul3A_154, %add3A_155 : i32
      %mul3A_157 = arith.constant 16 : i32
      %mul3A_158 = arith.muli %add3A_156, %mul3A_157 : i32
      %get3A_159 = arith.constant 0 : i32
      %get3A_160 = arith.index_cast %get3A_159 : i32 to index
      %get3A_161 = arith.index_cast %mul3A_158 : i32 to index
      %get3A_162 = tpu.vector_load %arg12[%get3A_160, %get3A_161] {strides = array<i32>} : memref<2x2560xi32, #tpu.memory_space<vmem>>, vector<16xi32>,
      %mul3A_163 = arith.constant 16 : i32
      %mul3A_164 = arith.muli %add3A_156, %mul3A_163 : i32
      %get3A_165 = arith.constant 0 : i32
      %get3A_166 = arith.index_cast %get3A_165 : i32 to index
      %get3A_167 = arith.index_cast %mul3A_164 : i32 to index
      %get3A_168 = tpu.vector_load %arg13[%get3A_166, %get3A_167] {strides = array<i32>} : memref<2x2560xi32, #tpu.memory_space<vmem>>, vector<16xi32>,
      %gather3A_169 = tpu.vector_load_idx %arg5[%broadcast_in_dim3A_11, %get3A_162] : memref<5x10000xf32, #tpu.memory_space<vmem>>[vector<16xi32>, vector<16xi32>], vector<16xf32>,
      %gather3A_170 = tpu.vector_load_idx %arg5[%broadcast_in_dim3A_13, %get3A_162] : memref<5x10000xf32, #tpu.memory_space<vmem>>[vector<16xi32>, vector<16xi32>], vector<16xf32>,
      %gather3A_171 = tpu.vector_load_idx %arg5[%broadcast_in_dim3A_15, %get3A_162] : memref<5x10000xf32, #tpu.memory_space<vmem>>[vector<16xi32>, vector<16xi32>], vector<16xf32>,
      %gather3A_172 = tpu.vector_load_idx %arg5[%broadcast_in_dim3A_17, %get3A_162] : memref<5x10000xf32, #tpu.memory_space<vmem>>[vector<16xi32>, vector<16xi32>], vector<16xf32>,
      %gather3A_173 = tpu.vector_load_idx %arg5[%broadcast_in_dim3A_19, %get3A_162] : memref<5x10000xf32, #tpu.memory_space<vmem>>[vector<16xi32>, vector<16xi32>], vector<16xf32>,
      %gather3A_174 = tpu.vector_load_idx %arg5[%broadcast_in_dim3A_19, %get3A_168] : memref<5x10000xf32, #tpu.memory_space<vmem>>[vector<16xi32>, vector<16xi32>], vector<16xf32>,
      %sub3A_175 = arith.subf %gather3A_173, %gather3A_174 : vector<16xf32>
      %mul3A_176 = arith.constant 4 : i32
      %mul3A_177 = arith.muli %scan3A_109, %mul3A_176 : i32
      %add3A_178 = arith.constant 3 : i32
      %add3A_179 = arith.addi %mul3A_177, %add3A_178 : i32
      %mul3A_180 = arith.constant 16 : i32
      %mul3A_181 = arith.muli %add3A_179, %mul3A_180 : i32
      %get3A_182 = arith.constant 0 : i32
      %get3A_183 = arith.index_cast %get3A_182 : i32 to index
      %get3A_184 = arith.index_cast %mul3A_181 : i32 to index
      %get3A_185 = tpu.vector_load %arg12[%get3A_183, %get3A_184] {strides = array<i32>} : memref<2x2560xi32, #tpu.memory_space<vmem>>, vector<16xi32>,
      %mul3A_186 = arith.constant 16 : i32
      %mul3A_187 = arith.muli %add3A_179, %mul3A_186 : i32
      %get3A_188 = arith.constant 0 : i32
      %get3A_189 = arith.index_cast %get3A_188 : i32 to index
      %get3A_190 = arith.index_cast %mul3A_187 : i32 to index
      %get3A_191 = tpu.vector_load %arg13[%get3A_189, %get3A_190] {strides = array<i32>} : memref<2x2560xi32, #tpu.memory_space<vmem>>, vector<16xi32>,
      %gather3A_192 = tpu.vector_load_idx %arg5[%broadcast_in_dim3A_11, %get3A_185] : memref<5x10000xf32, #tpu.memory_space<vmem>>[vector<16xi32>, vector<16xi32>], vector<16xf32>,
      %gather3A_193 = tpu.vector_load_idx %arg5[%broadcast_in_dim3A_13, %get3A_185] : memref<5x10000xf32, #tpu.memory_space<vmem>>[vector<16xi32>, vector<16xi32>], vector<16xf32>,
      %gather3A_194 = tpu.vector_load_idx %arg5[%broadcast_in_dim3A_15, %get3A_185] : memref<5x10000xf32, #tpu.memory_space<vmem>>[vector<16xi32>, vector<16xi32>], vector<16xf32>,
      %gather3A_195 = tpu.vector_load_idx %arg5[%broadcast_in_dim3A_17, %get3A_185] : memref<5x10000xf32, #tpu.memory_space<vmem>>[vector<16xi32>, vector<16xi32>], vector<16xf32>,
      %gather3A_196 = tpu.vector_load_idx %arg5[%broadcast_in_dim3A_19, %get3A_185] : memref<5x10000xf32, #tpu.memory_space<vmem>>[vector<16xi32>, vector<16xi32>], vector<16xf32>,
      %gather3A_197 = tpu.vector_load_idx %arg5[%broadcast_in_dim3A_19, %get3A_191] : memref<5x10000xf32, #tpu.memory_space<vmem>>[vector<16xi32>, vector<16xi32>], vector<16xf32>,
      %sub3A_198 = arith.subf %gather3A_196, %gather3A_197 : vector<16xf32>
      tpu.vector_store_idx %arg11[%get3A_124], %add3A_22 : memref<10000xi32, #tpu.memory_space<vmem>>[vector<16xi32>], vector<16xi32>,
      tpu.vector_store_idx %arg11[%get3A_145], %add3A_25 : memref<10000xi32, #tpu.memory_space<vmem>>[vector<16xi32>], vector<16xi32>,
      tpu.vector_store_idx %arg11[%get3A_168], %add3A_28 : memref<10000xi32, #tpu.memory_space<vmem>>[vector<16xi32>], vector<16xi32>,
      tpu.vector_store_idx %arg11[%get3A_191], %add3A_31 : memref<10000xi32, #tpu.memory_space<vmem>>[vector<16xi32>], vector<16xi32>,
      %gather3A_199 = tpu.vector_load_idx %arg11[%get3A_124] : memref<10000xi32, #tpu.memory_space<vmem>>[vector<16xi32>], vector<16xi32>,
      %gather3A_200 = tpu.vector_load_idx %arg11[%get3A_145] : memref<10000xi32, #tpu.memory_space<vmem>>[vector<16xi32>], vector<16xi32>,
      %gather3A_201 = tpu.vector_load_idx %arg11[%get3A_168] : memref<10000xi32, #tpu.memory_space<vmem>>[vector<16xi32>], vector<16xi32>,
      %gather3A_202 = tpu.vector_load_idx %arg11[%get3A_191] : memref<10000xi32, #tpu.memory_space<vmem>>[vector<16xi32>], vector<16xi32>,
      %eq3A = arith.cmpi eq, %gather3A_199, %add3A_22 : vector<16xi32>
      %eq3A_203 = arith.cmpi eq, %gather3A_200, %add3A_25 : vector<16xi32>
      %eq3A_204 = arith.cmpi eq, %gather3A_201, %add3A_28 : vector<16xi32>
      %eq3A_205 = arith.cmpi eq, %gather3A_202, %add3A_31 : vector<16xi32>
      %gather3A_206 = tpu.vector_load_idx %arg6[%get3A_124] : memref<10000xf32, #tpu.memory_space<vmem>>[vector<16xi32>], vector<16xf32>,
      %gather3A_207 = tpu.vector_load_idx %arg7[%get3A_124] : memref<10000xf32, #tpu.memory_space<vmem>>[vector<16xi32>], vector<16xf32>,
      %gather3A_208 = tpu.vector_load_idx %arg8[%get3A_124] : memref<10000xf32, #tpu.memory_space<vmem>>[vector<16xi32>], vector<16xf32>,
      %gather3A_209 = tpu.vector_load_idx %arg9[%get3A_124] : memref<10000xf32, #tpu.memory_space<vmem>>[vector<16xi32>], vector<16xf32>,
      %gather3A_210 = tpu.vector_load_idx %arg10[%get3A_124] : memref<10000xf32, #tpu.memory_space<vmem>>[vector<16xi32>], vector<16xf32>,
      %gather3A_211 = tpu.vector_load_idx %arg6[%get3A_145] : memref<10000xf32, #tpu.memory_space<vmem>>[vector<16xi32>], vector<16xf32>,
      %gather3A_212 = tpu.vector_load_idx %arg7[%get3A_145] : memref<10000xf32, #tpu.memory_space<vmem>>[vector<16xi32>], vector<16xf32>,
      %gather3A_213 = tpu.vector_load_idx %arg8[%get3A_145] : memref<10000xf32, #tpu.memory_space<vmem>>[vector<16xi32>], vector<16xf32>,
      %gather3A_214 = tpu.vector_load_idx %arg9[%get3A_145] : memref<10000xf32, #tpu.memory_space<vmem>>[vector<16xi32>], vector<16xf32>,
      %gather3A_215 = tpu.vector_load_idx %arg10[%get3A_145] : memref<10000xf32, #tpu.memory_space<vmem>>[vector<16xi32>], vector<16xf32>,
      %gather3A_216 = tpu.vector_load_idx %arg6[%get3A_168] : memref<10000xf32, #tpu.memory_space<vmem>>[vector<16xi32>], vector<16xf32>,
      %gather3A_217 = tpu.vector_load_idx %arg7[%get3A_168] : memref<10000xf32, #tpu.memory_space<vmem>>[vector<16xi32>], vector<16xf32>,
      %gather3A_218 = tpu.vector_load_idx %arg8[%get3A_168] : memref<10000xf32, #tpu.memory_space<vmem>>[vector<16xi32>], vector<16xf32>,
      %gather3A_219 = tpu.vector_load_idx %arg9[%get3A_168] : memref<10000xf32, #tpu.memory_space<vmem>>[vector<16xi32>], vector<16xf32>,
      %gather3A_220 = tpu.vector_load_idx %arg10[%get3A_168] : memref<10000xf32, #tpu.memory_space<vmem>>[vector<16xi32>], vector<16xf32>,
      %gather3A_221 = tpu.vector_load_idx %arg6[%get3A_191] : memref<10000xf32, #tpu.memory_space<vmem>>[vector<16xi32>], vector<16xf32>,
      %gather3A_222 = tpu.vector_load_idx %arg7[%get3A_191] : memref<10000xf32, #tpu.memory_space<vmem>>[vector<16xi32>], vector<16xf32>,
      %gather3A_223 = tpu.vector_load_idx %arg8[%get3A_191] : memref<10000xf32, #tpu.memory_space<vmem>>[vector<16xi32>], vector<16xf32>,
      %gather3A_224 = tpu.vector_load_idx %arg9[%get3A_191] : memref<10000xf32, #tpu.memory_space<vmem>>[vector<16xi32>], vector<16xf32>,
      %gather3A_225 = tpu.vector_load_idx %arg10[%get3A_191] : memref<10000xf32, #tpu.memory_space<vmem>>[vector<16xi32>], vector<16xf32>,
      %max3A = arith.maximumf %gather3A_206, %gather3A : vector<16xf32>
      tpu.vector_store_idx %arg6[%get3A_124], %max3A masked %eq3A : memref<10000xf32, #tpu.memory_space<vmem>>[vector<16xi32>], vector<16xf32>, vector<16xi1>
      %max3A_226 = arith.maximumf %gather3A_207, %gather3A_125 : vector<16xf32>
      tpu.vector_store_idx %arg7[%get3A_124], %max3A_226 masked %eq3A : memref<10000xf32, #tpu.memory_space<vmem>>[vector<16xi32>], vector<16xf32>, vector<16xi1>
      %max3A_227 = arith.maximumf %gather3A_208, %gather3A_126 : vector<16xf32>
      tpu.vector_store_idx %arg8[%get3A_124], %max3A_227 masked %eq3A : memref<10000xf32, #tpu.memory_space<vmem>>[vector<16xi32>], vector<16xf32>, vector<16xi1>
      %max3A_228 = arith.maximumf %gather3A_209, %gather3A_127 : vector<16xf32>
      tpu.vector_store_idx %arg9[%get3A_124], %max3A_228 masked %eq3A : memref<10000xf32, #tpu.memory_space<vmem>>[vector<16xi32>], vector<16xf32>, vector<16xi1>
      %max3A_229 = arith.maximumf %gather3A_210, %sub3A : vector<16xf32>
      tpu.vector_store_idx %arg10[%get3A_124], %max3A_229 masked %eq3A : memref<10000xf32, #tpu.memory_space<vmem>>[vector<16xi32>], vector<16xf32>, vector<16xi1>
      %max3A_230 = arith.maximumf %gather3A_211, %gather3A_146 : vector<16xf32>
      tpu.vector_store_idx %arg6[%get3A_145], %max3A_230 masked %eq3A_203 : memref<10000xf32, #tpu.memory_space<vmem>>[vector<16xi32>], vector<16xf32>, vector<16xi1>
      %max3A_231 = arith.maximumf %gather3A_212, %gather3A_147 : vector<16xf32>
      tpu.vector_store_idx %arg7[%get3A_145], %max3A_231 masked %eq3A_203 : memref<10000xf32, #tpu.memory_space<vmem>>[vector<16xi32>], vector<16xf32>, vector<16xi1>
      %max3A_232 = arith.maximumf %gather3A_213, %gather3A_148 : vector<16xf32>
      tpu.vector_store_idx %arg8[%get3A_145], %max3A_232 masked %eq3A_203 : memref<10000xf32, #tpu.memory_space<vmem>>[vector<16xi32>], vector<16xf32>, vector<16xi1>
      %max3A_233 = arith.maximumf %gather3A_214, %gather3A_149 : vector<16xf32>
      tpu.vector_store_idx %arg9[%get3A_145], %max3A_233 masked %eq3A_203 : memref<10000xf32, #tpu.memory_space<vmem>>[vector<16xi32>], vector<16xf32>, vector<16xi1>
      %max3A_234 = arith.maximumf %gather3A_215, %sub3A_152 : vector<16xf32>
      tpu.vector_store_idx %arg10[%get3A_145], %max3A_234 masked %eq3A_203 : memref<10000xf32, #tpu.memory_space<vmem>>[vector<16xi32>], vector<16xf32>, vector<16xi1>
      %max3A_235 = arith.maximumf %gather3A_216, %gather3A_169 : vector<16xf32>
      tpu.vector_store_idx %arg6[%get3A_168], %max3A_235 masked %eq3A_204 : memref<10000xf32, #tpu.memory_space<vmem>>[vector<16xi32>], vector<16xf32>, vector<16xi1>
      %max3A_236 = arith.maximumf %gather3A_217, %gather3A_170 : vector<16xf32>
      tpu.vector_store_idx %arg7[%get3A_168], %max3A_236 masked %eq3A_204 : memref<10000xf32, #tpu.memory_space<vmem>>[vector<16xi32>], vector<16xf32>, vector<16xi1>
      %max3A_237 = arith.maximumf %gather3A_218, %gather3A_171 : vector<16xf32>
      tpu.vector_store_idx %arg8[%get3A_168], %max3A_237 masked %eq3A_204 : memref<10000xf32, #tpu.memory_space<vmem>>[vector<16xi32>], vector<16xf32>, vector<16xi1>
      %max3A_238 = arith.maximumf %gather3A_219, %gather3A_172 : vector<16xf32>
      tpu.vector_store_idx %arg9[%get3A_168], %max3A_238 masked %eq3A_204 : memref<10000xf32, #tpu.memory_space<vmem>>[vector<16xi32>], vector<16xf32>, vector<16xi1>
      %max3A_239 = arith.maximumf %gather3A_220, %sub3A_175 : vector<16xf32>
      tpu.vector_store_idx %arg10[%get3A_168], %max3A_239 masked %eq3A_204 : memref<10000xf32, #tpu.memory_space<vmem>>[vector<16xi32>], vector<16xf32>, vector<16xi1>
      %max3A_240 = arith.maximumf %gather3A_221, %gather3A_192 : vector<16xf32>
      tpu.vector_store_idx %arg6[%get3A_191], %max3A_240 masked %eq3A_205 : memref<10000xf32, #tpu.memory_space<vmem>>[vector<16xi32>], vector<16xf32>, vector<16xi1>
      %max3A_241 = arith.maximumf %gather3A_222, %gather3A_193 : vector<16xf32>
      tpu.vector_store_idx %arg7[%get3A_191], %max3A_241 masked %eq3A_205 : memref<10000xf32, #tpu.memory_space<vmem>>[vector<16xi32>], vector<16xf32>, vector<16xi1>
      %max3A_242 = arith.maximumf %gather3A_223, %gather3A_194 : vector<16xf32>
      tpu.vector_store_idx %arg8[%get3A_191], %max3A_242 masked %eq3A_205 : memref<10000xf32, #tpu.memory_space<vmem>>[vector<16xi32>], vector<16xf32>, vector<16xi1>
      %max3A_243 = arith.maximumf %gather3A_224, %gather3A_195 : vector<16xf32>
      tpu.vector_store_idx %arg9[%get3A_191], %max3A_243 masked %eq3A_205 : memref<10000xf32, #tpu.memory_space<vmem>>[vector<16xi32>], vector<16xf32>, vector<16xi1>
      %max3A_244 = arith.maximumf %gather3A_225, %sub3A_198 : vector<16xf32>
      tpu.vector_store_idx %arg10[%get3A_191], %max3A_244 masked %eq3A_205 : memref<10000xf32, #tpu.memory_space<vmem>>[vector<16xi32>], vector<16xf32>, vector<16xi1>
      %and3A = arith.andi %eq3A, %eq3A_203 : vector<16xi1>
      %and3A_245 = arith.andi %and3A, %eq3A_204 : vector<16xi1>
      %and3A_246 = arith.andi %and3A_245, %eq3A_205 : vector<16xi1>
      %not3A = arith.constant dense<true> : vector<16xi1>
      %not3A_247 = arith.xori %and3A_246, %not3A : vector<16xi1>
      %all_reduce_population_count3A = tpu.all_reduce %not3A_247 {dim = 0 : i64, kind = #tpu.reduction_kind<sum>} : vector<16xi1> -> vector<16xi32>
      %slice3A = vector.extract_strided_slice %all_reduce_population_count3A {offsets = [0], sizes = [1], strides = [1]} : vector<16xi32> to vector<1xi32>
      %squeeze3A = vector.extract %slice3A[0] : i32 from vector<1xi32>
      %gt3A = arith.constant 0 : i32
      %gt3A_248 = arith.cmpi sgt, %squeeze3A, %gt3A : i32
      %convert_element_type3A = arith.extui %gt3A_248 : i1 to i32
      %cond3A = arith.constant 0 : i32
      %cond3A_249 = arith.cmpi ne, %convert_element_type3A, %cond3A : i32
      scf.if %cond3A_249 {
        %not3A_250 = arith.constant dense<true> : vector<16xi1>
        %not3A_251 = arith.xori %eq3A, %not3A_250 : vector<16xi1>
        %while3A = scf.while (%while3A_261 = %not3A_251) : (vector<16xi1>) -> vector<16xi1> {
          %reduce_or3A = arith.constant 1.000000e+00 : f32
          %reduce_or3A_262 = arith.constant 0.000000e+00 : f32
          %reduce_or3A_263 = vector.broadcast %reduce_or3A : f32 to vector<16xf32>
          %reduce_or3A_264 = vector.broadcast %reduce_or3A_262 : f32 to vector<16xf32>
          %reduce_or3A_265 = arith.select %while3A_261, %reduce_or3A_263, %reduce_or3A_264 : vector<16xi1>, vector<16xf32>
          %reduce_or3A_266 = arith.constant true
          %reduce_or3A_267 = vector.broadcast %reduce_or3A_266 : i1 to vector<16xi1>
          %reduce_or3A_268 = tpu.scan <max>, %reduce_or3A_265 masked %reduce_or3A_267 : vector<16xf32>, vector<16xi1> -> vector<16xf32>
          %reduce_or3A_269 = vector.extract %reduce_or3A_268[15] : f32 from vector<16xf32>
          %reduce_or3A_270 = arith.constant 0.000000e+00 : f32
          %reduce_or3A_271 = arith.cmpf ogt, %reduce_or3A_269, %reduce_or3A_270 : f32
          scf.condition(%reduce_or3A_271) %while3A_261 : vector<16xi1>
        } do {
        ^bb0(%while3A_261: vector<16xi1>):
          tpu.vector_store_idx %arg11[%get3A_124], %iota3A masked %while3A_261 : memref<10000xi32, #tpu.memory_space<vmem>>[vector<16xi32>], vector<16xi32>, vector<16xi1>
          %gather3A_262 = tpu.vector_load_idx %arg11[%get3A_124] : memref<10000xi32, #tpu.memory_space<vmem>>[vector<16xi32>], vector<16xi32>,
          %eq3A_263 = arith.cmpi eq, %gather3A_262, %iota3A : vector<16xi32>
          %and3A_264 = arith.andi %eq3A_263, %while3A_261 : vector<16xi1>
          %gather3A_265 = tpu.vector_load_idx %arg6[%get3A_124] : memref<10000xf32, #tpu.memory_space<vmem>>[vector<16xi32>], vector<16xf32>,
          %max3A_266 = arith.maximumf %gather3A_265, %gather3A : vector<16xf32>
          tpu.vector_store_idx %arg6[%get3A_124], %max3A_266 masked %and3A_264 : memref<10000xf32, #tpu.memory_space<vmem>>[vector<16xi32>], vector<16xf32>, vector<16xi1>
          %gather3A_267 = tpu.vector_load_idx %arg7[%get3A_124] : memref<10000xf32, #tpu.memory_space<vmem>>[vector<16xi32>], vector<16xf32>,
          %max3A_268 = arith.maximumf %gather3A_267, %gather3A_125 : vector<16xf32>
          tpu.vector_store_idx %arg7[%get3A_124], %max3A_268 masked %and3A_264 : memref<10000xf32, #tpu.memory_space<vmem>>[vector<16xi32>], vector<16xf32>, vector<16xi1>
          %gather3A_269 = tpu.vector_load_idx %arg8[%get3A_124] : memref<10000xf32, #tpu.memory_space<vmem>>[vector<16xi32>], vector<16xf32>,
          %max3A_270 = arith.maximumf %gather3A_269, %gather3A_126 : vector<16xf32>
          tpu.vector_store_idx %arg8[%get3A_124], %max3A_270 masked %and3A_264 : memref<10000xf32, #tpu.memory_space<vmem>>[vector<16xi32>], vector<16xf32>, vector<16xi1>
          %gather3A_271 = tpu.vector_load_idx %arg9[%get3A_124] : memref<10000xf32, #tpu.memory_space<vmem>>[vector<16xi32>], vector<16xf32>,
          %max3A_272 = arith.maximumf %gather3A_271, %gather3A_127 : vector<16xf32>
          tpu.vector_store_idx %arg9[%get3A_124], %max3A_272 masked %and3A_264 : memref<10000xf32, #tpu.memory_space<vmem>>[vector<16xi32>], vector<16xf32>, vector<16xi1>
          %gather3A_273 = tpu.vector_load_idx %arg10[%get3A_124] : memref<10000xf32, #tpu.memory_space<vmem>>[vector<16xi32>], vector<16xf32>,
          %max3A_274 = arith.maximumf %gather3A_273, %sub3A : vector<16xf32>
          tpu.vector_store_idx %arg10[%get3A_124], %max3A_274 masked %and3A_264 : memref<10000xf32, #tpu.memory_space<vmem>>[vector<16xi32>], vector<16xf32>, vector<16xi1>
          %not3A_275 = arith.constant dense<true> : vector<16xi1>
          %not3A_276 = arith.xori %and3A_264, %not3A_275 : vector<16xi1>
          %and3A_277 = arith.andi %while3A_261, %not3A_276 : vector<16xi1>
          scf.yield %and3A_277 : vector<16xi1>
        }
        %not3A_252 = arith.constant dense<true> : vector<16xi1>
        %not3A_253 = arith.xori %eq3A_203, %not3A_252 : vector<16xi1>
        %while3A_254 = scf.while (%while3A_261 = %not3A_253) : (vector<16xi1>) -> vector<16xi1> {
          %reduce_or3A = arith.constant 1.000000e+00 : f32
          %reduce_or3A_262 = arith.constant 0.000000e+00 : f32
          %reduce_or3A_263 = vector.broadcast %reduce_or3A : f32 to vector<16xf32>
          %reduce_or3A_264 = vector.broadcast %reduce_or3A_262 : f32 to vector<16xf32>
          %reduce_or3A_265 = arith.select %while3A_261, %reduce_or3A_263, %reduce_or3A_264 : vector<16xi1>, vector<16xf32>
          %reduce_or3A_266 = arith.constant true
          %reduce_or3A_267 = vector.broadcast %reduce_or3A_266 : i1 to vector<16xi1>
          %reduce_or3A_268 = tpu.scan <max>, %reduce_or3A_265 masked %reduce_or3A_267 : vector<16xf32>, vector<16xi1> -> vector<16xf32>
          %reduce_or3A_269 = vector.extract %reduce_or3A_268[15] : f32 from vector<16xf32>
          %reduce_or3A_270 = arith.constant 0.000000e+00 : f32
          %reduce_or3A_271 = arith.cmpf ogt, %reduce_or3A_269, %reduce_or3A_270 : f32
          scf.condition(%reduce_or3A_271) %while3A_261 : vector<16xi1>
        } do {
        ^bb0(%while3A_261: vector<16xi1>):
          tpu.vector_store_idx %arg11[%get3A_145], %iota3A masked %while3A_261 : memref<10000xi32, #tpu.memory_space<vmem>>[vector<16xi32>], vector<16xi32>, vector<16xi1>
          %gather3A_262 = tpu.vector_load_idx %arg11[%get3A_145] : memref<10000xi32, #tpu.memory_space<vmem>>[vector<16xi32>], vector<16xi32>,
          %eq3A_263 = arith.cmpi eq, %gather3A_262, %iota3A : vector<16xi32>
          %and3A_264 = arith.andi %eq3A_263, %while3A_261 : vector<16xi1>
          %gather3A_265 = tpu.vector_load_idx %arg6[%get3A_145] : memref<10000xf32, #tpu.memory_space<vmem>>[vector<16xi32>], vector<16xf32>,
          %max3A_266 = arith.maximumf %gather3A_265, %gather3A_146 : vector<16xf32>
          tpu.vector_store_idx %arg6[%get3A_145], %max3A_266 masked %and3A_264 : memref<10000xf32, #tpu.memory_space<vmem>>[vector<16xi32>], vector<16xf32>, vector<16xi1>
          %gather3A_267 = tpu.vector_load_idx %arg7[%get3A_145] : memref<10000xf32, #tpu.memory_space<vmem>>[vector<16xi32>], vector<16xf32>,
          %max3A_268 = arith.maximumf %gather3A_267, %gather3A_147 : vector<16xf32>
          tpu.vector_store_idx %arg7[%get3A_145], %max3A_268 masked %and3A_264 : memref<10000xf32, #tpu.memory_space<vmem>>[vector<16xi32>], vector<16xf32>, vector<16xi1>
          %gather3A_269 = tpu.vector_load_idx %arg8[%get3A_145] : memref<10000xf32, #tpu.memory_space<vmem>>[vector<16xi32>], vector<16xf32>,
          %max3A_270 = arith.maximumf %gather3A_269, %gather3A_148 : vector<16xf32>
          tpu.vector_store_idx %arg8[%get3A_145], %max3A_270 masked %and3A_264 : memref<10000xf32, #tpu.memory_space<vmem>>[vector<16xi32>], vector<16xf32>, vector<16xi1>
          %gather3A_271 = tpu.vector_load_idx %arg9[%get3A_145] : memref<10000xf32, #tpu.memory_space<vmem>>[vector<16xi32>], vector<16xf32>,
          %max3A_272 = arith.maximumf %gather3A_271, %gather3A_149 : vector<16xf32>
          tpu.vector_store_idx %arg9[%get3A_145], %max3A_272 masked %and3A_264 : memref<10000xf32, #tpu.memory_space<vmem>>[vector<16xi32>], vector<16xf32>, vector<16xi1>
          %gather3A_273 = tpu.vector_load_idx %arg10[%get3A_145] : memref<10000xf32, #tpu.memory_space<vmem>>[vector<16xi32>], vector<16xf32>,
          %max3A_274 = arith.maximumf %gather3A_273, %sub3A_152 : vector<16xf32>
          tpu.vector_store_idx %arg10[%get3A_145], %max3A_274 masked %and3A_264 : memref<10000xf32, #tpu.memory_space<vmem>>[vector<16xi32>], vector<16xf32>, vector<16xi1>
          %not3A_275 = arith.constant dense<true> : vector<16xi1>
          %not3A_276 = arith.xori %and3A_264, %not3A_275 : vector<16xi1>
          %and3A_277 = arith.andi %while3A_261, %not3A_276 : vector<16xi1>
          scf.yield %and3A_277 : vector<16xi1>
        }
        %not3A_255 = arith.constant dense<true> : vector<16xi1>
        %not3A_256 = arith.xori %eq3A_204, %not3A_255 : vector<16xi1>
        %while3A_257 = scf.while (%while3A_261 = %not3A_256) : (vector<16xi1>) -> vector<16xi1> {
          %reduce_or3A = arith.constant 1.000000e+00 : f32
          %reduce_or3A_262 = arith.constant 0.000000e+00 : f32
          %reduce_or3A_263 = vector.broadcast %reduce_or3A : f32 to vector<16xf32>
          %reduce_or3A_264 = vector.broadcast %reduce_or3A_262 : f32 to vector<16xf32>
          %reduce_or3A_265 = arith.select %while3A_261, %reduce_or3A_263, %reduce_or3A_264 : vector<16xi1>, vector<16xf32>
          %reduce_or3A_266 = arith.constant true
          %reduce_or3A_267 = vector.broadcast %reduce_or3A_266 : i1 to vector<16xi1>
          %reduce_or3A_268 = tpu.scan <max>, %reduce_or3A_265 masked %reduce_or3A_267 : vector<16xf32>, vector<16xi1> -> vector<16xf32>
          %reduce_or3A_269 = vector.extract %reduce_or3A_268[15] : f32 from vector<16xf32>
          %reduce_or3A_270 = arith.constant 0.000000e+00 : f32
          %reduce_or3A_271 = arith.cmpf ogt, %reduce_or3A_269, %reduce_or3A_270 : f32
          scf.condition(%reduce_or3A_271) %while3A_261 : vector<16xi1>
        } do {
        ^bb0(%while3A_261: vector<16xi1>):
          tpu.vector_store_idx %arg11[%get3A_168], %iota3A masked %while3A_261 : memref<10000xi32, #tpu.memory_space<vmem>>[vector<16xi32>], vector<16xi32>, vector<16xi1>
          %gather3A_262 = tpu.vector_load_idx %arg11[%get3A_168] : memref<10000xi32, #tpu.memory_space<vmem>>[vector<16xi32>], vector<16xi32>,
          %eq3A_263 = arith.cmpi eq, %gather3A_262, %iota3A : vector<16xi32>
          %and3A_264 = arith.andi %eq3A_263, %while3A_261 : vector<16xi1>
          %gather3A_265 = tpu.vector_load_idx %arg6[%get3A_168] : memref<10000xf32, #tpu.memory_space<vmem>>[vector<16xi32>], vector<16xf32>,
          %max3A_266 = arith.maximumf %gather3A_265, %gather3A_169 : vector<16xf32>
          tpu.vector_store_idx %arg6[%get3A_168], %max3A_266 masked %and3A_264 : memref<10000xf32, #tpu.memory_space<vmem>>[vector<16xi32>], vector<16xf32>, vector<16xi1>
          %gather3A_267 = tpu.vector_load_idx %arg7[%get3A_168] : memref<10000xf32, #tpu.memory_space<vmem>>[vector<16xi32>], vector<16xf32>,
          %max3A_268 = arith.maximumf %gather3A_267, %gather3A_170 : vector<16xf32>
          tpu.vector_store_idx %arg7[%get3A_168], %max3A_268 masked %and3A_264 : memref<10000xf32, #tpu.memory_space<vmem>>[vector<16xi32>], vector<16xf32>, vector<16xi1>
          %gather3A_269 = tpu.vector_load_idx %arg8[%get3A_168] : memref<10000xf32, #tpu.memory_space<vmem>>[vector<16xi32>], vector<16xf32>,
          %max3A_270 = arith.maximumf %gather3A_269, %gather3A_171 : vector<16xf32>
          tpu.vector_store_idx %arg8[%get3A_168], %max3A_270 masked %and3A_264 : memref<10000xf32, #tpu.memory_space<vmem>>[vector<16xi32>], vector<16xf32>, vector<16xi1>
          %gather3A_271 = tpu.vector_load_idx %arg9[%get3A_168] : memref<10000xf32, #tpu.memory_space<vmem>>[vector<16xi32>], vector<16xf32>,
          %max3A_272 = arith.maximumf %gather3A_271, %gather3A_172 : vector<16xf32>
          tpu.vector_store_idx %arg9[%get3A_168], %max3A_272 masked %and3A_264 : memref<10000xf32, #tpu.memory_space<vmem>>[vector<16xi32>], vector<16xf32>, vector<16xi1>
          %gather3A_273 = tpu.vector_load_idx %arg10[%get3A_168] : memref<10000xf32, #tpu.memory_space<vmem>>[vector<16xi32>], vector<16xf32>,
          %max3A_274 = arith.maximumf %gather3A_273, %sub3A_175 : vector<16xf32>
          tpu.vector_store_idx %arg10[%get3A_168], %max3A_274 masked %and3A_264 : memref<10000xf32, #tpu.memory_space<vmem>>[vector<16xi32>], vector<16xf32>, vector<16xi1>
          %not3A_275 = arith.constant dense<true> : vector<16xi1>
          %not3A_276 = arith.xori %and3A_264, %not3A_275 : vector<16xi1>
          %and3A_277 = arith.andi %while3A_261, %not3A_276 : vector<16xi1>
          scf.yield %and3A_277 : vector<16xi1>
        }
        %not3A_258 = arith.constant dense<true> : vector<16xi1>
        %not3A_259 = arith.xori %eq3A_205, %not3A_258 : vector<16xi1>
        %while3A_260 = scf.while (%while3A_261 = %not3A_259) : (vector<16xi1>) -> vector<16xi1> {
          %reduce_or3A = arith.constant 1.000000e+00 : f32
          %reduce_or3A_262 = arith.constant 0.000000e+00 : f32
          %reduce_or3A_263 = vector.broadcast %reduce_or3A : f32 to vector<16xf32>
          %reduce_or3A_264 = vector.broadcast %reduce_or3A_262 : f32 to vector<16xf32>
          %reduce_or3A_265 = arith.select %while3A_261, %reduce_or3A_263, %reduce_or3A_264 : vector<16xi1>, vector<16xf32>
          %reduce_or3A_266 = arith.constant true
          %reduce_or3A_267 = vector.broadcast %reduce_or3A_266 : i1 to vector<16xi1>
          %reduce_or3A_268 = tpu.scan <max>, %reduce_or3A_265 masked %reduce_or3A_267 : vector<16xf32>, vector<16xi1> -> vector<16xf32>
          %reduce_or3A_269 = vector.extract %reduce_or3A_268[15] : f32 from vector<16xf32>
          %reduce_or3A_270 = arith.constant 0.000000e+00 : f32
          %reduce_or3A_271 = arith.cmpf ogt, %reduce_or3A_269, %reduce_or3A_270 : f32
          scf.condition(%reduce_or3A_271) %while3A_261 : vector<16xi1>
        } do {
        ^bb0(%while3A_261: vector<16xi1>):
          tpu.vector_store_idx %arg11[%get3A_191], %iota3A masked %while3A_261 : memref<10000xi32, #tpu.memory_space<vmem>>[vector<16xi32>], vector<16xi32>, vector<16xi1>
          %gather3A_262 = tpu.vector_load_idx %arg11[%get3A_191] : memref<10000xi32, #tpu.memory_space<vmem>>[vector<16xi32>], vector<16xi32>,
          %eq3A_263 = arith.cmpi eq, %gather3A_262, %iota3A : vector<16xi32>
          %and3A_264 = arith.andi %eq3A_263, %while3A_261 : vector<16xi1>
          %gather3A_265 = tpu.vector_load_idx %arg6[%get3A_191] : memref<10000xf32, #tpu.memory_space<vmem>>[vector<16xi32>], vector<16xf32>,
          %max3A_266 = arith.maximumf %gather3A_265, %gather3A_192 : vector<16xf32>
          tpu.vector_store_idx %arg6[%get3A_191], %max3A_266 masked %and3A_264 : memref<10000xf32, #tpu.memory_space<vmem>>[vector<16xi32>], vector<16xf32>, vector<16xi1>
          %gather3A_267 = tpu.vector_load_idx %arg7[%get3A_191] : memref<10000xf32, #tpu.memory_space<vmem>>[vector<16xi32>], vector<16xf32>,
          %max3A_268 = arith.maximumf %gather3A_267, %gather3A_193 : vector<16xf32>
          tpu.vector_store_idx %arg7[%get3A_191], %max3A_268 masked %and3A_264 : memref<10000xf32, #tpu.memory_space<vmem>>[vector<16xi32>], vector<16xf32>, vector<16xi1>
          %gather3A_269 = tpu.vector_load_idx %arg8[%get3A_191] : memref<10000xf32, #tpu.memory_space<vmem>>[vector<16xi32>], vector<16xf32>,
          %max3A_270 = arith.maximumf %gather3A_269, %gather3A_194 : vector<16xf32>
          tpu.vector_store_idx %arg8[%get3A_191], %max3A_270 masked %and3A_264 : memref<10000xf32, #tpu.memory_space<vmem>>[vector<16xi32>], vector<16xf32>, vector<16xi1>
          %gather3A_271 = tpu.vector_load_idx %arg9[%get3A_191] : memref<10000xf32, #tpu.memory_space<vmem>>[vector<16xi32>], vector<16xf32>,
          %max3A_272 = arith.maximumf %gather3A_271, %gather3A_195 : vector<16xf32>
          tpu.vector_store_idx %arg9[%get3A_191], %max3A_272 masked %and3A_264 : memref<10000xf32, #tpu.memory_space<vmem>>[vector<16xi32>], vector<16xf32>, vector<16xi1>
          %gather3A_273 = tpu.vector_load_idx %arg10[%get3A_191] : memref<10000xf32, #tpu.memory_space<vmem>>[vector<16xi32>], vector<16xf32>,
          %max3A_274 = arith.maximumf %gather3A_273, %sub3A_198 : vector<16xf32>
          tpu.vector_store_idx %arg10[%get3A_191], %max3A_274 masked %and3A_264 : memref<10000xf32, #tpu.memory_space<vmem>>[vector<16xi32>], vector<16xf32>, vector<16xi1>
          %not3A_275 = arith.constant dense<true> : vector<16xi1>
          %not3A_276 = arith.xori %and3A_264, %not3A_275 : vector<16xi1>
          %and3A_277 = arith.andi %while3A_261, %not3A_276 : vector<16xi1>
          scf.yield %and3A_277 : vector<16xi1>
        }
      } else {
      }
    }
    %scan3A_97 = arith.constant 40 : i32
    %scan3A_98 = arith.constant 0 : i32
    %scan3A_99 = arith.constant 0 : i32
    %scan3A_100 = arith.constant 625 : i32
    %scan3A_101 = arith.addi %scan3A_99, %scan3A_100 : i32
    %scan3A_102 = arith.constant 1 : i32
    scf.for %scan3A_109 = %scan3A_99 to %scan3A_101 step %scan3A_102  : i32 {
      %mul3A_110 = arith.constant 16 : i32
      %mul3A_111 = arith.muli %scan3A_109, %mul3A_110 : i32
      %get3A = arith.index_cast %mul3A_111 : i32 to index
      %get3A_112 = tpu.vector_load %arg6[%get3A] {strides = array<i32>} : memref<10000xf32, #tpu.memory_space<vmem>>, vector<16xf32>,
      %ge3A = arith.constant 0.000000e+00 : f32
      %ge3A_113 = vector.broadcast %ge3A : f32 to vector<16xf32>
      %ge3A_114 = arith.cmpf oge, %get3A_112, %ge3A_113 : vector<16xf32>
      %mul3A_115 = arith.constant 0.00999999977 : f32
      %mul3A_116 = vector.broadcast %mul3A_115 : f32 to vector<16xf32>
      %mul3A_117 = arith.mulf %mul3A_116, %get3A_112 : vector<16xf32>
      %select_n3A = arith.select %ge3A_114, %get3A_112, %mul3A_117 : vector<16xi1>, vector<16xf32>
      %mul3A_118 = arith.constant 16 : i32
      %mul3A_119 = arith.muli %scan3A_109, %mul3A_118 : i32
      %swap3A = arith.index_cast %mul3A_119 : i32 to index
      %swap3A_120 = tpu.vector_load %arg6[%swap3A] {strides = array<i32>} : memref<10000xf32, #tpu.memory_space<vmem>>, vector<16xf32>,
      tpu.vector_store %arg6[%swap3A], %select_n3A {strides = array<i32>} : memref<10000xf32, #tpu.memory_space<vmem>>, vector<16xf32>,
      %mul3A_121 = arith.constant 16 : i32
      %mul3A_122 = arith.muli %scan3A_109, %mul3A_121 : i32
      %get3A_123 = arith.index_cast %mul3A_122 : i32 to index
      %get3A_124 = tpu.vector_load %arg7[%get3A_123] {strides = array<i32>} : memref<10000xf32, #tpu.memory_space<vmem>>, vector<16xf32>,
      %ge3A_125 = arith.constant 0.000000e+00 : f32
      %ge3A_126 = vector.broadcast %ge3A_125 : f32 to vector<16xf32>
      %ge3A_127 = arith.cmpf oge, %get3A_124, %ge3A_126 : vector<16xf32>
      %mul3A_128 = arith.constant 0.00999999977 : f32
      %mul3A_129 = vector.broadcast %mul3A_128 : f32 to vector<16xf32>
      %mul3A_130 = arith.mulf %mul3A_129, %get3A_124 : vector<16xf32>
      %select_n3A_131 = arith.select %ge3A_127, %get3A_124, %mul3A_130 : vector<16xi1>, vector<16xf32>
      %mul3A_132 = arith.constant 16 : i32
      %mul3A_133 = arith.muli %scan3A_109, %mul3A_132 : i32
      %swap3A_134 = arith.index_cast %mul3A_133 : i32 to index
      %swap3A_135 = tpu.vector_load %arg7[%swap3A_134] {strides = array<i32>} : memref<10000xf32, #tpu.memory_space<vmem>>, vector<16xf32>,
      tpu.vector_store %arg7[%swap3A_134], %select_n3A_131 {strides = array<i32>} : memref<10000xf32, #tpu.memory_space<vmem>>, vector<16xf32>,
      %mul3A_136 = arith.constant 16 : i32
      %mul3A_137 = arith.muli %scan3A_109, %mul3A_136 : i32
      %get3A_138 = arith.index_cast %mul3A_137 : i32 to index
      %get3A_139 = tpu.vector_load %arg8[%get3A_138] {strides = array<i32>} : memref<10000xf32, #tpu.memory_space<vmem>>, vector<16xf32>,
      %ge3A_140 = arith.constant 0.000000e+00 : f32
      %ge3A_141 = vector.broadcast %ge3A_140 : f32 to vector<16xf32>
      %ge3A_142 = arith.cmpf oge, %get3A_139, %ge3A_141 : vector<16xf32>
      %mul3A_143 = arith.constant 0.00999999977 : f32
      %mul3A_144 = vector.broadcast %mul3A_143 : f32 to vector<16xf32>
      %mul3A_145 = arith.mulf %mul3A_144, %get3A_139 : vector<16xf32>
      %select_n3A_146 = arith.select %ge3A_142, %get3A_139, %mul3A_145 : vector<16xi1>, vector<16xf32>
      %mul3A_147 = arith.constant 16 : i32
      %mul3A_148 = arith.muli %scan3A_109, %mul3A_147 : i32
      %swap3A_149 = arith.index_cast %mul3A_148 : i32 to index
      %swap3A_150 = tpu.vector_load %arg8[%swap3A_149] {strides = array<i32>} : memref<10000xf32, #tpu.memory_space<vmem>>, vector<16xf32>,
      tpu.vector_store %arg8[%swap3A_149], %select_n3A_146 {strides = array<i32>} : memref<10000xf32, #tpu.memory_space<vmem>>, vector<16xf32>,
      %mul3A_151 = arith.constant 16 : i32
      %mul3A_152 = arith.muli %scan3A_109, %mul3A_151 : i32
      %get3A_153 = arith.index_cast %mul3A_152 : i32 to index
      %get3A_154 = tpu.vector_load %arg9[%get3A_153] {strides = array<i32>} : memref<10000xf32, #tpu.memory_space<vmem>>, vector<16xf32>,
      %ge3A_155 = arith.constant 0.000000e+00 : f32
      %ge3A_156 = vector.broadcast %ge3A_155 : f32 to vector<16xf32>
      %ge3A_157 = arith.cmpf oge, %get3A_154, %ge3A_156 : vector<16xf32>
      %mul3A_158 = arith.constant 0.00999999977 : f32
      %mul3A_159 = vector.broadcast %mul3A_158 : f32 to vector<16xf32>
      %mul3A_160 = arith.mulf %mul3A_159, %get3A_154 : vector<16xf32>
      %select_n3A_161 = arith.select %ge3A_157, %get3A_154, %mul3A_160 : vector<16xi1>, vector<16xf32>
      %mul3A_162 = arith.constant 16 : i32
      %mul3A_163 = arith.muli %scan3A_109, %mul3A_162 : i32
      %swap3A_164 = arith.index_cast %mul3A_163 : i32 to index
      %swap3A_165 = tpu.vector_load %arg9[%swap3A_164] {strides = array<i32>} : memref<10000xf32, #tpu.memory_space<vmem>>, vector<16xf32>,
      tpu.vector_store %arg9[%swap3A_164], %select_n3A_161 {strides = array<i32>} : memref<10000xf32, #tpu.memory_space<vmem>>, vector<16xf32>,
      %mul3A_166 = arith.constant 16 : i32
      %mul3A_167 = arith.muli %scan3A_109, %mul3A_166 : i32
      %get3A_168 = arith.index_cast %mul3A_167 : i32 to index
      %get3A_169 = tpu.vector_load %arg10[%get3A_168] {strides = array<i32>} : memref<10000xf32, #tpu.memory_space<vmem>>, vector<16xf32>,
      %ge3A_170 = arith.constant 0.000000e+00 : f32
      %ge3A_171 = vector.broadcast %ge3A_170 : f32 to vector<16xf32>
      %ge3A_172 = arith.cmpf oge, %get3A_169, %ge3A_171 : vector<16xf32>
      %mul3A_173 = arith.constant 0.00999999977 : f32
      %mul3A_174 = vector.broadcast %mul3A_173 : f32 to vector<16xf32>
      %mul3A_175 = arith.mulf %mul3A_174, %get3A_169 : vector<16xf32>
      %select_n3A_176 = arith.select %ge3A_172, %get3A_169, %mul3A_175 : vector<16xi1>, vector<16xf32>
      %mul3A_177 = arith.constant 16 : i32
      %mul3A_178 = arith.muli %scan3A_109, %mul3A_177 : i32
      %swap3A_179 = arith.index_cast %mul3A_178 : i32 to index
      %swap3A_180 = tpu.vector_load %arg10[%swap3A_179] {strides = array<i32>} : memref<10000xf32, #tpu.memory_space<vmem>>, vector<16xf32>,
      tpu.vector_store %arg10[%swap3A_179], %select_n3A_176 {strides = array<i32>} : memref<10000xf32, #tpu.memory_space<vmem>>, vector<16xf32>,
    }
    %scan3A_103 = arith.constant 625 : i32
    %run_scoped3A_104 = arith.constant 0 : i32
    "tpu.region"() ({
      %run_scoped3A_109 = tpu.sem_alloc : memref<!tpu.dma_semaphore, #tpu.memory_space<semaphore_mem>>
      %dma_start3A_110 = arith.constant 0 : i32
      %dma_start3A_111 = tpu.memref_slice %arg4[%add3A, %run_scoped3A_104, %dma_start3A_110] : memref<32x5x10000xf32, #tpu.memory_space<hbm>> -> memref<1x1x10000xf32, #tpu.memory_space<hbm>>
      %dma_start3A_112 = tpu.memref_squeeze %dma_start3A_111 : memref<1x1x10000xf32, #tpu.memory_space<hbm>> -> memref<10000xf32, #tpu.memory_space<hbm>>
      %dma_start3A_113 = arith.constant 0 : i32
      %dma_start3A_114 = tpu.memref_slice %arg4[%add3A, %run_scoped3A_104, %dma_start3A_113] : memref<32x5x10000xf32, #tpu.memory_space<hbm>> -> memref<1x1x10000xf32, #tpu.memory_space<hbm>>
      %dma_start3A_115 = tpu.memref_squeeze %dma_start3A_114 : memref<1x1x10000xf32, #tpu.memory_space<hbm>> -> memref<10000xf32, #tpu.memory_space<hbm>>
      tpu.enqueue_dma source(%arg6 : memref<10000xf32, #tpu.memory_space<vmem>>) target(%dma_start3A_115 : memref<10000xf32, #tpu.memory_space<hbm>>) target_semaphore(%run_scoped3A_109 : memref<!tpu.dma_semaphore, #tpu.memory_space<semaphore_mem>>)
      %dma_wait3A_116 = arith.constant 0 : i32
      %dma_wait3A_117 = tpu.memref_slice %arg4[%add3A, %run_scoped3A_104, %dma_wait3A_116] : memref<32x5x10000xf32, #tpu.memory_space<hbm>> -> memref<1x1x10000xf32, #tpu.memory_space<hbm>>
      %dma_wait3A_118 = tpu.memref_squeeze %dma_wait3A_117 : memref<1x1x10000xf32, #tpu.memory_space<hbm>> -> memref<10000xf32, #tpu.memory_space<hbm>>
      %dma_wait3A_119 = arith.constant 0 : i32
      %dma_wait3A_120 = tpu.memref_slice %arg4[%add3A, %run_scoped3A_104, %dma_wait3A_119] : memref<32x5x10000xf32, #tpu.memory_space<hbm>> -> memref<1x1x10000xf32, #tpu.memory_space<hbm>>
      %dma_wait3A_121 = tpu.memref_squeeze %dma_wait3A_120 : memref<1x1x10000xf32, #tpu.memory_space<hbm>> -> memref<10000xf32, #tpu.memory_space<hbm>>
      tpu.wait_dma2 semaphore(%run_scoped3A_109 : memref<!tpu.dma_semaphore, #tpu.memory_space<semaphore_mem>>) src(%arg6 : memref<10000xf32, #tpu.memory_space<vmem>>) dst(%dma_wait3A_121 : memref<10000xf32, #tpu.memory_space<hbm>>)
      tpu.yield
    }) : () -> ()
    %run_scoped3A_105 = arith.constant 1 : i32
    "tpu.region"() ({
      %run_scoped3A_109 = tpu.sem_alloc : memref<!tpu.dma_semaphore, #tpu.memory_space<semaphore_mem>>
      %dma_start3A_110 = arith.constant 0 : i32
      %dma_start3A_111 = tpu.memref_slice %arg4[%add3A, %run_scoped3A_105, %dma_start3A_110] : memref<32x5x10000xf32, #tpu.memory_space<hbm>> -> memref<1x1x10000xf32, #tpu.memory_space<hbm>>
      %dma_start3A_112 = tpu.memref_squeeze %dma_start3A_111 : memref<1x1x10000xf32, #tpu.memory_space<hbm>> -> memref<10000xf32, #tpu.memory_space<hbm>>
      %dma_start3A_113 = arith.constant 0 : i32
      %dma_start3A_114 = tpu.memref_slice %arg4[%add3A, %run_scoped3A_105, %dma_start3A_113] : memref<32x5x10000xf32, #tpu.memory_space<hbm>> -> memref<1x1x10000xf32, #tpu.memory_space<hbm>>
      %dma_start3A_115 = tpu.memref_squeeze %dma_start3A_114 : memref<1x1x10000xf32, #tpu.memory_space<hbm>> -> memref<10000xf32, #tpu.memory_space<hbm>>
      tpu.enqueue_dma source(%arg7 : memref<10000xf32, #tpu.memory_space<vmem>>) target(%dma_start3A_115 : memref<10000xf32, #tpu.memory_space<hbm>>) target_semaphore(%run_scoped3A_109 : memref<!tpu.dma_semaphore, #tpu.memory_space<semaphore_mem>>)
      %dma_wait3A_116 = arith.constant 0 : i32
      %dma_wait3A_117 = tpu.memref_slice %arg4[%add3A, %run_scoped3A_105, %dma_wait3A_116] : memref<32x5x10000xf32, #tpu.memory_space<hbm>> -> memref<1x1x10000xf32, #tpu.memory_space<hbm>>
      %dma_wait3A_118 = tpu.memref_squeeze %dma_wait3A_117 : memref<1x1x10000xf32, #tpu.memory_space<hbm>> -> memref<10000xf32, #tpu.memory_space<hbm>>
      %dma_wait3A_119 = arith.constant 0 : i32
      %dma_wait3A_120 = tpu.memref_slice %arg4[%add3A, %run_scoped3A_105, %dma_wait3A_119] : memref<32x5x10000xf32, #tpu.memory_space<hbm>> -> memref<1x1x10000xf32, #tpu.memory_space<hbm>>
      %dma_wait3A_121 = tpu.memref_squeeze %dma_wait3A_120 : memref<1x1x10000xf32, #tpu.memory_space<hbm>> -> memref<10000xf32, #tpu.memory_space<hbm>>
      tpu.wait_dma2 semaphore(%run_scoped3A_109 : memref<!tpu.dma_semaphore, #tpu.memory_space<semaphore_mem>>) src(%arg7 : memref<10000xf32, #tpu.memory_space<vmem>>) dst(%dma_wait3A_121 : memref<10000xf32, #tpu.memory_space<hbm>>)
      tpu.yield
    }) : () -> ()
    %run_scoped3A_106 = arith.constant 2 : i32
    "tpu.region"() ({
      %run_scoped3A_109 = tpu.sem_alloc : memref<!tpu.dma_semaphore, #tpu.memory_space<semaphore_mem>>
      %dma_start3A_110 = arith.constant 0 : i32
      %dma_start3A_111 = tpu.memref_slice %arg4[%add3A, %run_scoped3A_106, %dma_start3A_110] : memref<32x5x10000xf32, #tpu.memory_space<hbm>> -> memref<1x1x10000xf32, #tpu.memory_space<hbm>>
      %dma_start3A_112 = tpu.memref_squeeze %dma_start3A_111 : memref<1x1x10000xf32, #tpu.memory_space<hbm>> -> memref<10000xf32, #tpu.memory_space<hbm>>
      %dma_start3A_113 = arith.constant 0 : i32
      %dma_start3A_114 = tpu.memref_slice %arg4[%add3A, %run_scoped3A_106, %dma_start3A_113] : memref<32x5x10000xf32, #tpu.memory_space<hbm>> -> memref<1x1x10000xf32, #tpu.memory_space<hbm>>
      %dma_start3A_115 = tpu.memref_squeeze %dma_start3A_114 : memref<1x1x10000xf32, #tpu.memory_space<hbm>> -> memref<10000xf32, #tpu.memory_space<hbm>>
      tpu.enqueue_dma source(%arg8 : memref<10000xf32, #tpu.memory_space<vmem>>) target(%dma_start3A_115 : memref<10000xf32, #tpu.memory_space<hbm>>) target_semaphore(%run_scoped3A_109 : memref<!tpu.dma_semaphore, #tpu.memory_space<semaphore_mem>>)
      %dma_wait3A_116 = arith.constant 0 : i32
      %dma_wait3A_117 = tpu.memref_slice %arg4[%add3A, %run_scoped3A_106, %dma_wait3A_116] : memref<32x5x10000xf32, #tpu.memory_space<hbm>> -> memref<1x1x10000xf32, #tpu.memory_space<hbm>>
      %dma_wait3A_118 = tpu.memref_squeeze %dma_wait3A_117 : memref<1x1x10000xf32, #tpu.memory_space<hbm>> -> memref<10000xf32, #tpu.memory_space<hbm>>
      %dma_wait3A_119 = arith.constant 0 : i32
      %dma_wait3A_120 = tpu.memref_slice %arg4[%add3A, %run_scoped3A_106, %dma_wait3A_119] : memref<32x5x10000xf32, #tpu.memory_space<hbm>> -> memref<1x1x10000xf32, #tpu.memory_space<hbm>>
      %dma_wait3A_121 = tpu.memref_squeeze %dma_wait3A_120 : memref<1x1x10000xf32, #tpu.memory_space<hbm>> -> memref<10000xf32, #tpu.memory_space<hbm>>
      tpu.wait_dma2 semaphore(%run_scoped3A_109 : memref<!tpu.dma_semaphore, #tpu.memory_space<semaphore_mem>>) src(%arg8 : memref<10000xf32, #tpu.memory_space<vmem>>) dst(%dma_wait3A_121 : memref<10000xf32, #tpu.memory_space<hbm>>)
      tpu.yield
    }) : () -> ()
    %run_scoped3A_107 = arith.constant 3 : i32
    "tpu.region"() ({
      %run_scoped3A_109 = tpu.sem_alloc : memref<!tpu.dma_semaphore, #tpu.memory_space<semaphore_mem>>
      %dma_start3A_110 = arith.constant 0 : i32
      %dma_start3A_111 = tpu.memref_slice %arg4[%add3A, %run_scoped3A_107, %dma_start3A_110] : memref<32x5x10000xf32, #tpu.memory_space<hbm>> -> memref<1x1x10000xf32, #tpu.memory_space<hbm>>
      %dma_start3A_112 = tpu.memref_squeeze %dma_start3A_111 : memref<1x1x10000xf32, #tpu.memory_space<hbm>> -> memref<10000xf32, #tpu.memory_space<hbm>>
      %dma_start3A_113 = arith.constant 0 : i32
      %dma_start3A_114 = tpu.memref_slice %arg4[%add3A, %run_scoped3A_107, %dma_start3A_113] : memref<32x5x10000xf32, #tpu.memory_space<hbm>> -> memref<1x1x10000xf32, #tpu.memory_space<hbm>>
      %dma_start3A_115 = tpu.memref_squeeze %dma_start3A_114 : memref<1x1x10000xf32, #tpu.memory_space<hbm>> -> memref<10000xf32, #tpu.memory_space<hbm>>
      tpu.enqueue_dma source(%arg9 : memref<10000xf32, #tpu.memory_space<vmem>>) target(%dma_start3A_115 : memref<10000xf32, #tpu.memory_space<hbm>>) target_semaphore(%run_scoped3A_109 : memref<!tpu.dma_semaphore, #tpu.memory_space<semaphore_mem>>)
      %dma_wait3A_116 = arith.constant 0 : i32
      %dma_wait3A_117 = tpu.memref_slice %arg4[%add3A, %run_scoped3A_107, %dma_wait3A_116] : memref<32x5x10000xf32, #tpu.memory_space<hbm>> -> memref<1x1x10000xf32, #tpu.memory_space<hbm>>
      %dma_wait3A_118 = tpu.memref_squeeze %dma_wait3A_117 : memref<1x1x10000xf32, #tpu.memory_space<hbm>> -> memref<10000xf32, #tpu.memory_space<hbm>>
      %dma_wait3A_119 = arith.constant 0 : i32
      %dma_wait3A_120 = tpu.memref_slice %arg4[%add3A, %run_scoped3A_107, %dma_wait3A_119] : memref<32x5x10000xf32, #tpu.memory_space<hbm>> -> memref<1x1x10000xf32, #tpu.memory_space<hbm>>
      %dma_wait3A_121 = tpu.memref_squeeze %dma_wait3A_120 : memref<1x1x10000xf32, #tpu.memory_space<hbm>> -> memref<10000xf32, #tpu.memory_space<hbm>>
      tpu.wait_dma2 semaphore(%run_scoped3A_109 : memref<!tpu.dma_semaphore, #tpu.memory_space<semaphore_mem>>) src(%arg9 : memref<10000xf32, #tpu.memory_space<vmem>>) dst(%dma_wait3A_121 : memref<10000xf32, #tpu.memory_space<hbm>>)
      tpu.yield
    }) : () -> ()
    %run_scoped3A_108 = arith.constant 4 : i32
    "tpu.region"() ({
      %run_scoped3A_109 = tpu.sem_alloc : memref<!tpu.dma_semaphore, #tpu.memory_space<semaphore_mem>>
      %dma_start3A_110 = arith.constant 0 : i32
      %dma_start3A_111 = tpu.memref_slice %arg4[%add3A, %run_scoped3A_108, %dma_start3A_110] : memref<32x5x10000xf32, #tpu.memory_space<hbm>> -> memref<1x1x10000xf32, #tpu.memory_space<hbm>>
      %dma_start3A_112 = tpu.memref_squeeze %dma_start3A_111 : memref<1x1x10000xf32, #tpu.memory_space<hbm>> -> memref<10000xf32, #tpu.memory_space<hbm>>
      %dma_start3A_113 = arith.constant 0 : i32
      %dma_start3A_114 = tpu.memref_slice %arg4[%add3A, %run_scoped3A_108, %dma_start3A_113] : memref<32x5x10000xf32, #tpu.memory_space<hbm>> -> memref<1x1x10000xf32, #tpu.memory_space<hbm>>
      %dma_start3A_115 = tpu.memref_squeeze %dma_start3A_114 : memref<1x1x10000xf32, #tpu.memory_space<hbm>> -> memref<10000xf32, #tpu.memory_space<hbm>>
      tpu.enqueue_dma source(%arg10 : memref<10000xf32, #tpu.memory_space<vmem>>) target(%dma_start3A_115 : memref<10000xf32, #tpu.memory_space<hbm>>) target_semaphore(%run_scoped3A_109 : memref<!tpu.dma_semaphore, #tpu.memory_space<semaphore_mem>>)
      %dma_wait3A_116 = arith.constant 0 : i32
      %dma_wait3A_117 = tpu.memref_slice %arg4[%add3A, %run_scoped3A_108, %dma_wait3A_116] : memref<32x5x10000xf32, #tpu.memory_space<hbm>> -> memref<1x1x10000xf32, #tpu.memory_space<hbm>>
      %dma_wait3A_118 = tpu.memref_squeeze %dma_wait3A_117 : memref<1x1x10000xf32, #tpu.memory_space<hbm>> -> memref<10000xf32, #tpu.memory_space<hbm>>
      %dma_wait3A_119 = arith.constant 0 : i32
      %dma_wait3A_120 = tpu.memref_slice %arg4[%add3A, %run_scoped3A_108, %dma_wait3A_119] : memref<32x5x10000xf32, #tpu.memory_space<hbm>> -> memref<1x1x10000xf32, #tpu.memory_space<hbm>>
      %dma_wait3A_121 = tpu.memref_squeeze %dma_wait3A_120 : memref<1x1x10000xf32, #tpu.memory_space<hbm>> -> memref<10000xf32, #tpu.memory_space<hbm>>
      tpu.wait_dma2 semaphore(%run_scoped3A_109 : memref<!tpu.dma_semaphore, #tpu.memory_space<semaphore_mem>>) src(%arg10 : memref<10000xf32, #tpu.memory_space<vmem>>) dst(%dma_wait3A_121 : memref<10000xf32, #tpu.memory_space<hbm>>)
      tpu.yield
    }) : () -> ()
    return
  }
}

</mosaic_0001>

<sc_bundles>
// kernel: kernel.3.cloned.1.call-start
scs
__scs_entry_jumppad:
0x0: {  	(pc) =	sbr.rel $0x88, $3  }
0x1: {  	(tag) =	ssettag $0x0;
	lr =	simm.s32 $0x1  }
0x2: {  	[smem:$0x3F9E] =	sst lr;
	_ =	strace $0xD0000000  }
0x3: {  	_ = 	snop  }
0x4: {  	_ = 	snop  }
0x5: {  	_ = 	snop  }
0x6: {  	_ = 	snop  }
0x7: {  	_ = 	snop  }
__scs_overlays_trampoline_lowered:
0x8: {  	[smem:$0x3FAD] =	sst s0  }
0x9: {  	[smem:$0x3FAE] =	sst s1  }
0xa: {  	[smem:$0x3FAF] =	sst s2  }
0xb: {  	[smem:$0x3FB0] =	sst s3  }
0xc: {  	[smem:$0x3FB1] =	sst s4  }
0xd: {  	[smem:$0x3FB2] =	sst s5  }
0xe: {  	[smem:$0x3FB3] =	sst s6  }
0xf: {  	[smem:$0x3FB4] =	sst s7  }
0x10: {  	[smem:$0x3FB5] =	sst s8  }
0x11: {  	[smem:$0x3FB6] =	sst s9;
	s0 =	simm.s32 @!p0 $0x0  }
0x12: {  	s1 =	sld [smem:$0x3F9C];
	s0 =	simm.s32 @p0 $0x1  }
0x13: {  	[smem:$0x3FB7] =	sst s0;
	s0 =	simm.s32 @!p1 $0x0  }
0x14: {  	s2 =	sld [smem:$0x3F9B];
	s0 =	simm.s32 @p1 $0x1  }
0x15: {  	[smem:$0x3FB8] =	sst s0;
	s0 =	simm.s32 @!p2 $0x0  }
0x16: {  	s3 =	sld [smem:$0x3FDB];
	s0 =	simm.s32 @p2 $0x1  }
0x17: {  	s4 =	simm.s32 $0x1BF5;
	[smem:$0x3FBA] =	sst s0  }
0x18: {  	s0 =	sld [smem:$0x3F9D];
	_ =	swait.ge [sflag:s4], $0x0  }
0x19: {  	s7 =	sld [smem:$0x3F9E]  }
0x1a: {  	s8 =	sadd.s32 $0xFFFFE003, lr  }
0x1b: {  	s9 =	sadd.s32 $0xFFFFFEF7, lr;
	s5 =	simm.s32 $0xFFFFFFFF;
	p2 =	slt.u32 s8, $0xFFFFF086  }
0x1c: {  	p1 =	slt.u32 s9, $0xF7A;
	s5 =	simm.s32 @!p2 $0x0  }
0x1d: {  	s5 =	simm.s32 @p1 $0x1;
	p0 =	seq.s32 s7, s2  }
0x1e: {  	s7 =	smul.u32 @!p0 $0xF7A, s2;
	p2 =	seq.s32 @!p0 s5, $0x0  }
0x1f: {  	s9 =	smul.u32 $0xF7A, s1;
	s8 =	simm.s32 @!p0 $0x1BF5;
	p2 =	por !p2, p0  }
0x20: {  	[sflag:s8] =	ssyncset.s32 @!p0 $0xFFFFF086;
	s6 =	sadd.s32 @!p0 s3, s7;
	s7 =	simm.s32 @!p0 $0x108  }
0x21: {  	s3 =	sadd.s32 s3, s9;
	s6 =	sadd.s32 @!p0 $0x88, s6;
	s7 =	simm.s32 @p2 $0x1082  }
0x22: {  	[simem:s7], [sflag:s8] =	dma.local @!p0 [hbm:s6], $0xF7A  }
0x23: {  	s9 =	sor.u32 $0xD0000000, s2;
	s6 =	simm.s32 $0x108;
	_ =	swait.ge @!p0 [sflag:s8], $0x0  }
0x24: {  	s3 =	sadd.s32 $0x88, s3;
	s6 =	simm.s32 @!p1 $0x1082;
	[sflag:s4] =	ssyncset.s32 $0xFFFFF086  }
0x25: {  	[simem:s6], [sflag:s4] =	dma.local [hbm:s3], $0xF7A  }
0x26: {  	[smem:$0x3F9E] =	sst s1;
	(tag) =	ssettag s2;
	_ =	strace s9  }
0x27: {  	s1 =	sld [smem:$0x3FAE]  }
0x28: {  	s2 =	sld [smem:$0x3FAF]  }
0x29: {  	s4 =	sld [smem:$0x3FB1]  }
0x2a: {  	p0 =	seq.s32 s5, $0x0;
	s5 =	sld [smem:$0x3FB2]  }
0x2b: {  	s6 =	sld [smem:$0x3FB3]  }
0x2c: {  	s7 =	sld [smem:$0x3FB4]  }
0x2d: {  	s3 =	simm.s32 $0x108;
	s8 =	sld [smem:$0x3FB5]  }
0x2e: {  	s3 =	simm.s32 @!p0 $0x1082;
	s9 =	sld [smem:$0x3FB6]  }
0x2f: {  	lr =	sadd.s32 s0, s3;
	s0 =	sld [smem:$0x3FAD]  }
0x30: {  	s3 =	sld [smem:$0x3FB0]  }
0x31: {  	[smem:$0x3FB9] =	sst s10  }
0x32: {  	s10 =	sld [smem:$0x3FB7];
	_ =	sdelay $0x3  }
0x33: {  	p0 =	seq.s32 s10, $0x1;
	s10 =	sld [smem:$0x3FB9];
	_ =	sdelay $0x3  }
0x34: {  	[smem:$0x3FB9] =	sst s10  }
0x35: {  	s10 =	sld [smem:$0x3FB8];
	_ =	sdelay $0x3  }
0x36: {  	p1 =	seq.s32 s10, $0x1;
	s10 =	sld [smem:$0x3FB9];
	_ =	sdelay $0x3  }
0x37: {  	[smem:$0x3FB9] =	sst s10  }
0x38: {  	s10 =	sld [smem:$0x3FBA]  }
0x39: {  	_ = 	snop;
	(pc) =	sbr.ind lr, $3  }
0x3a: {  	_ = 	snop  }
0x3b: {  	_ = 	snop  }
0x3c: {  	p2 =	seq.s32 s10, $0x1;
	s10 =	sld [smem:$0x3FB9]  }
0x3d: {  	_ =	shalt  }
0x3e: {  	_ =	shalt  }
0x3f: {  	_ =	shalt  }
0x40: {  	_ =	shalt  }
0x41: {  	_ =	shalt  }
0x42: {  	_ =	shalt  }
0x43: {  	_ =	shalt  }
0x44: {  	_ =	shalt  }
0x45: {  	_ =	shalt  }
0x46: {  	_ =	shalt  }
0x47: {  	_ =	shalt  }
0x48: {  	_ =	shalt  }
0x49: {  	_ =	shalt  }
0x4a: {  	_ =	shalt  }
0x4b: {  	_ =	shalt  }
0x4c: {  	_ =	shalt  }
0x4d: {  	_ =	shalt  }
0x4e: {  	_ =	shalt  }
0x4f: {  	_ =	shalt  }
0x50: {  	_ =	shalt  }
0x51: {  	_ =	shalt  }
0x52: {  	_ =	shalt  }
0x53: {  	_ =	shalt  }
0x54: {  	_ =	shalt  }
0x55: {  	_ =	shalt  }
0x56: {  	_ =	shalt  }
0x57: {  	_ =	shalt  }
0x58: {  	_ =	shalt  }
0x59: {  	_ =	shalt  }
0x5a: {  	_ =	shalt  }
0x5b: {  	_ =	shalt  }
0x5c: {  	_ =	shalt  }
0x5d: {  	_ =	shalt  }
0x5e: {  	_ =	shalt  }
0x5f: {  	_ =	shalt  }
0x60: {  	_ =	shalt  }
0x61: {  	_ =	shalt  }
0x62: {  	_ =	shalt  }
0x63: {  	_ =	shalt  }
0x64: {  	_ =	shalt  }
0x65: {  	_ =	shalt  }
0x66: {  	_ =	shalt  }
0x67: {  	_ =	shalt  }
0x68: {  	_ =	shalt  }
0x69: {  	_ =	shalt  }
0x6a: {  	_ =	shalt  }
0x6b: {  	_ =	shalt  }
0x6c: {  	_ =	shalt  }
0x6d: {  	_ =	shalt  }
0x6e: {  	_ =	shalt  }
0x6f: {  	_ =	shalt  }
0x70: {  	_ =	shalt  }
0x71: {  	_ =	shalt  }
0x72: {  	_ =	shalt  }
0x73: {  	_ =	shalt  }
0x74: {  	_ =	shalt  }
0x75: {  	_ =	shalt  }
0x76: {  	_ =	shalt  }
0x77: {  	_ =	shalt  }
0x78: {  	_ =	shalt  }
0x79: {  	_ =	shalt  }
0x7a: {  	_ =	shalt  }
0x7b: {  	_ =	shalt  }
0x7c: {  	_ =	shalt  }
0x7d: {  	_ =	shalt  }
0x7e: {  	_ =	shalt  }
0x7f: {  	_ =	shalt  }
0x80: {  	_ =	shalt  }
0x81: {  	_ =	shalt  }
0x82: {  	_ =	shalt  }
0x83: {  	_ =	shalt  }
0x84: {  	_ =	shalt  }
0x85: {  	_ =	shalt  }
0x86: {  	_ =	shalt  }
0x87: {  	_ =	shalt  }
.Lfunc_end0:
.L_simem_size_0:
called_computation_lowered:
.L_overlay_start_0:
0x88: {  	s2 =	sld [smem:$0x3FD9]  }
0x89: {  	s3 =	sld [smem:$0x3FFE];
	_ =	sdelay $0x1  }
0x8a: {  	s1 =	srdreg.scid  }
0x8b: {  	s0 =	sand.u32 $0x1, s1  }
0x8c: {  	s17 =	sshll.u32 s0, $0xA;
	s2 =	sadd.s32 s3, s2  }
0x8d: {  	s2 =	sadd.s32 s2, s17  }
0x8e: {  	[smem:$0x3FC5] =	sst s2  }
0x8f: {  	_ = 	snop  }
0x90: {  	s2 =	sld [smem:$0x3FD0];
	(tm) =	ssettm $0x1  }
0x91: {  	s18 =	sld [smem:$0x3FFB];
	_ =	sdelay $0x3  }
0x92: {  	_ =	strace s18  }
0x93: {  	s3 =	sld [smem:$0x3FFC];
	_ =	sdelay $0x3  }
0x94: {  	_ =	strace s3  }
0x95: {  	s3 =	sld [smem:$0x3FFD];
	_ =	sdelay $0x3  }
0x96: {  	_ =	strace s3  }
0x97: {  	_ =	strace $0x8FFFFFFF  }
0x98: {  	s19 =	sld [smem:$0x3FDB];
	_ =	sdelay $0x1  }
0x99: {  	s4 =	simm.s32 $_scs_section_size  }
0x9a: {  	s5 =	simm.s32 $_size__tile_overlayer_lowered;
	s6 =	simm.s32 $_tile_overlayer_lowered  }
0x9b: {  	s22 =	simm.s32 $0x1BFF;
	s21 =	sshll.u32 s6, $0x1;
	s3 =	sadd.s32 s4, s19  }
0x9c: {  	s7 =	simm.s32 $0x0;
	s20 =	sshll.u32 s5, $0x1;
	s5 =	sadd.s32 s21, s3  }
0x9d: {  	[timem:s7], [sflag:s22] =	dma.local [hbm:s5], s20  }
0x9e: {  	_ =	swait.ge [sflag:s22], s20  }
0x9f: {  	s4 =	ssub.s32 $0x0, s20;
	[sflag:s22] =	ssyncset.done $0x0  }
0xa0: {  	[sflag:s22] =	ssyncadd.s32 s4;
	_ =	sdelay $0x1  }
0xa1: {  	s23 =	simm.s32 $0x1B8B  }
0xa2: {  	_ =	swait.ge [sflag:s23], $0x1  }
0xa3: {  	[sflag:s23] =	ssyncset.done $0x0  }
0xa4: {  	s25 =	simm.s32 $0x1B8E;
	s24 =	sld [smem:$0x3FFE];
	[sflag:s23] =	ssyncadd.s32 $0xFFFFFFFF  }
0xa5: {  	s26 =	simm.s32 $execute0_lowered;
	[smem:$0x3FD2] =	sst s25  }
0xa6: {  	s5 =	sshll.u32 s26, $0x1;
	_ =	strace $0x80000046;
	[dreg:$0x1] =	wrdreg $0xFFFFFFFF  }
0xa7: {  	s28 =	simm.s32 $_size_execute0_lowered;
	s3 =	sadd.s32 s3, s5;
	[dreg:$0x0] =	wrdreg $0x0  }
0xa8: {  	s5 =	sshll.u32 s28, $0x1;
	[dreg:$0x2] =	wrdreg s3  }
0xa9: {  	[dreg:$0x3] =	wrdreg s5  }
0xaa: {  	[dreg:$0x4] =	wrdreg $0xC0  }
0xab: {  	_ =	task [dreg:s7], $0x5FFFF  }
0xac: {  	[dreg:$0x1] =	wrdreg $0xFFFFFFFF  }
0xad: {  	[dreg:$0x0] =	wrdreg $0x60  }
0xae: {  	[dreg:$0x2] =	wrdreg s24  }
0xaf: {  	[dreg:$0x3] =	wrdreg s2  }
0xb0: {  	[dreg:$0x4] =	wrdreg $0x9  }
0xb1: {  	_ =	task.clear_ibuf [dreg:s7], $0x5FFFF;
	_ =	strace $0x90000046  }
0xb2: {  	s29 =	simm.s32 $0x9;
	_ =	strace $0x80000048  }
0xb3: {  	_ =	swait.ge [sflag:s29], $0x1  }
0xb4: {  	[sflag:s29] =	ssyncadd.s32 $0xFFFFFFFF  }
0xb5: {  	_ =	strace $0x90000048  }
0xb6: {  	_ =	sfence  }
0xb7: {  	s30 =	sld [smem:$0x0];
	_ =	sdelay $0x2  }
0xb8: {  	s31 =	sshll.u32 s1, $0xD;
	s1 =	sshrl.u32 s1, $0x2  }
0xb9: {  	s3 =	sand.u32 $0x4000, s31;
	s1 =	sadd.s32 s1, s30  }
0xba: {  	s0 =	sor.u32 s3, s0;
	s1 =	sshll.u32 s1, $0x11  }
0xbb: {  	s0 =	sor.u32 s1, s0  }
0xbc: {  	s0 =	sadd.s32 $0x8F2B, s0  }
0xbd: {  	[sflag:s0] =	ssyncadd.remote.s32 $0x1  }
0xbe: {  	_ =	sfence.sel $0xFFFF  }
0xbf: {  	[dreg:$0x0] =	wrdreg $0xFFFFFFFF;
	(pc) =	sbr.abs _section_cstart, $3  }
0xc0: {  	[dreg:$0x1] =	wrdreg $0xFFFFFFFF  }
0xc1: {  	_ =	task.clear_ibuf [dreg:s7], $0x2FFFF;
	_ =	strace $0x9FFFFFFF  }
0xc2: {  	(tm) =	ssettm $0x7FFFFFFF  }
0xc3: {  	_ =	shalt  }
tec
execute0_lowered:
.L_overlay_start_1:
0x0: {  	(tag) =	ssettag $0x1  }
0x1: {  	s0 =	rddreg [dreg:$0x0];
	s1 =	srdreg.scid  }
0x2: {  	s3 =	stileid.u32;
	s2 =	rddreg [dreg:$0x1];
	s15 =	simm.s32 $0x3  }
0x3: {  	s16 =	simm.s32 $0xC350;
	s17 =	simm.s32 $0xEA60;
	s18 =	simm.s32 $0x11170  }
0x4: {  	s19 =	simm.s32 $0x13880;
	s20 =	simm.s32 $0x1ADB0;
	s21 =	simm.s32 $0x1C1B0  }
0x5: {  	s22 =	simm.s32 $0x1;
	s23 =	simm.s32 $0x1B7B0;
	s24 =	simm.s32 $0x1CBB0  }
0x6: {  	s25 =	simm.s32 $0x186A0;
	s26 =	simm.s32 $0x15F90;
	s28 =	simm.s32 $0x2  }
0x7: {  	s29 =	simm.s32 $0x0;
	s1 =	sand.u32 $0x1, s1;
	s4 =	sshll.u32 s3, $0x1  }
0x8: {  	s30 =	simm.s32 $0x0;
	s3 =	simm.s32 $0x0;
	s4 =	sor.u32 s1, s4  }
0x9: {  	s7 =	sadd.s32 $0xA00, s0;
	s1 =	ssub.s32 $0x2, s1;
	s4 =	smul.u32 $0xC350, s4  }
0xa: {  	s0 =	sadd.s32 $0x31800, s0;
	s8 =	sadd.s32 $0x9C40, s2;
	s5 =	sshrl.u32 s1, $0x1  }
0xb: {  	[smem:$0x7FF] =	sst s3;
	s1 =	ssub.s32 s1, s5;
	s9 =	sshrl.u32 s4, $0x3  }
0xc: {  	_ =	strace $0x80000047;
	s14 =	smax.u32 s1, $0x1;
	s4 =	sadd.s32 s7, s9  }
0xd: {  	s10 =	sadd.s32 $0x4E2, s9;
	s11 =	sadd.s32 $0x9C4, s9;
	s12 =	sadd.s32 $0xEA6, s9  }
0xe: {  	s9 =	sadd.s32 s0, s9;
	s31 =	sadd.s32 s7, s10;
	s6 =	sadd.s32 s7, s11  }
0xf: {  	v0 =	vlaneseq.u32;
	v1 =	vimm.f32 $0.0e+00;
	v5 =	vimm.f32 $1.000000000e+00;
	s7 =	sadd.s32 s7, s12;
	s10 =	sadd.s32 s0, s10;
	s11 =	sadd.s32 s0, s11  }
0x10: {  	v2 =	vor.u32 $0x10, v0;
	v3 =	vor.u32 $0x20, v0;
	v4 =	vor.u32 $0x30, v0;
	s12 =	sadd.s32 s0, s12;
	s13 =	sadd.s32 $0x1388, s9;
	[dreg:$0x3] =	wrdreg s31  }
.LBB2_1:
0x11: {  	[tilespmem:s3], [sflag:$0x3] =	stream.linear.gather [hbm4b:s4+s3], $0xC350, $0x38;
	[tilespmem:$0x1D5B0] =	vst v63  }
0x12: {  	_ =	swait.ge [sflag:s15], $0xC350  }
0x13: {  	[sflag:s15] =	ssyncset.done $0x0  }
0x14: {  	[sflag:s15] =	ssyncadd.s32 $0xFFFF3CB0  }
0x15: {  	[tilespmem:s16], [sflag:$0x3] =	stream.linear.gather [hbm4b:s4+s3], $0x2710, $0x38;
	[tilespmem:$0x1D5B0] =	vst v63  }
0x16: {  	_ =	swait.ge [sflag:s15], $0x2710  }
0x17: {  	[sflag:s15] =	ssyncset.done $0x0  }
0x18: {  	s0 =	rddreg [dreg:$0x3];
	[sflag:s15] =	ssyncadd.s32 $0xFFFFD8F0  }
0x19: {  	[tilespmem:s17], [sflag:$0x3] =	stream.linear.gather [hbm4b:s0+s3], $0x2710, $0x38;
	[tilespmem:$0x1D5B0] =	vst v63  }
0x1a: {  	_ =	swait.ge [sflag:s15], $0x2710  }
0x1b: {  	[sflag:s15] =	ssyncset.done $0x0  }
0x1c: {  	[sflag:s15] =	ssyncadd.s32 $0xFFFFD8F0  }
0x1d: {  	[tilespmem:s18], [sflag:$0x3] =	stream.linear.gather [hbm4b:s6+s3], $0x2710, $0x38;
	[tilespmem:$0x1D5B0] =	vst v63  }
0x1e: {  	_ =	swait.ge [sflag:s15], $0x2710  }
0x1f: {  	[sflag:s15] =	ssyncset.done $0x0  }
0x20: {  	[sflag:s15] =	ssyncadd.s32 $0xFFFFD8F0  }
0x21: {  	[tilespmem:s19], [sflag:$0x3] =	stream.linear.gather [hbm4b:s7+s3], $0x2710, $0x38;
	[tilespmem:$0x1D5B0] =	vst v63  }
0x22: {  	_ =	swait.ge [sflag:s15], $0x2710  }
0x23: {  	[sflag:s15] =	ssyncset.done $0x0  }
0x24: {  	s1 =	simm.s32 $0x0;
	s0 =	simm.s32 $0x40;
	[sflag:s15] =	ssyncadd.s32 $0xFFFFD8F0  }
.LBB2_2:
0x25: {  	p0 =	sne.s32 s0, $0x9C00;
	[tilespmem:s1+$0x15F90] =	vst v1;
	s1 =	smov.u32 s0;
	s0 =	sadd.s32 $0x40, s0  }
.Ltmp0:
0x26: {  	(pc) =	sbr.rel @p0 .LBB2_2-.Ltmp0, $2  }
0x27: {  	_ =	sdelay $0x2  }
0x28: {  	s1 =	sshra.s32 s1, $0x2  }
.Ltmp1:
0x29: {  	(pc) =	sbr.rel .LBB2_4-.Ltmp1, $4  }
0x2a: {  	[tilespmem:s1+$0x15F90] =	vst v1  }
0x2b: {  	[tilespmem:s20], [sflag:$0x1] =	stream.linear.gather [hbm4b:s2+s30], $0xA00, $0x38;
	[tilespmem:$0x1D5B0] =	vst v63  }
0x2c: {  	s31 =	simm.s32 $0x0  }
0x2d: {  	[tilespmem:s21], [sflag:$0x1] =	stream.linear.gather [hbm4b:s8+s30], $0xA00, $0x38;
	[tilespmem:$0x1D5B0] =	vst v63  }
.LBB2_34:
0x2e: {  	s31 =	sadd.s32 $0x1, s31  }
0x2f: {  	p0 =	sne.s32 s31, $0x3E  }
.Ltmp2:
0x30: {  	_ = 	snop;
	(pc) =	sbr.rel @!p0 .LBB2_35-.Ltmp2, $1  }
0x31: {  	_ =	sdelay $0x3  }
.LBB2_4:
0x32: {  	_ =	swait.ge [sflag:s22], $0xA00  }
0x33: {  	s0 =	smul.u32 $0x1400, s31;
	[sflag:s22] =	ssyncset.done $0x0  }
0x34: {  	[sflag:s22] =	ssyncadd.s32 $0xFFFFF600  }
0x35: {  	s0 =	sshrl.u32 s0, $0x3;
	_ =	swait.ge [sflag:s22], $0xA00  }
.Ltmp3:
0x36: {  	s1 =	sadd.s32 s2, s0;
	[sflag:s22] =	ssyncset.done $0x0;
	(pc) =	sbr.rel .LBB2_5-.Ltmp3, $4  }
0x37: {  	s0 =	sadd.s32 $0x140, s1;
	[sflag:s22] =	ssyncadd.s32 $0xFFFFF600  }
0x38: {  	[tilespmem:s23], [sflag:$0x2] =	stream.linear.gather [hbm4b:s0+s30], $0xA00, $0x38;
	[tilespmem:$0x1D5B0] =	vst v63  }
0x39: {  	s5 =	sadd.s32 $0x9D80, s1;
	s0 =	simm.s32 $0x0  }
0x3a: {  	[tilespmem:s24], [sflag:$0x2] =	stream.linear.gather [hbm4b:s5+s30], $0xA00, $0x38;
	[tilespmem:$0x1D5B0] =	vst v63  }
.LBB2_18:
0x3b: {  	s0 =	sadd.s32 $0x1, s0  }
0x3c: {  	p0 =	sne.s32 s0, $0x28  }
.Ltmp4:
0x3d: {  	_ = 	snop;
	(pc) =	sbr.rel @!p0 .LBB2_19-.Ltmp4, $1  }
0x3e: {  	_ =	sdelay $0x3  }
.LBB2_5:
0x3f: {  	s5 =	sshll.u32 s0, $0x6  }
0x40: {  	v6 =	vld [tilespmem:s5+$0x1ADB0]  }
0x41: {  	v11 =	vld [tilespmem:s5+$0x1ADC0];
	_ =	sdelay $0x2  }
0x42: {  	v22 =	vld [tilespmem:s5+$0x1C1B0]  }
0x43: {  	v7 =	vadd.s32 $0x2710, v6  }
0x44: {  	v8 =	vadd.s32 $0x4E20, v6  }
0x45: {  	v17 =	vld [tilespmem:s5+$0x1C1C0];
	v9 =	vadd.s32 $0x7530, v6  }
0x46: {  	v24 =	vld.idx.msk [tilespmem:v6+s3+$0x0], $0xffff  }
0x47: {  	v10 =	vadd.s32 $0x9C40, v6;
	v6 =	vadd.s32 $0x9C40, v22;
	v18 =	vld.idx.msk [tilespmem:v11+s3+$0x0], $0xffff  }
0x48: {  	v26 =	vld.idx.msk [tilespmem:v7+s3+$0x0], $0xffff  }
0x49: {  	v27 =	vld.idx.msk [tilespmem:v8+s3+$0x0], $0xffff  }
0x4a: {  	v28 =	vld.idx.msk [tilespmem:v9+s3+$0x0], $0xffff;
	v7 =	vadd.s32 $0x2710, v11  }
0x4b: {  	v8 =	vadd.s32 $0x4E20, v11;
	v9 =	vld [tilespmem:s5+$0x1ADD0]  }
0x4c: {  	v29 =	vld.idx.msk [tilespmem:v6+s3+$0x0], $0xffff;
	v6 =	vadd.s32 $0x7530, v11  }
0x4d: {  	v23 =	vld.idx.msk [tilespmem:v10+s3+$0x0], $0xffff;
	v10 =	vadd.s32 $0x9C40, v11  }
0x4e: {  	v11 =	vld [tilespmem:s5+$0x1C1D0]  }
0x4f: {  	v19 =	vld.idx.msk [tilespmem:v7+s3+$0x0], $0xffff  }
0x50: {  	v20 =	vld.idx.msk [tilespmem:v8+s3+$0x0], $0xffff;
	v7 =	vadd.s32 $0x9C40, v17  }
0x51: {  	v21 =	vld.idx.msk [tilespmem:v6+s3+$0x0], $0xffff;
	v6 =	vadd.s32 $0x2710, v9  }
0x52: {  	v31 =	vld.idx.msk [tilespmem:v10+s3+$0x0], $0xffff  }
0x53: {  	v8 =	vadd.s32 $0x4E20, v9;
	v10 =	vld [tilespmem:s5+$0x1ADE0]  }
0x54: {  	v12 =	vld.idx.msk [tilespmem:v9+s3+$0x0], $0xffff;
	v16 =	vadd.s32 $0x9C40, v11  }
0x55: {  	v34 =	vld.idx.msk [tilespmem:v7+s3+$0x0], $0xffff;
	v7 =	vadd.s32 $0x7530, v9  }
0x56: {  	v9 =	vadd.s32 $0x9C40, v9;
	v13 =	vld.idx.msk [tilespmem:v6+s3+$0x0], $0xffff  }
0x57: {  	v6 =	vld [tilespmem:s5+$0x1C1E0]  }
0x58: {  	v14 =	vld.idx.msk [tilespmem:v8+s3+$0x0], $0xffff;
	v8 =	vadd.s32 $0x2710, v10  }
0x59: {  	v25 =	vadd.s32 $0x4E20, v10;
	v36 =	vld.idx.msk [tilespmem:v16+s3+$0x0], $0xffff  }
0x5a: {  	v30 =	vadd.s32 $0x7530, v10;
	v15 =	vld.idx.msk [tilespmem:v7+s3+$0x0], $0xffff  }
0x5b: {  	v16 =	vadd.s32 $0x9C40, v10;
	v35 =	vld.idx.msk [tilespmem:v9+s3+$0x0], $0xffff  }
0x5c: {  	v7 =	vld.idx.msk [tilespmem:v10+s3+$0x0], $0xffff;
	v32 =	vadd.s32 $0x9C40, v6  }
0x5d: {  	v8 =	vld.idx.msk [tilespmem:v8+s3+$0x0], $0xffff  }
0x5e: {  	v9 =	vld.idx.msk [tilespmem:v25+s3+$0x0], $0xffff  }
0x5f: {  	v10 =	vld.idx.msk [tilespmem:v30+s3+$0x0], $0xffff  }
0x60: {  	v37 =	vld.idx.msk [tilespmem:v16+s3+$0x0], $0xffff  }
0x61: {  	v38 =	vld.idx.msk [tilespmem:v32+s3+$0x0], $0xffff;
	[tilespmem:v22+s25+$0x0] =	vst.idx.msk $0xffff, v0  }
0x62: {  	[tilespmem:v17+s25+$0x0] =	vst.idx.msk $0xffff, v2  }
0x63: {  	[tilespmem:v11+s25+$0x0] =	vst.idx.msk $0xffff, v3  }
0x64: {  	[tilespmem:v6+s25+$0x0] =	vst.idx.msk $0xffff, v4  }
0x65: {  	v32 =	vld.idx.msk [tilespmem:v22+s25+$0x0], $0xffff  }
0x66: {  	v30 =	vld.idx.msk [tilespmem:v17+s25+$0x0], $0xffff  }
0x67: {  	v25 =	vld.idx.msk [tilespmem:v11+s25+$0x0], $0xffff  }
0x68: {  	v16 =	vld.idx.msk [tilespmem:v6+s25+$0x0], $0xffff  }
0x69: {  	v33 =	vld.idx.msk [tilespmem:v22+s16+$0x0], $0xffff  }
0x6a: {  	v39 =	vld.idx.msk [tilespmem:v22+s17+$0x0], $0xffff  }
0x6b: {  	v40 =	vld.idx.msk [tilespmem:v22+s18+$0x0], $0xffff  }
0x6c: {  	v41 =	vld.idx.msk [tilespmem:v22+s19+$0x0], $0xffff  }
0x6d: {  	v42 =	vld.idx.msk [tilespmem:v22+s26+$0x0], $0xffff  }
0x6e: {  	v43 =	vld.idx.msk [tilespmem:v17+s16+$0x0], $0xffff  }
0x6f: {  	v44 =	vld.idx.msk [tilespmem:v17+s17+$0x0], $0xffff  }
0x70: {  	v45 =	vld.idx.msk [tilespmem:v17+s18+$0x0], $0xffff  }
0x71: {  	v46 =	vld.idx.msk [tilespmem:v17+s19+$0x0], $0xffff  }
0x72: {  	v47 =	vld.idx.msk [tilespmem:v17+s26+$0x0], $0xffff  }
0x73: {  	v48 =	vld.idx.msk [tilespmem:v11+s16+$0x0], $0xffff;
	vm3 =	veq.s32 v32, v0;
	vm2 =	veq.s32 v30, v2  }
0x74: {  	v49 =	vld.idx.msk [tilespmem:v11+s17+$0x0], $0xffff;
	vm1 =	veq.s32 v25, v3;
	vm4 =	vmand vm3, vm2  }
0x75: {  	v50 =	vld.idx.msk [tilespmem:v11+s18+$0x0], $0xffff;
	vm0 =	veq.s32 v16, v4;
	vm4 =	vmand vm4, vm1  }
0x76: {  	v51 =	vld.idx.msk [tilespmem:v11+s19+$0x0], $0xffff;
	vm4 =	vmand vm4, vm0  }
0x77: {  	v52 =	vld.idx.msk [tilespmem:v11+s26+$0x0], $0xffff;
	vm4 =	vmneg vm4  }
0x78: {  	v53 =	vld.idx.msk [tilespmem:v6+s16+$0x0], $0xffff;
	v58 =	vmpcnt.ones.xlane vm4  }
0x79: {  	v54 =	vld.idx.msk [tilespmem:v6+s17+$0x0], $0xffff  }
0x7a: {  	v55 =	vld.idx.msk [tilespmem:v6+s18+$0x0], $0xffff;
	(v2sf) =	vpush v58, $0x0  }
0x7b: {  	v56 =	vld.idx.msk [tilespmem:v6+s19+$0x0], $0xffff;
	v33 =	vmax.f32 v33, v24  }
0x7c: {  	v57 =	vld.idx.msk [tilespmem:v6+s26+$0x0], $0xffff;
	v39 =	vmax.f32 v39, v26;
	[tilespmem:v22+s16+$0x0] =	vst.idx.msk vm3, v33  }
0x7d: {  	v33 =	vsub.f32 v23, v29;
	v23 =	vmax.f32 v40, v27;
	[tilespmem:v22+s17+$0x0] =	vst.idx.msk vm3, v39  }
0x7e: {  	[tilespmem:v22+s18+$0x0] =	vst.idx.msk vm3, v23;
	v23 =	vmax.f32 v41, v28  }
0x7f: {  	[tilespmem:v22+s19+$0x0] =	vst.idx.msk vm3, v23;
	v23 =	vmax.f32 v42, v33  }
0x80: {  	[tilespmem:v22+s26+$0x0] =	vst.idx.msk vm3, v23;
	v23 =	vmax.f32 v43, v18  }
0x81: {  	[tilespmem:v17+s16+$0x0] =	vst.idx.msk vm2, v23;
	v23 =	vmax.f32 v44, v19  }
0x82: {  	v31 =	vsub.f32 v31, v34;
	[tilespmem:v17+s17+$0x0] =	vst.idx.msk vm2, v23;
	v23 =	vmax.f32 v45, v20  }
0x83: {  	[tilespmem:v17+s18+$0x0] =	vst.idx.msk vm2, v23;
	v23 =	vmax.f32 v46, v21  }
0x84: {  	[tilespmem:v17+s19+$0x0] =	vst.idx.msk vm2, v23;
	v23 =	vmax.f32 v47, v31  }
0x85: {  	[tilespmem:v17+s26+$0x0] =	vst.idx.msk vm2, v23;
	v23 =	vmax.f32 v48, v12  }
0x86: {  	[tilespmem:v11+s16+$0x0] =	vst.idx.msk vm1, v23;
	v23 =	vmax.f32 v49, v13  }
0x87: {  	v29 =	vsub.f32 v35, v36;
	[tilespmem:v11+s17+$0x0] =	vst.idx.msk vm1, v23;
	v23 =	vmax.f32 v50, v14  }
0x88: {  	[tilespmem:v11+s18+$0x0] =	vst.idx.msk vm1, v23;
	v23 =	vmax.f32 v51, v15  }
0x89: {  	[tilespmem:v11+s19+$0x0] =	vst.idx.msk vm1, v23;
	v23 =	vmax.f32 v52, v29;
	s5 =	spop (v2sf)  }
0x8a: {  	[tilespmem:v11+s26+$0x0] =	vst.idx.msk vm1, v23;
	v23 =	vmax.f32 v53, v7;
	p0 =	slt.s32 s5, $0x1  }
.Ltmp5:
0x8b: {  	v60 =	vmax.f32 v54, v8;
	[tilespmem:v6+s16+$0x0] =	vst.idx.msk vm0, v23;
	(pc) =	sbr.rel @p0 .LBB2_18-.Ltmp5, $4  }
0x8c: {  	v61 =	vmax.f32 v55, v9;
	v23 =	vsub.f32 v37, v38;
	[tilespmem:v6+s17+$0x0] =	vst.idx.msk vm0, v60  }
0x8d: {  	v62 =	vmax.f32 v56, v10;
	[tilespmem:v6+s18+$0x0] =	vst.idx.msk vm0, v61  }
0x8e: {  	v63 =	vmax.f32 v57, v23;
	[tilespmem:v6+s19+$0x0] =	vst.idx.msk vm0, v62  }
0x8f: {  	[tilespmem:v6+s26+$0x0] =	vst.idx.msk vm0, v63  }
0x90: {  	v34 =	vsel vm3, $0x0, v5  }
0x91: {  	(xrf0) =	vmax.scan.msk.f32 $0xffff, v34;
	_ =	sdelay $0x5  }
0x92: {  	v34, _, _ =	vpop (xrf0)  }
0x93: {  	(v2sf) =	vpush v34, $0xF;
	_ =	sdelay $0xe  }
0x94: {  	s5 =	spop (v2sf)  }
0x95: {  	p0 =	sgt.f32 s5, $0.0e+00  }
.Ltmp6:
0x96: {  	_ = 	snop;
	(pc) =	sbr.rel @!p0 .LBB2_9-.Ltmp6, $1  }
0x97: {  	_ =	sdelay $0x3  }
0x98: {  	vm3 =	vne.s32 v32, v0  }
.LBB2_8:
0x99: {  	[tilespmem:v22+s25+$0x0] =	vst.idx.msk vm3, v0  }
0x9a: {  	v32 =	vld.idx.msk [tilespmem:v22+s25+$0x0], $0xffff;
	_ =	sdelay $0x4  }
0x9b: {  	vm4 =	veq.s32 v32, v0  }
0x9c: {  	v63 =	vld.idx.msk [tilespmem:v22+s16+$0x0], $0xffff;
	vm4 =	vmand vm3, vm4;
	_ =	sdelay $0x3  }
0x9d: {  	vm3 =	vmxor vm3, vm4  }
0x9e: {  	v32 =	vmax.f32 v63, v24;
	v34 =	vsel vm3, $0x3F800000, v1  }
0x9f: {  	(xrf0) =	vmax.scan.msk.f32 $0xffff, v34;
	[tilespmem:v22+s16+$0x0] =	vst.idx.msk vm4, v32  }
0xa0: {  	v32 =	vld.idx.msk [tilespmem:v22+s17+$0x0], $0xffff;
	_ =	sdelay $0x4  }
0xa1: {  	v34, _, _ =	vpop (xrf0);
	v32 =	vmax.f32 v32, v26  }
0xa2: {  	(v2sf) =	vpush v34, $0xF;
	[tilespmem:v22+s17+$0x0] =	vst.idx.msk vm4, v32  }
0xa3: {  	v32 =	vld.idx.msk [tilespmem:v22+s18+$0x0], $0xffff;
	_ =	sdelay $0x4  }
0xa4: {  	v32 =	vmax.f32 v32, v27  }
0xa5: {  	[tilespmem:v22+s18+$0x0] =	vst.idx.msk vm4, v32  }
0xa6: {  	v32 =	vld.idx.msk [tilespmem:v22+s19+$0x0], $0xffff;
	_ =	sdelay $0x4  }
0xa7: {  	v32 =	vmax.f32 v32, v28  }
0xa8: {  	[tilespmem:v22+s19+$0x0] =	vst.idx.msk vm4, v32  }
0xa9: {  	s5 =	spop (v2sf);
	v32 =	vld.idx.msk [tilespmem:v22+s26+$0x0], $0xffff  }
0xaa: {  	p0 =	sgt.f32 s5, $0.0e+00  }
.Ltmp7:
0xab: {  	_ = 	snop;
	(pc) =	sbr.rel @p0 .LBB2_8-.Ltmp7, $3  }
0xac: {  	_ =	sdelay $0x1  }
0xad: {  	v32 =	vmax.f32 v32, v33  }
0xae: {  	[tilespmem:v22+s26+$0x0] =	vst.idx.msk vm4, v32  }
.LBB2_9:
0xaf: {  	v22 =	vsel vm2, $0x0, v5  }
0xb0: {  	(xrf0) =	vmax.scan.msk.f32 $0xffff, v22;
	_ =	sdelay $0x5  }
0xb1: {  	v22, _, _ =	vpop (xrf0)  }
0xb2: {  	(v2sf) =	vpush v22, $0xF;
	_ =	sdelay $0xe  }
0xb3: {  	s5 =	spop (v2sf)  }
0xb4: {  	p0 =	sgt.f32 s5, $0.0e+00  }
.Ltmp8:
0xb5: {  	_ = 	snop;
	(pc) =	sbr.rel @!p0 .LBB2_12-.Ltmp8, $1  }
0xb6: {  	_ =	sdelay $0x3  }
0xb7: {  	vm2 =	vne.s32 v30, v2  }
.LBB2_11:
0xb8: {  	[tilespmem:v17+s25+$0x0] =	vst.idx.msk vm2, v0  }
0xb9: {  	v22 =	vld.idx.msk [tilespmem:v17+s25+$0x0], $0xffff;
	_ =	sdelay $0x4  }
0xba: {  	vm3 =	veq.s32 v22, v0  }
0xbb: {  	v22 =	vld.idx.msk [tilespmem:v17+s16+$0x0], $0xffff;
	vm3 =	vmand vm2, vm3;
	_ =	sdelay $0x3  }
0xbc: {  	vm2 =	vmxor vm2, vm3  }
0xbd: {  	v24 =	vsel vm2, $0x3F800000, v1;
	v22 =	vmax.f32 v22, v18  }
0xbe: {  	(xrf0) =	vmax.scan.msk.f32 $0xffff, v24;
	[tilespmem:v17+s16+$0x0] =	vst.idx.msk vm3, v22  }
0xbf: {  	v22 =	vld.idx.msk [tilespmem:v17+s17+$0x0], $0xffff;
	_ =	sdelay $0x4  }
0xc0: {  	v24, _, _ =	vpop (xrf0);
	v22 =	vmax.f32 v22, v19  }
0xc1: {  	(v2sf) =	vpush v24, $0xF;
	[tilespmem:v17+s17+$0x0] =	vst.idx.msk vm3, v22  }
0xc2: {  	v22 =	vld.idx.msk [tilespmem:v17+s18+$0x0], $0xffff;
	_ =	sdelay $0x4  }
0xc3: {  	v22 =	vmax.f32 v22, v20  }
0xc4: {  	[tilespmem:v17+s18+$0x0] =	vst.idx.msk vm3, v22  }
0xc5: {  	v22 =	vld.idx.msk [tilespmem:v17+s19+$0x0], $0xffff;
	_ =	sdelay $0x4  }
0xc6: {  	v22 =	vmax.f32 v22, v21  }
0xc7: {  	[tilespmem:v17+s19+$0x0] =	vst.idx.msk vm3, v22  }
0xc8: {  	s5 =	spop (v2sf);
	v22 =	vld.idx.msk [tilespmem:v17+s26+$0x0], $0xffff  }
0xc9: {  	p0 =	sgt.f32 s5, $0.0e+00  }
.Ltmp9:
0xca: {  	_ = 	snop;
	(pc) =	sbr.rel @p0 .LBB2_11-.Ltmp9, $3  }
0xcb: {  	_ =	sdelay $0x1  }
0xcc: {  	v22 =	vmax.f32 v22, v31  }
0xcd: {  	[tilespmem:v17+s26+$0x0] =	vst.idx.msk vm3, v22  }
.LBB2_12:
0xce: {  	v17 =	vsel vm1, $0x0, v5  }
0xcf: {  	(xrf0) =	vmax.scan.msk.f32 $0xffff, v17;
	_ =	sdelay $0x5  }
0xd0: {  	v17, _, _ =	vpop (xrf0)  }
0xd1: {  	(v2sf) =	vpush v17, $0xF;
	_ =	sdelay $0xe  }
0xd2: {  	s5 =	spop (v2sf)  }
0xd3: {  	p0 =	sgt.f32 s5, $0.0e+00  }
.Ltmp10:
0xd4: {  	_ = 	snop;
	(pc) =	sbr.rel @!p0 .LBB2_15-.Ltmp10, $1  }
0xd5: {  	_ =	sdelay $0x3  }
0xd6: {  	vm1 =	vne.s32 v25, v3  }
.LBB2_14:
0xd7: {  	[tilespmem:v11+s25+$0x0] =	vst.idx.msk vm1, v0  }
0xd8: {  	v17 =	vld.idx.msk [tilespmem:v11+s25+$0x0], $0xffff;
	_ =	sdelay $0x4  }
0xd9: {  	vm2 =	veq.s32 v17, v0  }
0xda: {  	v17 =	vld.idx.msk [tilespmem:v11+s16+$0x0], $0xffff;
	vm2 =	vmand vm1, vm2;
	_ =	sdelay $0x3  }
0xdb: {  	vm1 =	vmxor vm1, vm2  }
0xdc: {  	v18 =	vsel vm1, $0x3F800000, v1;
	v17 =	vmax.f32 v17, v12  }
0xdd: {  	(xrf0) =	vmax.scan.msk.f32 $0xffff, v18;
	[tilespmem:v11+s16+$0x0] =	vst.idx.msk vm2, v17  }
0xde: {  	v17 =	vld.idx.msk [tilespmem:v11+s17+$0x0], $0xffff;
	_ =	sdelay $0x4  }
0xdf: {  	v18, _, _ =	vpop (xrf0);
	v17 =	vmax.f32 v17, v13  }
0xe0: {  	(v2sf) =	vpush v18, $0xF;
	[tilespmem:v11+s17+$0x0] =	vst.idx.msk vm2, v17  }
0xe1: {  	v17 =	vld.idx.msk [tilespmem:v11+s18+$0x0], $0xffff;
	_ =	sdelay $0x4  }
0xe2: {  	v17 =	vmax.f32 v17, v14  }
0xe3: {  	[tilespmem:v11+s18+$0x0] =	vst.idx.msk vm2, v17  }
0xe4: {  	v17 =	vld.idx.msk [tilespmem:v11+s19+$0x0], $0xffff;
	_ =	sdelay $0x4  }
0xe5: {  	v17 =	vmax.f32 v17, v15  }
0xe6: {  	[tilespmem:v11+s19+$0x0] =	vst.idx.msk vm2, v17  }
0xe7: {  	s5 =	spop (v2sf);
	v17 =	vld.idx.msk [tilespmem:v11+s26+$0x0], $0xffff  }
0xe8: {  	p0 =	sgt.f32 s5, $0.0e+00  }
.Ltmp11:
0xe9: {  	_ = 	snop;
	(pc) =	sbr.rel @p0 .LBB2_14-.Ltmp11, $3  }
0xea: {  	_ =	sdelay $0x1  }
0xeb: {  	v17 =	vmax.f32 v17, v29  }
0xec: {  	[tilespmem:v11+s26+$0x0] =	vst.idx.msk vm2, v17  }
.LBB2_15:
0xed: {  	v11 =	vsel vm0, $0x0, v5  }
0xee: {  	(xrf0) =	vmax.scan.msk.f32 $0xffff, v11;
	_ =	sdelay $0x5  }
0xef: {  	v11, _, _ =	vpop (xrf0)  }
0xf0: {  	(v2sf) =	vpush v11, $0xF;
	_ =	sdelay $0xe  }
0xf1: {  	s5 =	spop (v2sf)  }
0xf2: {  	p0 =	sgt.f32 s5, $0.0e+00  }
.Ltmp12:
0xf3: {  	_ = 	snop;
	(pc) =	sbr.rel @!p0 .LBB2_18-.Ltmp12, $1  }
0xf4: {  	_ =	sdelay $0x3  }
0xf5: {  	vm0 =	vne.s32 v16, v4  }
.LBB2_17:
0xf6: {  	[tilespmem:v6+s25+$0x0] =	vst.idx.msk vm0, v0  }
0xf7: {  	v11 =	vld.idx.msk [tilespmem:v6+s25+$0x0], $0xffff;
	_ =	sdelay $0x4  }
0xf8: {  	vm1 =	veq.s32 v11, v0  }
0xf9: {  	v11 =	vld.idx.msk [tilespmem:v6+s16+$0x0], $0xffff;
	vm1 =	vmand vm0, vm1;
	_ =	sdelay $0x3  }
0xfa: {  	vm0 =	vmxor vm0, vm1  }
0xfb: {  	v12 =	vsel vm0, $0x3F800000, v1;
	v11 =	vmax.f32 v11, v7  }
0xfc: {  	(xrf0) =	vmax.scan.msk.f32 $0xffff, v12;
	[tilespmem:v6+s16+$0x0] =	vst.idx.msk vm1, v11  }
0xfd: {  	v11 =	vld.idx.msk [tilespmem:v6+s17+$0x0], $0xffff;
	_ =	sdelay $0x4  }
0xfe: {  	v12, _, _ =	vpop (xrf0);
	v11 =	vmax.f32 v11, v8  }
0xff: {  	(v2sf) =	vpush v12, $0xF;
	[tilespmem:v6+s17+$0x0] =	vst.idx.msk vm1, v11  }
0x100: {  	v11 =	vld.idx.msk [tilespmem:v6+s18+$0x0], $0xffff;
	_ =	sdelay $0x4  }
0x101: {  	v11 =	vmax.f32 v11, v9  }
0x102: {  	[tilespmem:v6+s18+$0x0] =	vst.idx.msk vm1, v11  }
0x103: {  	v11 =	vld.idx.msk [tilespmem:v6+s19+$0x0], $0xffff;
	_ =	sdelay $0x4  }
0x104: {  	v11 =	vmax.f32 v11, v10  }
0x105: {  	[tilespmem:v6+s19+$0x0] =	vst.idx.msk vm1, v11  }
0x106: {  	s5 =	spop (v2sf);
	v11 =	vld.idx.msk [tilespmem:v6+s26+$0x0], $0xffff  }
0x107: {  	p0 =	sgt.f32 s5, $0.0e+00  }
.Ltmp13:
0x108: {  	_ = 	snop;
	(pc) =	sbr.rel @p0 .LBB2_17-.Ltmp13, $3  }
0x109: {  	_ =	sdelay $0x1  }
0x10a: {  	v11 =	vmax.f32 v11, v23  }
0x10b: {  	[tilespmem:v6+s26+$0x0] =	vst.idx.msk vm1, v11  }
.Ltmp14:
0x10c: {  	_ = 	snop;
	(pc) =	sbr.rel .LBB2_18-.Ltmp14, $1  }
0x10d: {  	_ =	sdelay $0x3  }
.LBB2_19:
0x10e: {  	_ =	swait.ge [sflag:s28], $0xA00  }
0x10f: {  	[sflag:s28] =	ssyncset.done $0x0  }
0x110: {  	[sflag:s28] =	ssyncadd.s32 $0xFFFFF600  }
0x111: {  	_ =	swait.ge [sflag:s28], $0xA00  }
.Ltmp15:
0x112: {  	[sflag:s28] =	ssyncset.done $0x0;
	(pc) =	sbr.rel .LBB2_20-.Ltmp15, $4  }
0x113: {  	s5 =	sadd.s32 $0x280, s1;
	s0 =	simm.s32 $0x0;
	[sflag:s28] =	ssyncadd.s32 $0xFFFFF600  }
0x114: {  	[tilespmem:s20], [sflag:$0x1] =	stream.linear.gather [hbm4b:s5+s0], $0xA00, $0x38;
	[tilespmem:$0x1D5B0] =	vst v63  }
0x115: {  	s5 =	sadd.s32 $0x9EC0, s1  }
0x116: {  	[tilespmem:s21], [sflag:$0x1] =	stream.linear.gather [hbm4b:s5+s0], $0xA00, $0x38;
	[tilespmem:$0x1D5B0] =	vst v63  }
.LBB2_33:
0x117: {  	s0 =	sadd.s32 $0x1, s0  }
0x118: {  	p0 =	sne.s32 s0, $0x28  }
.Ltmp16:
0x119: {  	_ = 	snop;
	(pc) =	sbr.rel @!p0 .LBB2_34-.Ltmp16, $1  }
0x11a: {  	_ =	sdelay $0x3  }
.LBB2_20:
0x11b: {  	s1 =	sshll.u32 s0, $0x6  }
0x11c: {  	v6 =	vld [tilespmem:s1+$0x1B7B0]  }
0x11d: {  	v11 =	vld [tilespmem:s1+$0x1B7C0];
	_ =	sdelay $0x2  }
0x11e: {  	v22 =	vld [tilespmem:s1+$0x1CBB0]  }
0x11f: {  	v7 =	vadd.s32 $0x2710, v6  }
0x120: {  	v8 =	vadd.s32 $0x4E20, v6  }
0x121: {  	v17 =	vld [tilespmem:s1+$0x1CBC0];
	v9 =	vadd.s32 $0x7530, v6  }
0x122: {  	v24 =	vld.idx.msk [tilespmem:v6+s3+$0x0], $0xffff  }
0x123: {  	v10 =	vadd.s32 $0x9C40, v6;
	v6 =	vadd.s32 $0x9C40, v22;
	v18 =	vld.idx.msk [tilespmem:v11+s3+$0x0], $0xffff  }
0x124: {  	v26 =	vld.idx.msk [tilespmem:v7+s3+$0x0], $0xffff  }
0x125: {  	v27 =	vld.idx.msk [tilespmem:v8+s3+$0x0], $0xffff  }
0x126: {  	v28 =	vld.idx.msk [tilespmem:v9+s3+$0x0], $0xffff;
	v7 =	vadd.s32 $0x2710, v11  }
0x127: {  	v8 =	vadd.s32 $0x4E20, v11;
	v9 =	vld [tilespmem:s1+$0x1B7D0]  }
0x128: {  	v29 =	vld.idx.msk [tilespmem:v6+s3+$0x0], $0xffff;
	v6 =	vadd.s32 $0x7530, v11  }
0x129: {  	v23 =	vld.idx.msk [tilespmem:v10+s3+$0x0], $0xffff;
	v10 =	vadd.s32 $0x9C40, v11  }
0x12a: {  	v11 =	vld [tilespmem:s1+$0x1CBD0]  }
0x12b: {  	v19 =	vld.idx.msk [tilespmem:v7+s3+$0x0], $0xffff  }
0x12c: {  	v20 =	vld.idx.msk [tilespmem:v8+s3+$0x0], $0xffff;
	v7 =	vadd.s32 $0x9C40, v17  }
0x12d: {  	v21 =	vld.idx.msk [tilespmem:v6+s3+$0x0], $0xffff;
	v6 =	vadd.s32 $0x2710, v9  }
0x12e: {  	v31 =	vld.idx.msk [tilespmem:v10+s3+$0x0], $0xffff  }
0x12f: {  	v8 =	vadd.s32 $0x4E20, v9;
	v10 =	vld [tilespmem:s1+$0x1B7E0]  }
0x130: {  	v12 =	vld.idx.msk [tilespmem:v9+s3+$0x0], $0xffff;
	v16 =	vadd.s32 $0x9C40, v11  }
0x131: {  	v34 =	vld.idx.msk [tilespmem:v7+s3+$0x0], $0xffff;
	v7 =	vadd.s32 $0x7530, v9  }
0x132: {  	v9 =	vadd.s32 $0x9C40, v9;
	v13 =	vld.idx.msk [tilespmem:v6+s3+$0x0], $0xffff  }
0x133: {  	v6 =	vld [tilespmem:s1+$0x1CBE0]  }
0x134: {  	v14 =	vld.idx.msk [tilespmem:v8+s3+$0x0], $0xffff;
	v8 =	vadd.s32 $0x2710, v10  }
0x135: {  	v25 =	vadd.s32 $0x4E20, v10;
	v36 =	vld.idx.msk [tilespmem:v16+s3+$0x0], $0xffff  }
0x136: {  	v30 =	vadd.s32 $0x7530, v10;
	v15 =	vld.idx.msk [tilespmem:v7+s3+$0x0], $0xffff  }
0x137: {  	v16 =	vadd.s32 $0x9C40, v10;
	v35 =	vld.idx.msk [tilespmem:v9+s3+$0x0], $0xffff  }
0x138: {  	v7 =	vld.idx.msk [tilespmem:v10+s3+$0x0], $0xffff;
	v32 =	vadd.s32 $0x9C40, v6  }
0x139: {  	v8 =	vld.idx.msk [tilespmem:v8+s3+$0x0], $0xffff  }
0x13a: {  	v9 =	vld.idx.msk [tilespmem:v25+s3+$0x0], $0xffff  }
0x13b: {  	v10 =	vld.idx.msk [tilespmem:v30+s3+$0x0], $0xffff  }
0x13c: {  	v37 =	vld.idx.msk [tilespmem:v16+s3+$0x0], $0xffff  }
0x13d: {  	v38 =	vld.idx.msk [tilespmem:v32+s3+$0x0], $0xffff;
	[tilespmem:v22+s25+$0x0] =	vst.idx.msk $0xffff, v0  }
0x13e: {  	[tilespmem:v17+s25+$0x0] =	vst.idx.msk $0xffff, v2  }
0x13f: {  	[tilespmem:v11+s25+$0x0] =	vst.idx.msk $0xffff, v3  }
0x140: {  	[tilespmem:v6+s25+$0x0] =	vst.idx.msk $0xffff, v4  }
0x141: {  	v32 =	vld.idx.msk [tilespmem:v22+s25+$0x0], $0xffff  }
0x142: {  	v30 =	vld.idx.msk [tilespmem:v17+s25+$0x0], $0xffff  }
0x143: {  	v25 =	vld.idx.msk [tilespmem:v11+s25+$0x0], $0xffff  }
0x144: {  	v16 =	vld.idx.msk [tilespmem:v6+s25+$0x0], $0xffff  }
0x145: {  	v33 =	vld.idx.msk [tilespmem:v22+s16+$0x0], $0xffff  }
0x146: {  	v39 =	vld.idx.msk [tilespmem:v22+s17+$0x0], $0xffff  }
0x147: {  	v40 =	vld.idx.msk [tilespmem:v22+s18+$0x0], $0xffff  }
0x148: {  	v41 =	vld.idx.msk [tilespmem:v22+s19+$0x0], $0xffff  }
0x149: {  	v42 =	vld.idx.msk [tilespmem:v22+s26+$0x0], $0xffff  }
0x14a: {  	v43 =	vld.idx.msk [tilespmem:v17+s16+$0x0], $0xffff  }
0x14b: {  	v44 =	vld.idx.msk [tilespmem:v17+s17+$0x0], $0xffff  }
0x14c: {  	v45 =	vld.idx.msk [tilespmem:v17+s18+$0x0], $0xffff  }
0x14d: {  	v46 =	vld.idx.msk [tilespmem:v17+s19+$0x0], $0xffff  }
0x14e: {  	v47 =	vld.idx.msk [tilespmem:v17+s26+$0x0], $0xffff  }
0x14f: {  	v48 =	vld.idx.msk [tilespmem:v11+s16+$0x0], $0xffff;
	vm3 =	veq.s32 v32, v0;
	vm2 =	veq.s32 v30, v2  }
0x150: {  	v49 =	vld.idx.msk [tilespmem:v11+s17+$0x0], $0xffff;
	vm1 =	veq.s32 v25, v3;
	vm4 =	vmand vm3, vm2  }
0x151: {  	v50 =	vld.idx.msk [tilespmem:v11+s18+$0x0], $0xffff;
	vm0 =	veq.s32 v16, v4;
	vm4 =	vmand vm4, vm1  }
0x152: {  	v51 =	vld.idx.msk [tilespmem:v11+s19+$0x0], $0xffff;
	vm4 =	vmand vm4, vm0  }
0x153: {  	v52 =	vld.idx.msk [tilespmem:v11+s26+$0x0], $0xffff;
	vm4 =	vmneg vm4  }
0x154: {  	v53 =	vld.idx.msk [tilespmem:v6+s16+$0x0], $0xffff;
	v58 =	vmpcnt.ones.xlane vm4  }
0x155: {  	v54 =	vld.idx.msk [tilespmem:v6+s17+$0x0], $0xffff  }
0x156: {  	v55 =	vld.idx.msk [tilespmem:v6+s18+$0x0], $0xffff;
	(v2sf) =	vpush v58, $0x0  }
0x157: {  	v56 =	vld.idx.msk [tilespmem:v6+s19+$0x0], $0xffff;
	v33 =	vmax.f32 v33, v24  }
0x158: {  	v57 =	vld.idx.msk [tilespmem:v6+s26+$0x0], $0xffff;
	v39 =	vmax.f32 v39, v26;
	[tilespmem:v22+s16+$0x0] =	vst.idx.msk vm3, v33  }
0x159: {  	v33 =	vsub.f32 v23, v29;
	v23 =	vmax.f32 v40, v27;
	[tilespmem:v22+s17+$0x0] =	vst.idx.msk vm3, v39  }
0x15a: {  	[tilespmem:v22+s18+$0x0] =	vst.idx.msk vm3, v23;
	v23 =	vmax.f32 v41, v28  }
0x15b: {  	[tilespmem:v22+s19+$0x0] =	vst.idx.msk vm3, v23;
	v23 =	vmax.f32 v42, v33  }
0x15c: {  	[tilespmem:v22+s26+$0x0] =	vst.idx.msk vm3, v23;
	v23 =	vmax.f32 v43, v18  }
0x15d: {  	[tilespmem:v17+s16+$0x0] =	vst.idx.msk vm2, v23;
	v23 =	vmax.f32 v44, v19  }
0x15e: {  	v31 =	vsub.f32 v31, v34;
	[tilespmem:v17+s17+$0x0] =	vst.idx.msk vm2, v23;
	v23 =	vmax.f32 v45, v20  }
0x15f: {  	[tilespmem:v17+s18+$0x0] =	vst.idx.msk vm2, v23;
	v23 =	vmax.f32 v46, v21  }
0x160: {  	[tilespmem:v17+s19+$0x0] =	vst.idx.msk vm2, v23;
	v23 =	vmax.f32 v47, v31  }
0x161: {  	[tilespmem:v17+s26+$0x0] =	vst.idx.msk vm2, v23;
	v23 =	vmax.f32 v48, v12  }
0x162: {  	[tilespmem:v11+s16+$0x0] =	vst.idx.msk vm1, v23;
	v23 =	vmax.f32 v49, v13  }
0x163: {  	v29 =	vsub.f32 v35, v36;
	[tilespmem:v11+s17+$0x0] =	vst.idx.msk vm1, v23;
	v23 =	vmax.f32 v50, v14  }
0x164: {  	[tilespmem:v11+s18+$0x0] =	vst.idx.msk vm1, v23;
	v23 =	vmax.f32 v51, v15  }
0x165: {  	[tilespmem:v11+s19+$0x0] =	vst.idx.msk vm1, v23;
	v23 =	vmax.f32 v52, v29;
	s5 =	spop (v2sf)  }
0x166: {  	[tilespmem:v11+s26+$0x0] =	vst.idx.msk vm1, v23;
	v23 =	vmax.f32 v53, v7;
	p0 =	slt.s32 s5, $0x1  }
.Ltmp17:
0x167: {  	v60 =	vmax.f32 v54, v8;
	[tilespmem:v6+s16+$0x0] =	vst.idx.msk vm0, v23;
	(pc) =	sbr.rel @p0 .LBB2_33-.Ltmp17, $4  }
0x168: {  	v61 =	vmax.f32 v55, v9;
	v23 =	vsub.f32 v37, v38;
	[tilespmem:v6+s17+$0x0] =	vst.idx.msk vm0, v60  }
0x169: {  	v62 =	vmax.f32 v56, v10;
	[tilespmem:v6+s18+$0x0] =	vst.idx.msk vm0, v61  }
0x16a: {  	v63 =	vmax.f32 v57, v23;
	[tilespmem:v6+s19+$0x0] =	vst.idx.msk vm0, v62  }
0x16b: {  	[tilespmem:v6+s26+$0x0] =	vst.idx.msk vm0, v63  }
0x16c: {  	v34 =	vsel vm3, $0x0, v5  }
0x16d: {  	(xrf0) =	vmax.scan.msk.f32 $0xffff, v34;
	_ =	sdelay $0x5  }
0x16e: {  	v34, _, _ =	vpop (xrf0)  }
0x16f: {  	(v2sf) =	vpush v34, $0xF;
	_ =	sdelay $0xe  }
0x170: {  	s1 =	spop (v2sf)  }
0x171: {  	p0 =	sgt.f32 s1, $0.0e+00  }
.Ltmp18:
0x172: {  	_ = 	snop;
	(pc) =	sbr.rel @!p0 .LBB2_24-.Ltmp18, $1  }
0x173: {  	_ =	sdelay $0x3  }
0x174: {  	vm3 =	vne.s32 v32, v0  }
.LBB2_23:
0x175: {  	[tilespmem:v22+s25+$0x0] =	vst.idx.msk vm3, v0  }
0x176: {  	v32 =	vld.idx.msk [tilespmem:v22+s25+$0x0], $0xffff;
	_ =	sdelay $0x4  }
0x177: {  	vm4 =	veq.s32 v32, v0  }
0x178: {  	v63 =	vld.idx.msk [tilespmem:v22+s16+$0x0], $0xffff;
	vm4 =	vmand vm3, vm4;
	_ =	sdelay $0x3  }
0x179: {  	vm3 =	vmxor vm3, vm4  }
0x17a: {  	v32 =	vmax.f32 v63, v24;
	v34 =	vsel vm3, $0x3F800000, v1  }
0x17b: {  	(xrf0) =	vmax.scan.msk.f32 $0xffff, v34;
	[tilespmem:v22+s16+$0x0] =	vst.idx.msk vm4, v32  }
0x17c: {  	v32 =	vld.idx.msk [tilespmem:v22+s17+$0x0], $0xffff;
	_ =	sdelay $0x4  }
0x17d: {  	v34, _, _ =	vpop (xrf0);
	v32 =	vmax.f32 v32, v26  }
0x17e: {  	(v2sf) =	vpush v34, $0xF;
	[tilespmem:v22+s17+$0x0] =	vst.idx.msk vm4, v32  }
0x17f: {  	v32 =	vld.idx.msk [tilespmem:v22+s18+$0x0], $0xffff;
	_ =	sdelay $0x4  }
0x180: {  	v32 =	vmax.f32 v32, v27  }
0x181: {  	[tilespmem:v22+s18+$0x0] =	vst.idx.msk vm4, v32  }
0x182: {  	v32 =	vld.idx.msk [tilespmem:v22+s19+$0x0], $0xffff;
	_ =	sdelay $0x4  }
0x183: {  	v32 =	vmax.f32 v32, v28  }
0x184: {  	[tilespmem:v22+s19+$0x0] =	vst.idx.msk vm4, v32  }
0x185: {  	s1 =	spop (v2sf);
	v32 =	vld.idx.msk [tilespmem:v22+s26+$0x0], $0xffff  }
0x186: {  	p0 =	sgt.f32 s1, $0.0e+00  }
.Ltmp19:
0x187: {  	_ = 	snop;
	(pc) =	sbr.rel @p0 .LBB2_23-.Ltmp19, $3  }
0x188: {  	_ =	sdelay $0x1  }
0x189: {  	v32 =	vmax.f32 v32, v33  }
0x18a: {  	[tilespmem:v22+s26+$0x0] =	vst.idx.msk vm4, v32  }
.LBB2_24:
0x18b: {  	v22 =	vsel vm2, $0x0, v5  }
0x18c: {  	(xrf0) =	vmax.scan.msk.f32 $0xffff, v22;
	_ =	sdelay $0x5  }
0x18d: {  	v22, _, _ =	vpop (xrf0)  }
0x18e: {  	(v2sf) =	vpush v22, $0xF;
	_ =	sdelay $0xe  }
0x18f: {  	s1 =	spop (v2sf)  }
0x190: {  	p0 =	sgt.f32 s1, $0.0e+00  }
.Ltmp20:
0x191: {  	_ = 	snop;
	(pc) =	sbr.rel @!p0 .LBB2_27-.Ltmp20, $1  }
0x192: {  	_ =	sdelay $0x3  }
0x193: {  	vm2 =	vne.s32 v30, v2  }
.LBB2_26:
0x194: {  	[tilespmem:v17+s25+$0x0] =	vst.idx.msk vm2, v0  }
0x195: {  	v22 =	vld.idx.msk [tilespmem:v17+s25+$0x0], $0xffff;
	_ =	sdelay $0x4  }
0x196: {  	vm3 =	veq.s32 v22, v0  }
0x197: {  	v22 =	vld.idx.msk [tilespmem:v17+s16+$0x0], $0xffff;
	vm3 =	vmand vm2, vm3;
	_ =	sdelay $0x3  }
0x198: {  	vm2 =	vmxor vm2, vm3  }
0x199: {  	v24 =	vsel vm2, $0x3F800000, v1;
	v22 =	vmax.f32 v22, v18  }
0x19a: {  	(xrf0) =	vmax.scan.msk.f32 $0xffff, v24;
	[tilespmem:v17+s16+$0x0] =	vst.idx.msk vm3, v22  }
0x19b: {  	v22 =	vld.idx.msk [tilespmem:v17+s17+$0x0], $0xffff;
	_ =	sdelay $0x4  }
0x19c: {  	v24, _, _ =	vpop (xrf0);
	v22 =	vmax.f32 v22, v19  }
0x19d: {  	(v2sf) =	vpush v24, $0xF;
	[tilespmem:v17+s17+$0x0] =	vst.idx.msk vm3, v22  }
0x19e: {  	v22 =	vld.idx.msk [tilespmem:v17+s18+$0x0], $0xffff;
	_ =	sdelay $0x4  }
0x19f: {  	v22 =	vmax.f32 v22, v20  }
0x1a0: {  	[tilespmem:v17+s18+$0x0] =	vst.idx.msk vm3, v22  }
0x1a1: {  	v22 =	vld.idx.msk [tilespmem:v17+s19+$0x0], $0xffff;
	_ =	sdelay $0x4  }
0x1a2: {  	v22 =	vmax.f32 v22, v21  }
0x1a3: {  	[tilespmem:v17+s19+$0x0] =	vst.idx.msk vm3, v22  }
0x1a4: {  	s1 =	spop (v2sf);
	v22 =	vld.idx.msk [tilespmem:v17+s26+$0x0], $0xffff  }
0x1a5: {  	p0 =	sgt.f32 s1, $0.0e+00  }
.Ltmp21:
0x1a6: {  	_ = 	snop;
	(pc) =	sbr.rel @p0 .LBB2_26-.Ltmp21, $3  }
0x1a7: {  	_ =	sdelay $0x1  }
0x1a8: {  	v22 =	vmax.f32 v22, v31  }
0x1a9: {  	[tilespmem:v17+s26+$0x0] =	vst.idx.msk vm3, v22  }
.LBB2_27:
0x1aa: {  	v17 =	vsel vm1, $0x0, v5  }
0x1ab: {  	(xrf0) =	vmax.scan.msk.f32 $0xffff, v17;
	_ =	sdelay $0x5  }
0x1ac: {  	v17, _, _ =	vpop (xrf0)  }
0x1ad: {  	(v2sf) =	vpush v17, $0xF;
	_ =	sdelay $0xe  }
0x1ae: {  	s1 =	spop (v2sf)  }
0x1af: {  	p0 =	sgt.f32 s1, $0.0e+00  }
.Ltmp22:
0x1b0: {  	_ = 	snop;
	(pc) =	sbr.rel @!p0 .LBB2_30-.Ltmp22, $1  }
0x1b1: {  	_ =	sdelay $0x3  }
0x1b2: {  	vm1 =	vne.s32 v25, v3  }
.LBB2_29:
0x1b3: {  	[tilespmem:v11+s25+$0x0] =	vst.idx.msk vm1, v0  }
0x1b4: {  	v17 =	vld.idx.msk [tilespmem:v11+s25+$0x0], $0xffff;
	_ =	sdelay $0x4  }
0x1b5: {  	vm2 =	veq.s32 v17, v0  }
0x1b6: {  	v17 =	vld.idx.msk [tilespmem:v11+s16+$0x0], $0xffff;
	vm2 =	vmand vm1, vm2;
	_ =	sdelay $0x3  }
0x1b7: {  	vm1 =	vmxor vm1, vm2  }
0x1b8: {  	v18 =	vsel vm1, $0x3F800000, v1;
	v17 =	vmax.f32 v17, v12  }
0x1b9: {  	(xrf0) =	vmax.scan.msk.f32 $0xffff, v18;
	[tilespmem:v11+s16+$0x0] =	vst.idx.msk vm2, v17  }
0x1ba: {  	v17 =	vld.idx.msk [tilespmem:v11+s17+$0x0], $0xffff;
	_ =	sdelay $0x4  }
0x1bb: {  	v18, _, _ =	vpop (xrf0);
	v17 =	vmax.f32 v17, v13  }
0x1bc: {  	(v2sf) =	vpush v18, $0xF;
	[tilespmem:v11+s17+$0x0] =	vst.idx.msk vm2, v17  }
0x1bd: {  	v17 =	vld.idx.msk [tilespmem:v11+s18+$0x0], $0xffff;
	_ =	sdelay $0x4  }
0x1be: {  	v17 =	vmax.f32 v17, v14  }
0x1bf: {  	[tilespmem:v11+s18+$0x0] =	vst.idx.msk vm2, v17  }
0x1c0: {  	v17 =	vld.idx.msk [tilespmem:v11+s19+$0x0], $0xffff;
	_ =	sdelay $0x4  }
0x1c1: {  	v17 =	vmax.f32 v17, v15  }
0x1c2: {  	[tilespmem:v11+s19+$0x0] =	vst.idx.msk vm2, v17  }
0x1c3: {  	s1 =	spop (v2sf);
	v17 =	vld.idx.msk [tilespmem:v11+s26+$0x0], $0xffff  }
0x1c4: {  	p0 =	sgt.f32 s1, $0.0e+00  }
.Ltmp23:
0x1c5: {  	_ = 	snop;
	(pc) =	sbr.rel @p0 .LBB2_29-.Ltmp23, $3  }
0x1c6: {  	_ =	sdelay $0x1  }
0x1c7: {  	v17 =	vmax.f32 v17, v29  }
0x1c8: {  	[tilespmem:v11+s26+$0x0] =	vst.idx.msk vm2, v17  }
.LBB2_30:
0x1c9: {  	v11 =	vsel vm0, $0x0, v5  }
0x1ca: {  	(xrf0) =	vmax.scan.msk.f32 $0xffff, v11;
	_ =	sdelay $0x5  }
0x1cb: {  	v11, _, _ =	vpop (xrf0)  }
0x1cc: {  	(v2sf) =	vpush v11, $0xF;
	_ =	sdelay $0xe  }
0x1cd: {  	s1 =	spop (v2sf)  }
0x1ce: {  	p0 =	sgt.f32 s1, $0.0e+00  }
.Ltmp24:
0x1cf: {  	_ = 	snop;
	(pc) =	sbr.rel @!p0 .LBB2_33-.Ltmp24, $1  }
0x1d0: {  	_ =	sdelay $0x3  }
0x1d1: {  	vm0 =	vne.s32 v16, v4  }
.LBB2_32:
0x1d2: {  	[tilespmem:v6+s25+$0x0] =	vst.idx.msk vm0, v0  }
0x1d3: {  	v11 =	vld.idx.msk [tilespmem:v6+s25+$0x0], $0xffff;
	_ =	sdelay $0x4  }
0x1d4: {  	vm1 =	veq.s32 v11, v0  }
0x1d5: {  	v11 =	vld.idx.msk [tilespmem:v6+s16+$0x0], $0xffff;
	vm1 =	vmand vm0, vm1;
	_ =	sdelay $0x3  }
0x1d6: {  	vm0 =	vmxor vm0, vm1  }
0x1d7: {  	v12 =	vsel vm0, $0x3F800000, v1;
	v11 =	vmax.f32 v11, v7  }
0x1d8: {  	(xrf0) =	vmax.scan.msk.f32 $0xffff, v12;
	[tilespmem:v6+s16+$0x0] =	vst.idx.msk vm1, v11  }
0x1d9: {  	v11 =	vld.idx.msk [tilespmem:v6+s17+$0x0], $0xffff;
	_ =	sdelay $0x4  }
0x1da: {  	v12, _, _ =	vpop (xrf0);
	v11 =	vmax.f32 v11, v8  }
0x1db: {  	(v2sf) =	vpush v12, $0xF;
	[tilespmem:v6+s17+$0x0] =	vst.idx.msk vm1, v11  }
0x1dc: {  	v11 =	vld.idx.msk [tilespmem:v6+s18+$0x0], $0xffff;
	_ =	sdelay $0x4  }
0x1dd: {  	v11 =	vmax.f32 v11, v9  }
0x1de: {  	[tilespmem:v6+s18+$0x0] =	vst.idx.msk vm1, v11  }
0x1df: {  	v11 =	vld.idx.msk [tilespmem:v6+s19+$0x0], $0xffff;
	_ =	sdelay $0x4  }
0x1e0: {  	v11 =	vmax.f32 v11, v10  }
0x1e1: {  	[tilespmem:v6+s19+$0x0] =	vst.idx.msk vm1, v11  }
0x1e2: {  	s1 =	spop (v2sf);
	v11 =	vld.idx.msk [tilespmem:v6+s26+$0x0], $0xffff  }
0x1e3: {  	p0 =	sgt.f32 s1, $0.0e+00  }
.Ltmp25:
0x1e4: {  	_ = 	snop;
	(pc) =	sbr.rel @p0 .LBB2_32-.Ltmp25, $3  }
0x1e5: {  	_ =	sdelay $0x1  }
0x1e6: {  	v11 =	vmax.f32 v11, v23  }
0x1e7: {  	[tilespmem:v6+s26+$0x0] =	vst.idx.msk vm1, v11  }
.Ltmp26:
0x1e8: {  	_ = 	snop;
	(pc) =	sbr.rel .LBB2_33-.Ltmp26, $1  }
0x1e9: {  	_ =	sdelay $0x3  }
.LBB2_35:
0x1ea: {  	_ =	swait.ge [sflag:s22], $0xA00  }
.Ltmp27:
0x1eb: {  	[sflag:s22] =	ssyncset.done $0x0;
	(pc) =	sbr.rel .LBB2_36-.Ltmp27, $4  }
0x1ec: {  	[sflag:s22] =	ssyncadd.s32 $0xFFFFF600  }
0x1ed: {  	_ =	swait.ge [sflag:s22], $0xA00  }
0x1ee: {  	[sflag:s22] =	ssyncset.done $0x0  }
0x1ef: {  	s0 =	simm.s32 $0x0;
	[sflag:s22] =	ssyncadd.s32 $0xFFFFF600  }
.LBB2_49:
0x1f0: {  	s0 =	sadd.s32 $0x1, s0  }
0x1f1: {  	p0 =	sne.s32 s0, $0x28  }
.Ltmp28:
0x1f2: {  	_ = 	snop;
	(pc) =	sbr.rel @!p0 .LBB2_50-.Ltmp28, $1  }
0x1f3: {  	_ =	sdelay $0x3  }
.LBB2_36:
0x1f4: {  	s1 =	sshll.u32 s0, $0x6  }
0x1f5: {  	v6 =	vld [tilespmem:s1+$0x1ADB0]  }
0x1f6: {  	v11 =	vld [tilespmem:s1+$0x1ADC0];
	_ =	sdelay $0x2  }
0x1f7: {  	v22 =	vld [tilespmem:s1+$0x1C1B0]  }
0x1f8: {  	v7 =	vadd.s32 $0x2710, v6  }
0x1f9: {  	v8 =	vadd.s32 $0x4E20, v6  }
0x1fa: {  	v17 =	vld [tilespmem:s1+$0x1C1C0];
	v9 =	vadd.s32 $0x7530, v6  }
0x1fb: {  	v24 =	vld.idx.msk [tilespmem:v6+s3+$0x0], $0xffff  }
0x1fc: {  	v10 =	vadd.s32 $0x9C40, v6;
	v6 =	vadd.s32 $0x9C40, v22;
	v18 =	vld.idx.msk [tilespmem:v11+s3+$0x0], $0xffff  }
0x1fd: {  	v26 =	vld.idx.msk [tilespmem:v7+s3+$0x0], $0xffff  }
0x1fe: {  	v27 =	vld.idx.msk [tilespmem:v8+s3+$0x0], $0xffff  }
0x1ff: {  	v28 =	vld.idx.msk [tilespmem:v9+s3+$0x0], $0xffff;
	v7 =	vadd.s32 $0x2710, v11  }
0x200: {  	v8 =	vadd.s32 $0x4E20, v11;
	v9 =	vld [tilespmem:s1+$0x1ADD0]  }
0x201: {  	v29 =	vld.idx.msk [tilespmem:v6+s3+$0x0], $0xffff;
	v6 =	vadd.s32 $0x7530, v11  }
0x202: {  	v23 =	vld.idx.msk [tilespmem:v10+s3+$0x0], $0xffff;
	v10 =	vadd.s32 $0x9C40, v11  }
0x203: {  	v11 =	vld [tilespmem:s1+$0x1C1D0]  }
0x204: {  	v19 =	vld.idx.msk [tilespmem:v7+s3+$0x0], $0xffff  }
0x205: {  	v20 =	vld.idx.msk [tilespmem:v8+s3+$0x0], $0xffff;
	v7 =	vadd.s32 $0x9C40, v17  }
0x206: {  	v21 =	vld.idx.msk [tilespmem:v6+s3+$0x0], $0xffff;
	v6 =	vadd.s32 $0x2710, v9  }
0x207: {  	v31 =	vld.idx.msk [tilespmem:v10+s3+$0x0], $0xffff  }
0x208: {  	v8 =	vadd.s32 $0x4E20, v9;
	v10 =	vld [tilespmem:s1+$0x1ADE0]  }
0x209: {  	v12 =	vld.idx.msk [tilespmem:v9+s3+$0x0], $0xffff;
	v16 =	vadd.s32 $0x9C40, v11  }
0x20a: {  	v34 =	vld.idx.msk [tilespmem:v7+s3+$0x0], $0xffff;
	v7 =	vadd.s32 $0x7530, v9  }
0x20b: {  	v9 =	vadd.s32 $0x9C40, v9;
	v13 =	vld.idx.msk [tilespmem:v6+s3+$0x0], $0xffff  }
0x20c: {  	v6 =	vld [tilespmem:s1+$0x1C1E0]  }
0x20d: {  	v14 =	vld.idx.msk [tilespmem:v8+s3+$0x0], $0xffff;
	v8 =	vadd.s32 $0x2710, v10  }
0x20e: {  	v25 =	vadd.s32 $0x4E20, v10;
	v36 =	vld.idx.msk [tilespmem:v16+s3+$0x0], $0xffff  }
0x20f: {  	v30 =	vadd.s32 $0x7530, v10;
	v15 =	vld.idx.msk [tilespmem:v7+s3+$0x0], $0xffff  }
0x210: {  	v16 =	vadd.s32 $0x9C40, v10;
	v35 =	vld.idx.msk [tilespmem:v9+s3+$0x0], $0xffff  }
0x211: {  	v7 =	vld.idx.msk [tilespmem:v10+s3+$0x0], $0xffff;
	v32 =	vadd.s32 $0x9C40, v6  }
0x212: {  	v8 =	vld.idx.msk [tilespmem:v8+s3+$0x0], $0xffff  }
0x213: {  	v9 =	vld.idx.msk [tilespmem:v25+s3+$0x0], $0xffff  }
0x214: {  	v10 =	vld.idx.msk [tilespmem:v30+s3+$0x0], $0xffff  }
0x215: {  	v37 =	vld.idx.msk [tilespmem:v16+s3+$0x0], $0xffff  }
0x216: {  	v38 =	vld.idx.msk [tilespmem:v32+s3+$0x0], $0xffff;
	[tilespmem:v22+s25+$0x0] =	vst.idx.msk $0xffff, v0  }
0x217: {  	[tilespmem:v17+s25+$0x0] =	vst.idx.msk $0xffff, v2  }
0x218: {  	[tilespmem:v11+s25+$0x0] =	vst.idx.msk $0xffff, v3  }
0x219: {  	[tilespmem:v6+s25+$0x0] =	vst.idx.msk $0xffff, v4  }
0x21a: {  	v32 =	vld.idx.msk [tilespmem:v22+s25+$0x0], $0xffff  }
0x21b: {  	v30 =	vld.idx.msk [tilespmem:v17+s25+$0x0], $0xffff  }
0x21c: {  	v25 =	vld.idx.msk [tilespmem:v11+s25+$0x0], $0xffff  }
0x21d: {  	v16 =	vld.idx.msk [tilespmem:v6+s25+$0x0], $0xffff  }
0x21e: {  	v33 =	vld.idx.msk [tilespmem:v22+s16+$0x0], $0xffff  }
0x21f: {  	v39 =	vld.idx.msk [tilespmem:v22+s17+$0x0], $0xffff  }
0x220: {  	v40 =	vld.idx.msk [tilespmem:v22+s18+$0x0], $0xffff  }
0x221: {  	v41 =	vld.idx.msk [tilespmem:v22+s19+$0x0], $0xffff  }
0x222: {  	v42 =	vld.idx.msk [tilespmem:v22+s26+$0x0], $0xffff  }
0x223: {  	v43 =	vld.idx.msk [tilespmem:v17+s16+$0x0], $0xffff  }
0x224: {  	v44 =	vld.idx.msk [tilespmem:v17+s17+$0x0], $0xffff  }
0x225: {  	v45 =	vld.idx.msk [tilespmem:v17+s18+$0x0], $0xffff  }
0x226: {  	v46 =	vld.idx.msk [tilespmem:v17+s19+$0x0], $0xffff  }
0x227: {  	v47 =	vld.idx.msk [tilespmem:v17+s26+$0x0], $0xffff  }
0x228: {  	v48 =	vld.idx.msk [tilespmem:v11+s16+$0x0], $0xffff;
	vm3 =	veq.s32 v32, v0;
	vm2 =	veq.s32 v30, v2  }
0x229: {  	v49 =	vld.idx.msk [tilespmem:v11+s17+$0x0], $0xffff;
	vm1 =	veq.s32 v25, v3;
	vm4 =	vmand vm3, vm2  }
0x22a: {  	v50 =	vld.idx.msk [tilespmem:v11+s18+$0x0], $0xffff;
	vm0 =	veq.s32 v16, v4;
	vm4 =	vmand vm4, vm1  }
0x22b: {  	v51 =	vld.idx.msk [tilespmem:v11+s19+$0x0], $0xffff;
	vm4 =	vmand vm4, vm0  }
0x22c: {  	v52 =	vld.idx.msk [tilespmem:v11+s26+$0x0], $0xffff;
	vm4 =	vmneg vm4  }
0x22d: {  	v53 =	vld.idx.msk [tilespmem:v6+s16+$0x0], $0xffff;
	v58 =	vmpcnt.ones.xlane vm4  }
0x22e: {  	v54 =	vld.idx.msk [tilespmem:v6+s17+$0x0], $0xffff  }
0x22f: {  	v55 =	vld.idx.msk [tilespmem:v6+s18+$0x0], $0xffff;
	(v2sf) =	vpush v58, $0x0  }
0x230: {  	v56 =	vld.idx.msk [tilespmem:v6+s19+$0x0], $0xffff;
	v33 =	vmax.f32 v33, v24  }
0x231: {  	v57 =	vld.idx.msk [tilespmem:v6+s26+$0x0], $0xffff;
	v39 =	vmax.f32 v39, v26;
	[tilespmem:v22+s16+$0x0] =	vst.idx.msk vm3, v33  }
0x232: {  	v33 =	vsub.f32 v23, v29;
	v23 =	vmax.f32 v40, v27;
	[tilespmem:v22+s17+$0x0] =	vst.idx.msk vm3, v39  }
0x233: {  	[tilespmem:v22+s18+$0x0] =	vst.idx.msk vm3, v23;
	v23 =	vmax.f32 v41, v28  }
0x234: {  	[tilespmem:v22+s19+$0x0] =	vst.idx.msk vm3, v23;
	v23 =	vmax.f32 v42, v33  }
0x235: {  	[tilespmem:v22+s26+$0x0] =	vst.idx.msk vm3, v23;
	v23 =	vmax.f32 v43, v18  }
0x236: {  	[tilespmem:v17+s16+$0x0] =	vst.idx.msk vm2, v23;
	v23 =	vmax.f32 v44, v19  }
0x237: {  	v31 =	vsub.f32 v31, v34;
	[tilespmem:v17+s17+$0x0] =	vst.idx.msk vm2, v23;
	v23 =	vmax.f32 v45, v20  }
0x238: {  	[tilespmem:v17+s18+$0x0] =	vst.idx.msk vm2, v23;
	v23 =	vmax.f32 v46, v21  }
0x239: {  	[tilespmem:v17+s19+$0x0] =	vst.idx.msk vm2, v23;
	v23 =	vmax.f32 v47, v31  }
0x23a: {  	[tilespmem:v17+s26+$0x0] =	vst.idx.msk vm2, v23;
	v23 =	vmax.f32 v48, v12  }
0x23b: {  	[tilespmem:v11+s16+$0x0] =	vst.idx.msk vm1, v23;
	v23 =	vmax.f32 v49, v13  }
0x23c: {  	v29 =	vsub.f32 v35, v36;
	[tilespmem:v11+s17+$0x0] =	vst.idx.msk vm1, v23;
	v23 =	vmax.f32 v50, v14  }
0x23d: {  	[tilespmem:v11+s18+$0x0] =	vst.idx.msk vm1, v23;
	v23 =	vmax.f32 v51, v15  }
0x23e: {  	[tilespmem:v11+s19+$0x0] =	vst.idx.msk vm1, v23;
	v23 =	vmax.f32 v52, v29;
	s31 =	spop (v2sf)  }
0x23f: {  	[tilespmem:v11+s26+$0x0] =	vst.idx.msk vm1, v23;
	v23 =	vmax.f32 v53, v7;
	p0 =	slt.s32 s31, $0x1  }
.Ltmp29:
0x240: {  	v60 =	vmax.f32 v54, v8;
	[tilespmem:v6+s16+$0x0] =	vst.idx.msk vm0, v23;
	(pc) =	sbr.rel @p0 .LBB2_49-.Ltmp29, $4  }
0x241: {  	v61 =	vmax.f32 v55, v9;
	v23 =	vsub.f32 v37, v38;
	[tilespmem:v6+s17+$0x0] =	vst.idx.msk vm0, v60  }
0x242: {  	v62 =	vmax.f32 v56, v10;
	[tilespmem:v6+s18+$0x0] =	vst.idx.msk vm0, v61  }
0x243: {  	v63 =	vmax.f32 v57, v23;
	[tilespmem:v6+s19+$0x0] =	vst.idx.msk vm0, v62  }
0x244: {  	[tilespmem:v6+s26+$0x0] =	vst.idx.msk vm0, v63  }
0x245: {  	v34 =	vsel vm3, $0x0, v5  }
0x246: {  	(xrf0) =	vmax.scan.msk.f32 $0xffff, v34;
	_ =	sdelay $0x5  }
0x247: {  	v34, _, _ =	vpop (xrf0)  }
0x248: {  	(v2sf) =	vpush v34, $0xF;
	_ =	sdelay $0xe  }
0x249: {  	s1 =	spop (v2sf)  }
0x24a: {  	p0 =	sgt.f32 s1, $0.0e+00  }
.Ltmp30:
0x24b: {  	_ = 	snop;
	(pc) =	sbr.rel @!p0 .LBB2_40-.Ltmp30, $1  }
0x24c: {  	_ =	sdelay $0x3  }
0x24d: {  	vm3 =	vne.s32 v32, v0  }
.LBB2_39:
0x24e: {  	[tilespmem:v22+s25+$0x0] =	vst.idx.msk vm3, v0  }
0x24f: {  	v32 =	vld.idx.msk [tilespmem:v22+s25+$0x0], $0xffff;
	_ =	sdelay $0x4  }
0x250: {  	vm4 =	veq.s32 v32, v0  }
0x251: {  	v63 =	vld.idx.msk [tilespmem:v22+s16+$0x0], $0xffff;
	vm4 =	vmand vm3, vm4;
	_ =	sdelay $0x3  }
0x252: {  	vm3 =	vmxor vm3, vm4  }
0x253: {  	v32 =	vmax.f32 v63, v24;
	v34 =	vsel vm3, $0x3F800000, v1  }
0x254: {  	(xrf0) =	vmax.scan.msk.f32 $0xffff, v34;
	[tilespmem:v22+s16+$0x0] =	vst.idx.msk vm4, v32  }
0x255: {  	v32 =	vld.idx.msk [tilespmem:v22+s17+$0x0], $0xffff;
	_ =	sdelay $0x4  }
0x256: {  	v34, _, _ =	vpop (xrf0);
	v32 =	vmax.f32 v32, v26  }
0x257: {  	(v2sf) =	vpush v34, $0xF;
	[tilespmem:v22+s17+$0x0] =	vst.idx.msk vm4, v32  }
0x258: {  	v32 =	vld.idx.msk [tilespmem:v22+s18+$0x0], $0xffff;
	_ =	sdelay $0x4  }
0x259: {  	v32 =	vmax.f32 v32, v27  }
0x25a: {  	[tilespmem:v22+s18+$0x0] =	vst.idx.msk vm4, v32  }
0x25b: {  	v32 =	vld.idx.msk [tilespmem:v22+s19+$0x0], $0xffff;
	_ =	sdelay $0x4  }
0x25c: {  	v32 =	vmax.f32 v32, v28  }
0x25d: {  	[tilespmem:v22+s19+$0x0] =	vst.idx.msk vm4, v32  }
0x25e: {  	s1 =	spop (v2sf);
	v32 =	vld.idx.msk [tilespmem:v22+s26+$0x0], $0xffff  }
0x25f: {  	p0 =	sgt.f32 s1, $0.0e+00  }
.Ltmp31:
0x260: {  	_ = 	snop;
	(pc) =	sbr.rel @p0 .LBB2_39-.Ltmp31, $3  }
0x261: {  	_ =	sdelay $0x1  }
0x262: {  	v32 =	vmax.f32 v32, v33  }
0x263: {  	[tilespmem:v22+s26+$0x0] =	vst.idx.msk vm4, v32  }
.LBB2_40:
0x264: {  	v22 =	vsel vm2, $0x0, v5  }
0x265: {  	(xrf0) =	vmax.scan.msk.f32 $0xffff, v22;
	_ =	sdelay $0x5  }
0x266: {  	v22, _, _ =	vpop (xrf0)  }
0x267: {  	(v2sf) =	vpush v22, $0xF;
	_ =	sdelay $0xe  }
0x268: {  	s1 =	spop (v2sf)  }
0x269: {  	p0 =	sgt.f32 s1, $0.0e+00  }
.Ltmp32:
0x26a: {  	_ = 	snop;
	(pc) =	sbr.rel @!p0 .LBB2_43-.Ltmp32, $1  }
0x26b: {  	_ =	sdelay $0x3  }
0x26c: {  	vm2 =	vne.s32 v30, v2  }
.LBB2_42:
0x26d: {  	[tilespmem:v17+s25+$0x0] =	vst.idx.msk vm2, v0  }
0x26e: {  	v22 =	vld.idx.msk [tilespmem:v17+s25+$0x0], $0xffff;
	_ =	sdelay $0x4  }
0x26f: {  	vm3 =	veq.s32 v22, v0  }
0x270: {  	v22 =	vld.idx.msk [tilespmem:v17+s16+$0x0], $0xffff;
	vm3 =	vmand vm2, vm3;
	_ =	sdelay $0x3  }
0x271: {  	vm2 =	vmxor vm2, vm3  }
0x272: {  	v24 =	vsel vm2, $0x3F800000, v1;
	v22 =	vmax.f32 v22, v18  }
0x273: {  	(xrf0) =	vmax.scan.msk.f32 $0xffff, v24;
	[tilespmem:v17+s16+$0x0] =	vst.idx.msk vm3, v22  }
0x274: {  	v22 =	vld.idx.msk [tilespmem:v17+s17+$0x0], $0xffff;
	_ =	sdelay $0x4  }
0x275: {  	v24, _, _ =	vpop (xrf0);
	v22 =	vmax.f32 v22, v19  }
0x276: {  	(v2sf) =	vpush v24, $0xF;
	[tilespmem:v17+s17+$0x0] =	vst.idx.msk vm3, v22  }
0x277: {  	v22 =	vld.idx.msk [tilespmem:v17+s18+$0x0], $0xffff;
	_ =	sdelay $0x4  }
0x278: {  	v22 =	vmax.f32 v22, v20  }
0x279: {  	[tilespmem:v17+s18+$0x0] =	vst.idx.msk vm3, v22  }
0x27a: {  	v22 =	vld.idx.msk [tilespmem:v17+s19+$0x0], $0xffff;
	_ =	sdelay $0x4  }
0x27b: {  	v22 =	vmax.f32 v22, v21  }
0x27c: {  	[tilespmem:v17+s19+$0x0] =	vst.idx.msk vm3, v22  }
0x27d: {  	s1 =	spop (v2sf);
	v22 =	vld.idx.msk [tilespmem:v17+s26+$0x0], $0xffff  }
0x27e: {  	p0 =	sgt.f32 s1, $0.0e+00  }
.Ltmp33:
0x27f: {  	_ = 	snop;
	(pc) =	sbr.rel @p0 .LBB2_42-.Ltmp33, $3  }
0x280: {  	_ =	sdelay $0x1  }
0x281: {  	v22 =	vmax.f32 v22, v31  }
0x282: {  	[tilespmem:v17+s26+$0x0] =	vst.idx.msk vm3, v22  }
.LBB2_43:
0x283: {  	v17 =	vsel vm1, $0x0, v5  }
0x284: {  	(xrf0) =	vmax.scan.msk.f32 $0xffff, v17;
	_ =	sdelay $0x5  }
0x285: {  	v17, _, _ =	vpop (xrf0)  }
0x286: {  	(v2sf) =	vpush v17, $0xF;
	_ =	sdelay $0xe  }
0x287: {  	s1 =	spop (v2sf)  }
0x288: {  	p0 =	sgt.f32 s1, $0.0e+00  }
.Ltmp34:
0x289: {  	_ = 	snop;
	(pc) =	sbr.rel @!p0 .LBB2_46-.Ltmp34, $1  }
0x28a: {  	_ =	sdelay $0x3  }
0x28b: {  	vm1 =	vne.s32 v25, v3  }
.LBB2_45:
0x28c: {  	[tilespmem:v11+s25+$0x0] =	vst.idx.msk vm1, v0  }
0x28d: {  	v17 =	vld.idx.msk [tilespmem:v11+s25+$0x0], $0xffff;
	_ =	sdelay $0x4  }
0x28e: {  	vm2 =	veq.s32 v17, v0  }
0x28f: {  	v17 =	vld.idx.msk [tilespmem:v11+s16+$0x0], $0xffff;
	vm2 =	vmand vm1, vm2;
	_ =	sdelay $0x3  }
0x290: {  	vm1 =	vmxor vm1, vm2  }
0x291: {  	v18 =	vsel vm1, $0x3F800000, v1;
	v17 =	vmax.f32 v17, v12  }
0x292: {  	(xrf0) =	vmax.scan.msk.f32 $0xffff, v18;
	[tilespmem:v11+s16+$0x0] =	vst.idx.msk vm2, v17  }
0x293: {  	v17 =	vld.idx.msk [tilespmem:v11+s17+$0x0], $0xffff;
	_ =	sdelay $0x4  }
0x294: {  	v18, _, _ =	vpop (xrf0);
	v17 =	vmax.f32 v17, v13  }
0x295: {  	(v2sf) =	vpush v18, $0xF;
	[tilespmem:v11+s17+$0x0] =	vst.idx.msk vm2, v17  }
0x296: {  	v17 =	vld.idx.msk [tilespmem:v11+s18+$0x0], $0xffff;
	_ =	sdelay $0x4  }
0x297: {  	v17 =	vmax.f32 v17, v14  }
0x298: {  	[tilespmem:v11+s18+$0x0] =	vst.idx.msk vm2, v17  }
0x299: {  	v17 =	vld.idx.msk [tilespmem:v11+s19+$0x0], $0xffff;
	_ =	sdelay $0x4  }
0x29a: {  	v17 =	vmax.f32 v17, v15  }
0x29b: {  	[tilespmem:v11+s19+$0x0] =	vst.idx.msk vm2, v17  }
0x29c: {  	s1 =	spop (v2sf);
	v17 =	vld.idx.msk [tilespmem:v11+s26+$0x0], $0xffff  }
0x29d: {  	p0 =	sgt.f32 s1, $0.0e+00  }
.Ltmp35:
0x29e: {  	_ = 	snop;
	(pc) =	sbr.rel @p0 .LBB2_45-.Ltmp35, $3  }
0x29f: {  	_ =	sdelay $0x1  }
0x2a0: {  	v17 =	vmax.f32 v17, v29  }
0x2a1: {  	[tilespmem:v11+s26+$0x0] =	vst.idx.msk vm2, v17  }
.LBB2_46:
0x2a2: {  	v11 =	vsel vm0, $0x0, v5  }
0x2a3: {  	(xrf0) =	vmax.scan.msk.f32 $0xffff, v11;
	_ =	sdelay $0x5  }
0x2a4: {  	v11, _, _ =	vpop (xrf0)  }
0x2a5: {  	(v2sf) =	vpush v11, $0xF;
	_ =	sdelay $0xe  }
0x2a6: {  	s1 =	spop (v2sf)  }
0x2a7: {  	p0 =	sgt.f32 s1, $0.0e+00  }
.Ltmp36:
0x2a8: {  	_ = 	snop;
	(pc) =	sbr.rel @!p0 .LBB2_49-.Ltmp36, $1  }
0x2a9: {  	_ =	sdelay $0x3  }
0x2aa: {  	vm0 =	vne.s32 v16, v4  }
.LBB2_48:
0x2ab: {  	[tilespmem:v6+s25+$0x0] =	vst.idx.msk vm0, v0  }
0x2ac: {  	v11 =	vld.idx.msk [tilespmem:v6+s25+$0x0], $0xffff;
	_ =	sdelay $0x4  }
0x2ad: {  	vm1 =	veq.s32 v11, v0  }
0x2ae: {  	v11 =	vld.idx.msk [tilespmem:v6+s16+$0x0], $0xffff;
	vm1 =	vmand vm0, vm1;
	_ =	sdelay $0x3  }
0x2af: {  	vm0 =	vmxor vm0, vm1  }
0x2b0: {  	v12 =	vsel vm0, $0x3F800000, v1;
	v11 =	vmax.f32 v11, v7  }
0x2b1: {  	(xrf0) =	vmax.scan.msk.f32 $0xffff, v12;
	[tilespmem:v6+s16+$0x0] =	vst.idx.msk vm1, v11  }
0x2b2: {  	v11 =	vld.idx.msk [tilespmem:v6+s17+$0x0], $0xffff;
	_ =	sdelay $0x4  }
0x2b3: {  	v12, _, _ =	vpop (xrf0);
	v11 =	vmax.f32 v11, v8  }
0x2b4: {  	(v2sf) =	vpush v12, $0xF;
	[tilespmem:v6+s17+$0x0] =	vst.idx.msk vm1, v11  }
0x2b5: {  	v11 =	vld.idx.msk [tilespmem:v6+s18+$0x0], $0xffff;
	_ =	sdelay $0x4  }
0x2b6: {  	v11 =	vmax.f32 v11, v9  }
0x2b7: {  	[tilespmem:v6+s18+$0x0] =	vst.idx.msk vm1, v11  }
0x2b8: {  	v11 =	vld.idx.msk [tilespmem:v6+s19+$0x0], $0xffff;
	_ =	sdelay $0x4  }
0x2b9: {  	v11 =	vmax.f32 v11, v10  }
0x2ba: {  	[tilespmem:v6+s19+$0x0] =	vst.idx.msk vm1, v11  }
0x2bb: {  	s1 =	spop (v2sf);
	v11 =	vld.idx.msk [tilespmem:v6+s26+$0x0], $0xffff  }
0x2bc: {  	p0 =	sgt.f32 s1, $0.0e+00  }
.Ltmp37:
0x2bd: {  	_ = 	snop;
	(pc) =	sbr.rel @p0 .LBB2_48-.Ltmp37, $3  }
0x2be: {  	_ =	sdelay $0x1  }
0x2bf: {  	v11 =	vmax.f32 v11, v23  }
0x2c0: {  	[tilespmem:v6+s26+$0x0] =	vst.idx.msk vm1, v11  }
.Ltmp38:
0x2c1: {  	_ = 	snop;
	(pc) =	sbr.rel .LBB2_49-.Ltmp38, $1  }
0x2c2: {  	_ =	sdelay $0x3  }
.LBB2_50:
0x2c3: {  	s0 =	simm.s32 $0x0  }
0x2c4: {  	v9 =	vld [tilespmem:s0+$0xC350]  }
0x2c5: {  	v8 =	vld [tilespmem:s0+$0xEA60]  }
0x2c6: {  	v7 =	vld [tilespmem:s0+$0x11170]  }
0x2c7: {  	s1 =	simm.s32 $0x40;
	v6 =	vld [tilespmem:s0+$0x13880]  }
.LBB2_51:
0x2c8: {  	p0 =	sne.s32 s1, $0x9C00;
	v10 =	vld [tilespmem:s0+$0x15F90]  }
0x2c9: {  	v11 =	vmul.f32 $9.999999770e-03, v9  }
0x2ca: {  	vm0 =	vge.f32 v9, $0.0e+00;
	v12 =	vmul.f32 $9.999999770e-03, v8  }
0x2cb: {  	v9 =	vsel vm0, v9, v11;
	vm0 =	vge.f32 v8, $0.0e+00;
	v11 =	vmul.f32 $9.999999770e-03, v7  }
.Ltmp39:
0x2cc: {  	s5 =	sshra.s32 s1, $0x2;
	[tilespmem:s0+$0xC350] =	vst v9;
	v8 =	vsel vm0, v8, v12;
	vm0 =	vge.f32 v7, $0.0e+00;
	v12 =	vmul.f32 $9.999999770e-03, v6;
	(pc) =	sbr.rel @p0 .LBB2_51-.Ltmp39, $4  }
0x2cd: {  	v9 =	vld [tilespmem:s5+$0xC350];
	[tilespmem:s0+$0xEA60] =	vst v8;
	v7 =	vsel vm0, v7, v11;
	vm0 =	vge.f32 v6, $0.0e+00;
	v11 =	vmul.f32 $9.999999770e-03, v10  }
0x2ce: {  	v8 =	vld [tilespmem:s5+$0xEA60];
	[tilespmem:s0+$0x11170] =	vst v7;
	v6 =	vsel vm0, v6, v12;
	vm0 =	vge.f32 v10, $0.0e+00  }
0x2cf: {  	v7 =	vld [tilespmem:s5+$0x11170];
	[tilespmem:s0+$0x13880] =	vst v6;
	v10 =	vsel vm0, v10, v11  }
0x2d0: {  	s1 =	sadd.s32 $0x40, s1;
	v6 =	vld [tilespmem:s5+$0x13880];
	[tilespmem:s0+$0x15F90] =	vst v10;
	s0 =	smov.u32 s5  }
0x2d1: {  	v10 =	vld [tilespmem:s0+$0x15F90]  }
0x2d2: {  	v11 =	vmul.f32 $9.999999770e-03, v9  }
0x2d3: {  	vm0 =	vge.f32 v9, $0.0e+00;
	v12 =	vmul.f32 $9.999999770e-03, v8  }
0x2d4: {  	vm12 =	vge.f32 v8, $0.0e+00;
	v9 =	vsel vm0, v9, v11;
	v61 =	vmul.f32 $9.999999770e-03, v7  }
0x2d5: {  	vm13 =	vge.f32 v7, $0.0e+00;
	[tilespmem:s0+$0xC350] =	vst v9;
	v8 =	vsel vm12, v8, v12;
	v62 =	vmul.f32 $9.999999770e-03, v6  }
0x2d6: {  	vm14 =	vge.f32 v6, $0.0e+00;
	[tilespmem:s0+$0xEA60] =	vst v8;
	v7 =	vsel vm13, v7, v61;
	v63 =	vmul.f32 $9.999999770e-03, v10  }
0x2d7: {  	vm15 =	vge.f32 v10, $0.0e+00;
	[tilespmem:s0+$0x11170] =	vst v7;
	v6 =	vsel vm14, v6, v62  }
0x2d8: {  	[tilespmem:s0+$0x13880] =	vst v6;
	v6 =	vsel vm15, v10, v63  }
0x2d9: {  	[tilespmem:s0+$0x15F90] =	vst v6  }
0x2da: {  	[hbm4b:s9+s3] =	stream.linear.scatter [tilespmem:s16], [sflag:$0x3], $0x2710, $0x38;
	[tilespmem:$0x1D5B0] =	vst v63  }
0x2db: {  	_ =	swait.ge [sflag:s15], $0x2710  }
0x2dc: {  	[sflag:s15] =	ssyncset.done $0x0  }
0x2dd: {  	[sflag:s15] =	ssyncadd.s32 $0xFFFFD8F0  }
0x2de: {  	[hbm4b:s10+s3] =	stream.linear.scatter [tilespmem:s17], [sflag:$0x3], $0x2710, $0x38;
	[tilespmem:$0x1D5B0] =	vst v63  }
0x2df: {  	_ =	swait.ge [sflag:s15], $0x2710  }
0x2e0: {  	[sflag:s15] =	ssyncset.done $0x0  }
0x2e1: {  	[sflag:s15] =	ssyncadd.s32 $0xFFFFD8F0  }
0x2e2: {  	[hbm4b:s11+s3] =	stream.linear.scatter [tilespmem:s18], [sflag:$0x3], $0x2710, $0x38;
	[tilespmem:$0x1D5B0] =	vst v63  }
0x2e3: {  	_ =	swait.ge [sflag:s15], $0x2710  }
0x2e4: {  	[sflag:s15] =	ssyncset.done $0x0  }
0x2e5: {  	[sflag:s15] =	ssyncadd.s32 $0xFFFFD8F0  }
0x2e6: {  	[hbm4b:s12+s3] =	stream.linear.scatter [tilespmem:s19], [sflag:$0x3], $0x2710, $0x38;
	[tilespmem:$0x1D5B0] =	vst v63  }
0x2e7: {  	s29 =	sadd.s32 $0x1, s29;
	_ =	swait.ge [sflag:s15], $0x2710  }
0x2e8: {  	p0 =	sne.s32 s29, s14;
	[sflag:s15] =	ssyncset.done $0x0  }
.Ltmp40:
0x2e9: {  	[sflag:s15] =	ssyncadd.s32 $0xFFFFD8F0;
	(pc) =	sbr.rel @p0 .LBB2_1-.Ltmp40, $4  }
0x2ea: {  	[hbm4b:s13+s3] =	stream.linear.scatter [tilespmem:s26], [sflag:$0x3], $0x2710, $0x38;
	[tilespmem:$0x1D5B0] =	vst v63  }
0x2eb: {  	_ =	swait.ge [sflag:s15], $0x2710  }
0x2ec: {  	[sflag:s15] =	ssyncset.done $0x0  }
0x2ed: {  	[sflag:s15] =	ssyncadd.s32 $0xFFFFD8F0  }
0x2ee: {  	_ =	sfence.sel $0x180000  }
0x2ef: {  	[bflag:$0x0] =	sbarrier.arrive $0xFFFF  }
0x2f0: {  	_ =	strace $0x90000047  }
0x2f1: {  	s0 =	stileid.u32;
	[bflag:$0x2] =	sbarrier.arrive $0xFFFF  }
0x2f2: {  	p0 =	sne.s32 s0, $0x0;
	s0 =	rddreg [dreg:$0x2]  }
0x2f3: {  	s0 =	sadd.s32 @!p0 $0x100000, s0  }
0x2f4: {  	[sflag:s0] =	ssyncadd.tile.s32 @!p0 $0x1;
	_ =	shalt  }
.Lfunc_end2:
_tile_overlayer_lowered:
.L_overlay_start_2:
0x2f5: {  	(tag) =	ssettag $0x2  }
0x2f6: {  	s0 =	rddreg [dreg:$0x0];
	s2 =	stileid.u32  }
0x2f7: {  	s1 =	rddreg [dreg:$0x1];
	p0 =	sne.s32 s2, $0x0  }
0x2f8: {  	s3 =	rddreg [dreg:$0x2];
	[bflag:$0x3] =	sbarrier.arrive $0xFFFF;
	s2 =	simm.s32 @!p0 $0x1C03  }
0x2f9: {  	[timem:s3], [sflag:s2] =	dma.local @!p0 [hbm:s0], s1  }
0x2fa: {  	s0 =	simm.s32 @!p0 $0x3  }
0x2fb: {  	_ =	swait.ge @!p0 [sflag:s0], s1  }
0x2fc: {  	s1 =	ssub.s32 @!p0 $0x0, s1;
	[sflag:s0] =	ssyncset.done @!p0 $0x0  }
0x2fd: {  	[sflag:s0] =	ssyncadd.s32 @!p0 s1  }
0x2fe: {  	[bflag:$0x3] =	sbarrier.arrive $0xFFFF  }
0x2ff: {  	_ =	shalt  }

</sc_bundles>
